<compile_context>
chip_gen: v7x
topology: tpu7x:2x2x1
jax: 0.10.2.dev20260603
libtpu: 0.0.44.dev20260713+nightly
codegen_flags: <defaults>
</compile_context>

<pallas_src>
import functools

import jax
import jax.numpy as jnp
from jax import lax
from jax.experimental import pallas as pl
from jax.experimental.pallas import tpu as pltpu
from jax.experimental.pallas import tpu_sc as plsc

NB = 2
NN = 10000
KK = 16
CI = 128
CO = 128
RR = NB * NN
EPS = 1e-5

NC = 2
NS = 16
NW = NC * NS
RPW = RR // NW
CHUNK = 5
GROWS = CHUNK * KK
NCHUNK = (RPW + CHUNK - 1) // CHUNK
NIDX = NCHUNK * GROWS
SPARE = NS * RPW
LANES = 16
ZCOPY = 80
RBROWS = GROWS
NRB = (RPW + RBROWS - 1) // RBROWS

MM_BLK = 1000
MM_GRID = RR // MM_BLK



def _mm_body(x_ref, w_ref, o_ref):
    o_ref[...] = lax.dot_general(
        x_ref[...], w_ref[...],
        (((1,), (1,)), ((), ())),
        preferred_element_type=jnp.float32)


def _matmul(x2d, w):
    return pl.pallas_call(
        _mm_body,
        grid=(MM_GRID,),
        in_specs=[
            pl.BlockSpec((MM_BLK, CI), lambda i: (i, 0)),
            pl.BlockSpec((CO, CI), lambda i: (0, 0)),
        ],
        out_specs=pl.BlockSpec((MM_BLK, CO), lambda i: (i, 0)),
        out_shape=jax.ShapeDtypeStruct((RR, CO), jnp.float32),
    )(x2d, w)



ZROWS = 640


def _gm_body(h_hbm, knn_hbm, out_hbm, stats_hbm,
             acc_sh, idx_v, dstidx, ridx, ridx2, gbuf0, gbuf1,
             ssum_v, ssq_v, gsem0, gsem1, ssem0, ssem1, osem):
    cid = lax.axis_index("c")
    sid = lax.axis_index("s")
    wid = cid * NS + sid
    base = wid * RPW
    sbase = sid * RPW

    pltpu.sync_copy(knn_hbm.at[pl.ds(base * KK, RPW * KK)],
                    idx_v.at[pl.ds(0, RPW * KK)])
    zeroi = jnp.zeros((LANES,), jnp.int32)
    for i in range((NIDX - RPW * KK) // LANES):
        idx_v[pl.ds(RPW * KK + i * LANES, LANES)] = zeroi

    zerof = jnp.zeros((LANES,), jnp.float32)

    def _zg_body(j, _):
        for r in range(CO // LANES):
            gbuf0[j, pl.ds(r * LANES, LANES)] = zerof
        return 0
    lax.fori_loop(0, ZCOPY, _zg_body, 0)
    nfull = lax.select(sid < NS - 1, ZROWS // ZCOPY,
                       (NS * RPW - (NS - 1) * ZROWS) // ZCOPY)

    def _z_body(q, _):
        pltpu.async_copy(gbuf0.at[pl.ds(0, ZCOPY)],
                         acc_sh.at[pl.ds(sid * ZROWS + q * ZCOPY, ZCOPY)],
                         osem)
        return 0
    lax.fori_loop(0, nfull, _z_body, 0)

    for r in range(CO // LANES):
        ssum_v[pl.ds(r * LANES, LANES)] = zerof
        ssq_v[pl.ds(r * LANES, LANES)] = zerof

    off = jnp.full((LANES,), cid * NN, dtype=jnp.int32)

    def _off_body(i, _):
        sl = pl.ds(i * LANES, LANES)
        idx_v[sl] = idx_v[sl] + off
        return 0
    lax.fori_loop(0, NIDX // LANES, _off_body, 0)

    def _di_body(g, _):
        for d in range(CHUNK):
            row = g * CHUNK + d
            val = lax.select(row <= RPW - 1, sbase + row, SPARE)
            dstidx[g, pl.ds(d * LANES, LANES)] = jnp.full(
                (LANES,), val, jnp.int32)
        return 0
    lax.fori_loop(0, NCHUNK, _di_body, 0)

    lane = lax.iota(jnp.int32, LANES)

    def _ri_body(i, _):
        ridx[pl.ds(i * LANES, LANES)] = sbase + jnp.minimum(
            i * LANES + lane, RPW - 1)
        return 0
    lax.fori_loop(0, NRB * RBROWS // LANES, _ri_body, 0)

    def _r2_body(q, _):
        for t in range(RBROWS // LANES):
            ridx2[q, pl.ds(t * LANES, LANES)] = base + jnp.minimum(
                q * RBROWS + t * LANES + lane, RPW - 1)
        return 0
    lax.fori_loop(0, NRB, _r2_body, 0)

    def _zw_body(q, _):
        pltpu.make_async_copy(
            gbuf0.at[pl.ds(0, ZCOPY)],
            acc_sh.at[pl.ds(sid * ZROWS + q * ZCOPY, ZCOPY)], osem).wait()
        return 0
    lax.fori_loop(0, nfull, _zw_body, 0)
    plsc.subcore_barrier()

    def _gather(g, buf, sem):
        return pltpu.make_async_copy(
            h_hbm.at[idx_v.at[pl.ds(g * GROWS, GROWS)]], buf, sem)

    def _scat_start(g, buf, sem):
        pltpu.async_copy(buf, acc_sh.at[dstidx.at[g]], sem, add=True)

    def _scat_wait(g, buf, sem):
        pltpu.make_async_copy(buf, acc_sh.at[dstidx.at[g]], sem).wait()

    slots = ((gbuf0, gsem0, ssem0), (gbuf1, gsem1, ssem1))
    _gather(0, gbuf0, gsem0).start()
    _gather(1, gbuf1, gsem1).start()

    def _body(i, _):
        for s, (gb, gs, ss) in enumerate(slots):
            g = 2 * i + s
            _gather(g, gb, gs).wait()
            _scat_start(g, gb, ss)
            _scat_wait(g, gb, ss)

            @pl.when(g + 2 < NCHUNK)
            def _():
                _gather(g + 2, gb, gs).start()
        return 0

    lax.fori_loop(0, (NCHUNK - 1) // 2, _body, 0)

    g_last = NCHUNK - 1
    _gather(g_last, gbuf0, gsem0).wait()
    _scat_start(g_last, gbuf0, ssem0)
    _scat_wait(g_last, gbuf0, ssem0)

    def _rb(q, buf, sem):
        return pltpu.make_async_copy(
            acc_sh.at[ridx.at[pl.ds(q * RBROWS, RBROWS)]], buf, sem)

    def _oscat(q, buf):
        return pltpu.make_async_copy(buf, out_hbm.at[ridx2.at[q]], osem)

    _rb(0, gbuf0, gsem0).start()
    _rb(1, gbuf1, gsem1).start()
    for q in range(NRB):
        gb, gs, _ = slots[q % 2]
        _rb(q, gb, gs).wait()
        _oscat(q, gb).start()
        nrows = RBROWS if (q + 1) * RBROWS <= RPW else RPW - q * RBROWS

        def _srow(j, _):
            for r in range(CO // LANES):
                sl = pl.ds(r * LANES, LANES)
                a = gb[j, sl]
                plsc.addupdate(ssum_v.at[sl], a)
                plsc.addupdate(ssq_v.at[sl], a * a)
            return 0
        lax.fori_loop(0, nrows, _srow, 0)
        _oscat(q, gb).wait()
        if q + 2 < NRB:
            _rb(q + 2, gb, gs).start()

    pltpu.sync_copy(ssum_v, stats_hbm.at[pl.ds(wid * CO, CO)])
    pltpu.sync_copy(ssq_v, stats_hbm.at[pl.ds((NW + wid) * CO, CO)])


@functools.lru_cache(maxsize=None)
def _make_gather_mean():
    mesh = plsc.VectorSubcoreMesh(
        core_axis_name="c", subcore_axis_name="s",
        num_cores=NC, num_subcores=NS)
    return pl.kernel(
        _gm_body,
        out_type=(
            jax.ShapeDtypeStruct((RR, CO), jnp.float32),
            jax.ShapeDtypeStruct((2 * NW * CO,), jnp.float32),
        ),
        mesh=mesh,
        scratch_types=[
            pltpu.VMEM_SHARED((NS * RPW + 8, CO), jnp.float32),
            pltpu.VMEM((NIDX,), jnp.int32),
            pltpu.VMEM((NCHUNK, GROWS), jnp.int32),
            pltpu.VMEM((NRB * RBROWS,), jnp.int32),
            pltpu.VMEM((NRB, RBROWS), jnp.int32),
            pltpu.VMEM((GROWS, CO), jnp.float32),
            pltpu.VMEM((GROWS, CO), jnp.float32),
            pltpu.VMEM((CO,), jnp.float32),
            pltpu.VMEM((CO,), jnp.float32),
            pltpu.SemaphoreType.DMA,
            pltpu.SemaphoreType.DMA,
            pltpu.SemaphoreType.DMA,
            pltpu.SemaphoreType.DMA,
            pltpu.SemaphoreType.DMA,
        ],
        compiler_params=pltpu.CompilerParams(use_tc_tiling_on_sc=False),
    )



def _bn_body(s_ref, st_ref, g_ref, b_ref, o_ref):
    st = st_ref[...]
    s1 = jnp.sum(st[:NW], axis=0, keepdims=True)
    s2 = jnp.sum(st[NW:], axis=0, keepdims=True)
    mean = s1 / RR
    var = s2 / RR - mean * mean
    alpha = g_ref[...] * lax.rsqrt(var + (KK * KK) * EPS)
    shift = b_ref[...] - mean * alpha
    o_ref[...] = s_ref[...] * alpha + shift


def _bn(sums, stats2d, gamma2d, beta2d):
    return pl.pallas_call(
        _bn_body,
        grid=(MM_GRID,),
        in_specs=[
            pl.BlockSpec((MM_BLK, CO), lambda i: (i, 0)),
            pl.BlockSpec((2 * NW, CO), lambda i: (0, 0)),
            pl.BlockSpec((1, CO), lambda i: (0, 0)),
            pl.BlockSpec((1, CO), lambda i: (0, 0)),
        ],
        out_specs=pl.BlockSpec((MM_BLK, CO), lambda i: (i, 0)),
        out_shape=jax.ShapeDtypeStruct((RR, CO), jnp.float32),
    )(sums, stats2d, gamma2d, beta2d)



@jax.jit
def kernel(x, knn, W, gamma, beta):
    h = _matmul(x.reshape(RR, CI), W)
    sums, stats = _make_gather_mean()(h, knn.reshape(RR * KK))
    out = _bn(sums, stats.reshape(2 * NW, CO),
              gamma.reshape(1, CO), beta.reshape(1, CO))
    return out.reshape(NB, NN, CO)

# --- scband reference (transcript-rebuilt; emitter-appended) ---
"""Pipeline reference for scband-vfr-83803401880152 (READ-ONLY COPY).

The authoritative reference and input builder live on the scoring server;
editing this copy changes nothing except your own understanding.
"""

import jax, jax.numpy as jnp
import numpy as np

B, N, K, C_IN, C_OUT = 2, 10000, 16, 128, 128
BN_EPS = 1e-5

def setup_inputs(seed: int = 0) -> dict:
    key = jax.random.key(seed)
    k1, k2, k3 = jax.random.split(key, 3)
    x = jax.random.normal(k1, (B, N, C_IN), dtype=jnp.float32)
    knn = jax.random.randint(k2, (B, N, K), 0, N, dtype=jnp.int32)
    # learned params: linear weight (out_dim, in_dim), BN gamma (init=1.0) and beta
    W = jax.random.normal(k3, (C_OUT, C_IN), dtype=jnp.float32) * 0.05
    gamma = jnp.ones((C_OUT,), dtype=jnp.float32)
    beta = jnp.zeros((C_OUT,), dtype=jnp.float32)
    return {"x": x, "knn": knn, "W": W, "gamma": gamma, "beta": beta}

def reference(x, knn, W, gamma, beta):
    # linear (bias=False): x @ W.T
    h = jnp.einsum('bnc,oc->bno', x, W)
    # vector_feature (training=True): mean over K gathered neighbor features
    gathered = jax.vmap(lambda hb, kb: jnp.take(hb, kb, axis=0))(h, knn)  # [B, N, K, C_OUT]
    agg = jnp.mean(gathered, axis=2)  # [B, N, C_OUT]
    # BatchNorm1d in training mode: batch stats over B*N rows (biased variance)
    flat = agg.reshape(B * N, -1)
    mean = jnp.mean(flat, axis=0)
    var = jnp.var(flat, axis=0)
    norm = (flat - mean) / jnp.sqrt(var + BN_EPS)
    out = norm * gamma + beta
    return out.reshape(B, N, -1)

if __name__ == "__main__":
    import jax
    _d = setup_inputs()
    print(jax.jit(kernel)(*tuple(_d.values())))

</pallas_src>

<mosaic_0001>
#map = affine_map<(d0, d1) -> (0, 0)>
#map1 = affine_map<(d0, d1) -> (0)>
module attributes {stable_mosaic.version = 14 : i64} {
  func.func @_gm_body(%arg0: i32, %arg1: i32, %arg2: memref<20000x128xf32, #tpu.memory_space<hbm>>, %arg3: memref<320000xi32, #tpu.memory_space<hbm>>, %arg4: memref<20000x128xf32, #tpu.memory_space<hbm>>, %arg5: memref<8192xf32, #tpu.memory_space<hbm>>, %arg6: memref<10008x128xf32, #tpu.memory_space<vmem_shared>>, %arg7: memref<10000xi32, #tpu.memory_space<vmem>>, %arg8: memref<125x80xi32, #tpu.memory_space<vmem>>, %arg9: memref<640xi32, #tpu.memory_space<vmem>>, %arg10: memref<8x80xi32, #tpu.memory_space<vmem>>, %arg11: memref<80x128xf32, #tpu.memory_space<vmem>>, %arg12: memref<80x128xf32, #tpu.memory_space<vmem>>, %arg13: memref<128xf32, #tpu.memory_space<vmem>>, %arg14: memref<128xf32, #tpu.memory_space<vmem>>, %arg15: memref<!tpu.dma_semaphore, #tpu.memory_space<semaphore_mem>>, %arg16: memref<!tpu.dma_semaphore, #tpu.memory_space<semaphore_mem>>, %arg17: memref<!tpu.dma_semaphore, #tpu.memory_space<semaphore_mem>>, %arg18: memref<!tpu.dma_semaphore, #tpu.memory_space<semaphore_mem>>, %arg19: memref<!tpu.dma_semaphore, #tpu.memory_space<semaphore_mem>>) attributes {dimension_semantics = [#tpu.dimension_semantics<core_parallel>, #tpu.dimension_semantics<subcore_parallel>], iteration_bounds = array<i64: 2, 16>, scalar_prefetch = 0 : i64, scratch_operands = 14 : i64, tpu.core_type = #tpu.core_type<sc_vector_subcore>, window_params = [{transform_indices = #map}, {transform_indices = #map1}, {transform_indices = #map}, {transform_indices = #map1}]} {
    %mul3A = arith.constant 16 : i32
    %mul3A_0 = arith.muli %arg0, %mul3A : i32
    %add3A = arith.addi %mul3A_0, %arg1 : i32
    %mul3A_1 = arith.constant 625 : i32
    %mul3A_2 = arith.muli %add3A, %mul3A_1 : i32
    %mul3A_3 = arith.constant 625 : i32
    %mul3A_4 = arith.muli %arg1, %mul3A_3 : i32
    %mul3A_5 = arith.constant 16 : i32
    %mul3A_6 = arith.muli %mul3A_2, %mul3A_5 : i32
    "tpu.region"() ({
      %run_scoped3A = tpu.sem_alloc : memref<!tpu.dma_semaphore, #tpu.memory_space<semaphore_mem>>
      %dma_start3A_424 = arith.constant 0 : i32
      %dma_start3A_425 = tpu.memref_slice %arg7[%dma_start3A_424] : memref<10000xi32, #tpu.memory_space<vmem>> -> memref<10000xi32, #tpu.memory_space<vmem>>
      %dma_start3A_426 = tpu.memref_slice %arg3[%mul3A_6] : memref<320000xi32, #tpu.memory_space<hbm>> -> memref<10000xi32, #tpu.memory_space<hbm>>
      %dma_start3A_427 = arith.constant 0 : i32
      %dma_start3A_428 = tpu.memref_slice %arg7[%dma_start3A_427] : memref<10000xi32, #tpu.memory_space<vmem>> -> memref<10000xi32, #tpu.memory_space<vmem>>
      %dma_start3A_429 = tpu.memref_slice %arg3[%mul3A_6] : memref<320000xi32, #tpu.memory_space<hbm>> -> memref<10000xi32, #tpu.memory_space<hbm>>
      tpu.enqueue_dma source(%dma_start3A_429 : memref<10000xi32, #tpu.memory_space<hbm>>) target(%dma_start3A_428 : memref<10000xi32, #tpu.memory_space<vmem>>) target_semaphore(%run_scoped3A : memref<!tpu.dma_semaphore, #tpu.memory_space<semaphore_mem>>)
      %dma_wait3A_430 = arith.constant 0 : i32
      %dma_wait3A_431 = tpu.memref_slice %arg7[%dma_wait3A_430] : memref<10000xi32, #tpu.memory_space<vmem>> -> memref<10000xi32, #tpu.memory_space<vmem>>
      %dma_wait3A_432 = tpu.memref_slice %arg3[%mul3A_6] : memref<320000xi32, #tpu.memory_space<hbm>> -> memref<10000xi32, #tpu.memory_space<hbm>>
      %dma_wait3A_433 = arith.constant 0 : i32
      %dma_wait3A_434 = tpu.memref_slice %arg7[%dma_wait3A_433] : memref<10000xi32, #tpu.memory_space<vmem>> -> memref<10000xi32, #tpu.memory_space<vmem>>
      %dma_wait3A_435 = tpu.memref_slice %arg3[%mul3A_6] : memref<320000xi32, #tpu.memory_space<hbm>> -> memref<10000xi32, #tpu.memory_space<hbm>>
      tpu.wait_dma2 semaphore(%run_scoped3A : memref<!tpu.dma_semaphore, #tpu.memory_space<semaphore_mem>>) src(%dma_wait3A_435 : memref<10000xi32, #tpu.memory_space<hbm>>) dst(%dma_wait3A_434 : memref<10000xi32, #tpu.memory_space<vmem>>)
      tpu.yield
    }) : () -> ()
    %broadcast_in_dim3A = arith.constant 0 : i32
    %broadcast_in_dim3A_7 = vector.broadcast %broadcast_in_dim3A : i32 to vector<16xi32>
    %broadcast_in_dim3A_8 = arith.constant 0.000000e+00 : f32
    %broadcast_in_dim3A_9 = vector.broadcast %broadcast_in_dim3A_8 : f32 to vector<16xf32>
    %scan3A = arith.constant 0 : i32
    %scan3A_10 = arith.constant 0 : i32
    %scan3A_11 = arith.constant 80 : i32
    %scan3A_12 = arith.addi %scan3A_10, %scan3A_11 : i32
    %scan3A_13 = arith.constant 1 : i32
    %scan3A_14 = scf.for %scan3A_424 = %scan3A_10 to %scan3A_12 step %scan3A_13 iter_args(%scan3A_425 = %scan3A) -> (i32)  : i32 {
      %swap3A_426 = arith.index_cast %scan3A_424 : i32 to index
      %swap3A_427 = arith.constant 0 : index
      %swap3A_428 = tpu.vector_load %arg11[%swap3A_426, %swap3A_427] {strides = array<i32>} : memref<80x128xf32, #tpu.memory_space<vmem>>, vector<1x16xf32>,
      %swap3A_429 = vector.shape_cast %swap3A_428 : vector<1x16xf32> to vector<16xf32>
      %swap3A_430 = vector.shape_cast %broadcast_in_dim3A_9 : vector<16xf32> to vector<1x16xf32>
      tpu.vector_store %arg11[%swap3A_426, %swap3A_427], %swap3A_430 {strides = array<i32>} : memref<80x128xf32, #tpu.memory_space<vmem>>, vector<1x16xf32>,
      %swap3A_431 = arith.index_cast %scan3A_424 : i32 to index
      %swap3A_432 = arith.constant 16 : index
      %swap3A_433 = tpu.vector_load %arg11[%swap3A_431, %swap3A_432] {strides = array<i32>} : memref<80x128xf32, #tpu.memory_space<vmem>>, vector<1x16xf32>,
      %swap3A_434 = vector.shape_cast %swap3A_433 : vector<1x16xf32> to vector<16xf32>
      %swap3A_435 = vector.shape_cast %broadcast_in_dim3A_9 : vector<16xf32> to vector<1x16xf32>
      tpu.vector_store %arg11[%swap3A_431, %swap3A_432], %swap3A_435 {strides = array<i32>} : memref<80x128xf32, #tpu.memory_space<vmem>>, vector<1x16xf32>,
      %swap3A_436 = arith.index_cast %scan3A_424 : i32 to index
      %swap3A_437 = arith.constant 32 : index
      %swap3A_438 = tpu.vector_load %arg11[%swap3A_436, %swap3A_437] {strides = array<i32>} : memref<80x128xf32, #tpu.memory_space<vmem>>, vector<1x16xf32>,
      %swap3A_439 = vector.shape_cast %swap3A_438 : vector<1x16xf32> to vector<16xf32>
      %swap3A_440 = vector.shape_cast %broadcast_in_dim3A_9 : vector<16xf32> to vector<1x16xf32>
      tpu.vector_store %arg11[%swap3A_436, %swap3A_437], %swap3A_440 {strides = array<i32>} : memref<80x128xf32, #tpu.memory_space<vmem>>, vector<1x16xf32>,
      %swap3A_441 = arith.index_cast %scan3A_424 : i32 to index
      %swap3A_442 = arith.constant 48 : index
      %swap3A_443 = tpu.vector_load %arg11[%swap3A_441, %swap3A_442] {strides = array<i32>} : memref<80x128xf32, #tpu.memory_space<vmem>>, vector<1x16xf32>,
      %swap3A_444 = vector.shape_cast %swap3A_443 : vector<1x16xf32> to vector<16xf32>
      %swap3A_445 = vector.shape_cast %broadcast_in_dim3A_9 : vector<16xf32> to vector<1x16xf32>
      tpu.vector_store %arg11[%swap3A_441, %swap3A_442], %swap3A_445 {strides = array<i32>} : memref<80x128xf32, #tpu.memory_space<vmem>>, vector<1x16xf32>,
      %swap3A_446 = arith.index_cast %scan3A_424 : i32 to index
      %swap3A_447 = arith.constant 64 : index
      %swap3A_448 = tpu.vector_load %arg11[%swap3A_446, %swap3A_447] {strides = array<i32>} : memref<80x128xf32, #tpu.memory_space<vmem>>, vector<1x16xf32>,
      %swap3A_449 = vector.shape_cast %swap3A_448 : vector<1x16xf32> to vector<16xf32>
      %swap3A_450 = vector.shape_cast %broadcast_in_dim3A_9 : vector<16xf32> to vector<1x16xf32>
      tpu.vector_store %arg11[%swap3A_446, %swap3A_447], %swap3A_450 {strides = array<i32>} : memref<80x128xf32, #tpu.memory_space<vmem>>, vector<1x16xf32>,
      %swap3A_451 = arith.index_cast %scan3A_424 : i32 to index
      %swap3A_452 = arith.constant 80 : index
      %swap3A_453 = tpu.vector_load %arg11[%swap3A_451, %swap3A_452] {strides = array<i32>} : memref<80x128xf32, #tpu.memory_space<vmem>>, vector<1x16xf32>,
      %swap3A_454 = vector.shape_cast %swap3A_453 : vector<1x16xf32> to vector<16xf32>
      %swap3A_455 = vector.shape_cast %broadcast_in_dim3A_9 : vector<16xf32> to vector<1x16xf32>
      tpu.vector_store %arg11[%swap3A_451, %swap3A_452], %swap3A_455 {strides = array<i32>} : memref<80x128xf32, #tpu.memory_space<vmem>>, vector<1x16xf32>,
      %swap3A_456 = arith.index_cast %scan3A_424 : i32 to index
      %swap3A_457 = arith.constant 96 : index
      %swap3A_458 = tpu.vector_load %arg11[%swap3A_456, %swap3A_457] {strides = array<i32>} : memref<80x128xf32, #tpu.memory_space<vmem>>, vector<1x16xf32>,
      %swap3A_459 = vector.shape_cast %swap3A_458 : vector<1x16xf32> to vector<16xf32>
      %swap3A_460 = vector.shape_cast %broadcast_in_dim3A_9 : vector<16xf32> to vector<1x16xf32>
      tpu.vector_store %arg11[%swap3A_456, %swap3A_457], %swap3A_460 {strides = array<i32>} : memref<80x128xf32, #tpu.memory_space<vmem>>, vector<1x16xf32>,
      %swap3A_461 = arith.index_cast %scan3A_424 : i32 to index
      %swap3A_462 = arith.constant 112 : index
      %swap3A_463 = tpu.vector_load %arg11[%swap3A_461, %swap3A_462] {strides = array<i32>} : memref<80x128xf32, #tpu.memory_space<vmem>>, vector<1x16xf32>,
      %swap3A_464 = vector.shape_cast %swap3A_463 : vector<1x16xf32> to vector<16xf32>
      %swap3A_465 = vector.shape_cast %broadcast_in_dim3A_9 : vector<16xf32> to vector<1x16xf32>
      tpu.vector_store %arg11[%swap3A_461, %swap3A_462], %swap3A_465 {strides = array<i32>} : memref<80x128xf32, #tpu.memory_space<vmem>>, vector<1x16xf32>,
      %scan3A_466 = arith.constant 0 : i32
      scf.yield %scan3A_466 : i32
    }
    %scan3A_15 = arith.constant 80 : i32
    %lt3A = arith.constant 15 : i32
    %lt3A_16 = arith.cmpi slt, %arg1, %lt3A : i32
    %select_n3A = arith.constant 5 : i32
    %select_n3A_17 = arith.constant 8 : i32
    %select_n3A_18 = arith.select %lt3A_16, %select_n3A_17, %select_n3A : i32
    %while3A = arith.constant 0 : i32
    %while3A_19 = arith.constant 0 : i32
    %while3A_20 = arith.subi %select_n3A_18, %while3A : i32
    %while3A_21 = arith.addi %while3A, %while3A_20 : i32
    %while3A_22 = arith.constant 1 : i32
    %while3A_23 = arith.divsi %while3A_20, %while3A_22 : i32
    %while3A_24 = arith.muli %while3A_23, %while3A_22 : i32
    %while3A_25 = arith.addi %while3A, %while3A_24 : i32
    %while3A_26 = arith.constant 1 : i32
    %while3A_27 = scf.for %while3A_424 = %while3A to %while3A_25 step %while3A_26 iter_args(%while3A_425 = %while3A_19) -> (i32)  : i32 {
      %mul3A_426 = arith.constant 640 : i32
      %mul3A_427 = arith.muli %arg1, %mul3A_426 : i32
      %mul3A_428 = arith.constant 80 : i32
      %mul3A_429 = arith.muli %while3A_424, %mul3A_428 : i32
      %add3A_430 = arith.addi %mul3A_427, %mul3A_429 : i32
      %dma_start3A_431 = arith.constant 0 : i32
      %dma_start3A_432 = arith.constant 0 : i32
      %dma_start3A_433 = tpu.memref_slice %arg11[%dma_start3A_431, %dma_start3A_432] : memref<80x128xf32, #tpu.memory_space<vmem>> -> memref<80x128xf32, #tpu.memory_space<vmem>>
      %dma_start3A_434 = arith.constant 0 : i32
      %dma_start3A_435 = tpu.memref_slice %arg6[%add3A_430, %dma_start3A_434] : memref<10008x128xf32, #tpu.memory_space<vmem_shared>> -> memref<80x128xf32, #tpu.memory_space<vmem_shared>>
      %dma_start3A_436 = arith.constant 0 : i32
      %dma_start3A_437 = tpu.memref_slice %arg6[%add3A_430, %dma_start3A_436] : memref<10008x128xf32, #tpu.memory_space<vmem_shared>> -> memref<80x128xf32, #tpu.memory_space<vmem_shared>>
      %dma_start3A_438 = arith.constant 0 : i32
      %dma_start3A_439 = arith.constant 0 : i32
      %dma_start3A_440 = tpu.memref_slice %arg11[%dma_start3A_438, %dma_start3A_439] : memref<80x128xf32, #tpu.memory_space<vmem>> -> memref<80x128xf32, #tpu.memory_space<vmem>>
      tpu.enqueue_dma source(%dma_start3A_440 : memref<80x128xf32, #tpu.memory_space<vmem>>) target(%dma_start3A_437 : memref<80x128xf32, #tpu.memory_space<vmem_shared>>) target_semaphore(%arg19 : memref<!tpu.dma_semaphore, #tpu.memory_space<semaphore_mem>>)
      %while3A_441 = arith.constant 0 : i32
      scf.yield %while3A_441 : i32
    }
    %while3A_28 = arith.constant 1 : i32
    %while3A_29 = scf.for %while3A_424 = %while3A_25 to %while3A_21 step %while3A_28 iter_args(%while3A_425 = %while3A_27) -> (i32)  : i32 {
      %mul3A_426 = arith.constant 640 : i32
      %mul3A_427 = arith.muli %arg1, %mul3A_426 : i32
      %mul3A_428 = arith.constant 80 : i32
      %mul3A_429 = arith.muli %while3A_424, %mul3A_428 : i32
      %add3A_430 = arith.addi %mul3A_427, %mul3A_429 : i32
      %dma_start3A_431 = arith.constant 0 : i32
      %dma_start3A_432 = arith.constant 0 : i32
      %dma_start3A_433 = tpu.memref_slice %arg11[%dma_start3A_431, %dma_start3A_432] : memref<80x128xf32, #tpu.memory_space<vmem>> -> memref<80x128xf32, #tpu.memory_space<vmem>>
      %dma_start3A_434 = arith.constant 0 : i32
      %dma_start3A_435 = tpu.memref_slice %arg6[%add3A_430, %dma_start3A_434] : memref<10008x128xf32, #tpu.memory_space<vmem_shared>> -> memref<80x128xf32, #tpu.memory_space<vmem_shared>>
      %dma_start3A_436 = arith.constant 0 : i32
      %dma_start3A_437 = tpu.memref_slice %arg6[%add3A_430, %dma_start3A_436] : memref<10008x128xf32, #tpu.memory_space<vmem_shared>> -> memref<80x128xf32, #tpu.memory_space<vmem_shared>>
      %dma_start3A_438 = arith.constant 0 : i32
      %dma_start3A_439 = arith.constant 0 : i32
      %dma_start3A_440 = tpu.memref_slice %arg11[%dma_start3A_438, %dma_start3A_439] : memref<80x128xf32, #tpu.memory_space<vmem>> -> memref<80x128xf32, #tpu.memory_space<vmem>>
      tpu.enqueue_dma source(%dma_start3A_440 : memref<80x128xf32, #tpu.memory_space<vmem>>) target(%dma_start3A_437 : memref<80x128xf32, #tpu.memory_space<vmem_shared>>) target_semaphore(%arg19 : memref<!tpu.dma_semaphore, #tpu.memory_space<semaphore_mem>>)
      %while3A_441 = arith.constant 0 : i32
      scf.yield %while3A_441 : i32
    }
    %swap3A = arith.constant 0 : index
    %swap3A_30 = tpu.vector_load %arg13[%swap3A] {strides = array<i32>} : memref<128xf32, #tpu.memory_space<vmem>>, vector<16xf32>,
    %swap3A_31 = vector.shape_cast %swap3A_30 : vector<16xf32> to vector<16xf32>
    %swap3A_32 = vector.shape_cast %broadcast_in_dim3A_9 : vector<16xf32> to vector<16xf32>
    tpu.vector_store %arg13[%swap3A], %swap3A_32 {strides = array<i32>} : memref<128xf32, #tpu.memory_space<vmem>>, vector<16xf32>,
    %swap3A_33 = arith.constant 0 : index
    %swap3A_34 = tpu.vector_load %arg14[%swap3A_33] {strides = array<i32>} : memref<128xf32, #tpu.memory_space<vmem>>, vector<16xf32>,
    %swap3A_35 = vector.shape_cast %swap3A_34 : vector<16xf32> to vector<16xf32>
    %swap3A_36 = vector.shape_cast %broadcast_in_dim3A_9 : vector<16xf32> to vector<16xf32>
    tpu.vector_store %arg14[%swap3A_33], %swap3A_36 {strides = array<i32>} : memref<128xf32, #tpu.memory_space<vmem>>, vector<16xf32>,
    %swap3A_37 = arith.constant 16 : index
    %swap3A_38 = tpu.vector_load %arg13[%swap3A_37] {strides = array<i32>} : memref<128xf32, #tpu.memory_space<vmem>>, vector<16xf32>,
    %swap3A_39 = vector.shape_cast %swap3A_38 : vector<16xf32> to vector<16xf32>
    %swap3A_40 = vector.shape_cast %broadcast_in_dim3A_9 : vector<16xf32> to vector<16xf32>
    tpu.vector_store %arg13[%swap3A_37], %swap3A_40 {strides = array<i32>} : memref<128xf32, #tpu.memory_space<vmem>>, vector<16xf32>,
    %swap3A_41 = arith.constant 16 : index
    %swap3A_42 = tpu.vector_load %arg14[%swap3A_41] {strides = array<i32>} : memref<128xf32, #tpu.memory_space<vmem>>, vector<16xf32>,
    %swap3A_43 = vector.shape_cast %swap3A_42 : vector<16xf32> to vector<16xf32>
    %swap3A_44 = vector.shape_cast %broadcast_in_dim3A_9 : vector<16xf32> to vector<16xf32>
    tpu.vector_store %arg14[%swap3A_41], %swap3A_44 {strides = array<i32>} : memref<128xf32, #tpu.memory_space<vmem>>, vector<16xf32>,
    %swap3A_45 = arith.constant 32 : index
    %swap3A_46 = tpu.vector_load %arg13[%swap3A_45] {strides = array<i32>} : memref<128xf32, #tpu.memory_space<vmem>>, vector<16xf32>,
    %swap3A_47 = vector.shape_cast %swap3A_46 : vector<16xf32> to vector<16xf32>
    %swap3A_48 = vector.shape_cast %broadcast_in_dim3A_9 : vector<16xf32> to vector<16xf32>
    tpu.vector_store %arg13[%swap3A_45], %swap3A_48 {strides = array<i32>} : memref<128xf32, #tpu.memory_space<vmem>>, vector<16xf32>,
    %swap3A_49 = arith.constant 32 : index
    %swap3A_50 = tpu.vector_load %arg14[%swap3A_49] {strides = array<i32>} : memref<128xf32, #tpu.memory_space<vmem>>, vector<16xf32>,
    %swap3A_51 = vector.shape_cast %swap3A_50 : vector<16xf32> to vector<16xf32>
    %swap3A_52 = vector.shape_cast %broadcast_in_dim3A_9 : vector<16xf32> to vector<16xf32>
    tpu.vector_store %arg14[%swap3A_49], %swap3A_52 {strides = array<i32>} : memref<128xf32, #tpu.memory_space<vmem>>, vector<16xf32>,
    %swap3A_53 = arith.constant 48 : index
    %swap3A_54 = tpu.vector_load %arg13[%swap3A_53] {strides = array<i32>} : memref<128xf32, #tpu.memory_space<vmem>>, vector<16xf32>,
    %swap3A_55 = vector.shape_cast %swap3A_54 : vector<16xf32> to vector<16xf32>
    %swap3A_56 = vector.shape_cast %broadcast_in_dim3A_9 : vector<16xf32> to vector<16xf32>
    tpu.vector_store %arg13[%swap3A_53], %swap3A_56 {strides = array<i32>} : memref<128xf32, #tpu.memory_space<vmem>>, vector<16xf32>,
    %swap3A_57 = arith.constant 48 : index
    %swap3A_58 = tpu.vector_load %arg14[%swap3A_57] {strides = array<i32>} : memref<128xf32, #tpu.memory_space<vmem>>, vector<16xf32>,
    %swap3A_59 = vector.shape_cast %swap3A_58 : vector<16xf32> to vector<16xf32>
    %swap3A_60 = vector.shape_cast %broadcast_in_dim3A_9 : vector<16xf32> to vector<16xf32>
    tpu.vector_store %arg14[%swap3A_57], %swap3A_60 {strides = array<i32>} : memref<128xf32, #tpu.memory_space<vmem>>, vector<16xf32>,
    %swap3A_61 = arith.constant 64 : index
    %swap3A_62 = tpu.vector_load %arg13[%swap3A_61] {strides = array<i32>} : memref<128xf32, #tpu.memory_space<vmem>>, vector<16xf32>,
    %swap3A_63 = vector.shape_cast %swap3A_62 : vector<16xf32> to vector<16xf32>
    %swap3A_64 = vector.shape_cast %broadcast_in_dim3A_9 : vector<16xf32> to vector<16xf32>
    tpu.vector_store %arg13[%swap3A_61], %swap3A_64 {strides = array<i32>} : memref<128xf32, #tpu.memory_space<vmem>>, vector<16xf32>,
    %swap3A_65 = arith.constant 64 : index
    %swap3A_66 = tpu.vector_load %arg14[%swap3A_65] {strides = array<i32>} : memref<128xf32, #tpu.memory_space<vmem>>, vector<16xf32>,
    %swap3A_67 = vector.shape_cast %swap3A_66 : vector<16xf32> to vector<16xf32>
    %swap3A_68 = vector.shape_cast %broadcast_in_dim3A_9 : vector<16xf32> to vector<16xf32>
    tpu.vector_store %arg14[%swap3A_65], %swap3A_68 {strides = array<i32>} : memref<128xf32, #tpu.memory_space<vmem>>, vector<16xf32>,
    %swap3A_69 = arith.constant 80 : index
    %swap3A_70 = tpu.vector_load %arg13[%swap3A_69] {strides = array<i32>} : memref<128xf32, #tpu.memory_space<vmem>>, vector<16xf32>,
    %swap3A_71 = vector.shape_cast %swap3A_70 : vector<16xf32> to vector<16xf32>
    %swap3A_72 = vector.shape_cast %broadcast_in_dim3A_9 : vector<16xf32> to vector<16xf32>
    tpu.vector_store %arg13[%swap3A_69], %swap3A_72 {strides = array<i32>} : memref<128xf32, #tpu.memory_space<vmem>>, vector<16xf32>,
    %swap3A_73 = arith.constant 80 : index
    %swap3A_74 = tpu.vector_load %arg14[%swap3A_73] {strides = array<i32>} : memref<128xf32, #tpu.memory_space<vmem>>, vector<16xf32>,
    %swap3A_75 = vector.shape_cast %swap3A_74 : vector<16xf32> to vector<16xf32>
    %swap3A_76 = vector.shape_cast %broadcast_in_dim3A_9 : vector<16xf32> to vector<16xf32>
    tpu.vector_store %arg14[%swap3A_73], %swap3A_76 {strides = array<i32>} : memref<128xf32, #tpu.memory_space<vmem>>, vector<16xf32>,
    %swap3A_77 = arith.constant 96 : index
    %swap3A_78 = tpu.vector_load %arg13[%swap3A_77] {strides = array<i32>} : memref<128xf32, #tpu.memory_space<vmem>>, vector<16xf32>,
    %swap3A_79 = vector.shape_cast %swap3A_78 : vector<16xf32> to vector<16xf32>
    %swap3A_80 = vector.shape_cast %broadcast_in_dim3A_9 : vector<16xf32> to vector<16xf32>
    tpu.vector_store %arg13[%swap3A_77], %swap3A_80 {strides = array<i32>} : memref<128xf32, #tpu.memory_space<vmem>>, vector<16xf32>,
    %swap3A_81 = arith.constant 96 : index
    %swap3A_82 = tpu.vector_load %arg14[%swap3A_81] {strides = array<i32>} : memref<128xf32, #tpu.memory_space<vmem>>, vector<16xf32>,
    %swap3A_83 = vector.shape_cast %swap3A_82 : vector<16xf32> to vector<16xf32>
    %swap3A_84 = vector.shape_cast %broadcast_in_dim3A_9 : vector<16xf32> to vector<16xf32>
    tpu.vector_store %arg14[%swap3A_81], %swap3A_84 {strides = array<i32>} : memref<128xf32, #tpu.memory_space<vmem>>, vector<16xf32>,
    %swap3A_85 = arith.constant 112 : index
    %swap3A_86 = tpu.vector_load %arg13[%swap3A_85] {strides = array<i32>} : memref<128xf32, #tpu.memory_space<vmem>>, vector<16xf32>,
    %swap3A_87 = vector.shape_cast %swap3A_86 : vector<16xf32> to vector<16xf32>
    %swap3A_88 = vector.shape_cast %broadcast_in_dim3A_9 : vector<16xf32> to vector<16xf32>
    tpu.vector_store %arg13[%swap3A_85], %swap3A_88 {strides = array<i32>} : memref<128xf32, #tpu.memory_space<vmem>>, vector<16xf32>,
    %swap3A_89 = arith.constant 112 : index
    %swap3A_90 = tpu.vector_load %arg14[%swap3A_89] {strides = array<i32>} : memref<128xf32, #tpu.memory_space<vmem>>, vector<16xf32>,
    %swap3A_91 = vector.shape_cast %swap3A_90 : vector<16xf32> to vector<16xf32>
    %swap3A_92 = vector.shape_cast %broadcast_in_dim3A_9 : vector<16xf32> to vector<16xf32>
    tpu.vector_store %arg14[%swap3A_89], %swap3A_92 {strides = array<i32>} : memref<128xf32, #tpu.memory_space<vmem>>, vector<16xf32>,
    %mul3A_93 = arith.constant 10000 : i32
    %mul3A_94 = arith.muli %arg0, %mul3A_93 : i32
    %broadcast_in_dim3A_95 = vector.broadcast %mul3A_94 : i32 to vector<16xi32>
    %scan3A_96 = arith.constant 0 : i32
    %scan3A_97 = arith.constant 0 : i32
    %scan3A_98 = arith.constant 625 : i32
    %scan3A_99 = arith.addi %scan3A_97, %scan3A_98 : i32
    %scan3A_100 = arith.constant 1 : i32
    %scan3A_101 = scf.for %scan3A_424 = %scan3A_97 to %scan3A_99 step %scan3A_100 iter_args(%scan3A_425 = %scan3A_96) -> (i32)  : i32 {
      %mul3A_426 = arith.constant 16 : i32
      %mul3A_427 = arith.muli %scan3A_424, %mul3A_426 : i32
      %get3A = arith.index_cast %mul3A_427 : i32 to index
      %get3A_428 = tpu.vector_load %arg7[%get3A] {strides = array<i32>} : memref<10000xi32, #tpu.memory_space<vmem>>, vector<16xi32>,
      %get3A_429 = vector.shape_cast %get3A_428 : vector<16xi32> to vector<16xi32>
      %add3A_430 = arith.addi %get3A_429, %broadcast_in_dim3A_95 : vector<16xi32>
      %swap3A_431 = arith.index_cast %mul3A_427 : i32 to index
      %swap3A_432 = tpu.vector_load %arg7[%swap3A_431] {strides = array<i32>} : memref<10000xi32, #tpu.memory_space<vmem>>, vector<16xi32>,
      %swap3A_433 = vector.shape_cast %swap3A_432 : vector<16xi32> to vector<16xi32>
      %swap3A_434 = vector.shape_cast %add3A_430 : vector<16xi32> to vector<16xi32>
      tpu.vector_store %arg7[%swap3A_431], %swap3A_434 {strides = array<i32>} : memref<10000xi32, #tpu.memory_space<vmem>>, vector<16xi32>,
      %scan3A_435 = arith.constant 0 : i32
      scf.yield %scan3A_435 : i32
    }
    %scan3A_102 = arith.constant 625 : i32
    %scan3A_103 = arith.constant 0 : i32
    %scan3A_104 = arith.constant 0 : i32
    %scan3A_105 = arith.constant 125 : i32
    %scan3A_106 = arith.addi %scan3A_104, %scan3A_105 : i32
    %scan3A_107 = arith.constant 1 : i32
    %scan3A_108 = scf.for %scan3A_424 = %scan3A_104 to %scan3A_106 step %scan3A_107 iter_args(%scan3A_425 = %scan3A_103) -> (i32)  : i32 {
      %mul3A_426 = arith.constant 5 : i32
      %mul3A_427 = arith.muli %scan3A_424, %mul3A_426 : i32
      %add3A_428 = arith.constant 0 : i32
      %add3A_429 = arith.addi %mul3A_427, %add3A_428 : i32
      %le3A = arith.constant 624 : i32
      %le3A_430 = arith.cmpi sle, %add3A_429, %le3A : i32
      %add3A_431 = arith.addi %mul3A_4, %add3A_429 : i32
      %select_n3A_432 = arith.constant 10000 : i32
      %select_n3A_433 = arith.select %le3A_430, %add3A_431, %select_n3A_432 : i32
      %broadcast_in_dim3A_434 = vector.broadcast %select_n3A_433 : i32 to vector<16xi32>
      %swap3A_435 = arith.index_cast %scan3A_424 : i32 to index
      %swap3A_436 = arith.constant 0 : index
      %swap3A_437 = tpu.vector_load %arg8[%swap3A_435, %swap3A_436] {strides = array<i32>} : memref<125x80xi32, #tpu.memory_space<vmem>>, vector<1x16xi32>,
      %swap3A_438 = vector.shape_cast %swap3A_437 : vector<1x16xi32> to vector<16xi32>
      %swap3A_439 = vector.shape_cast %broadcast_in_dim3A_434 : vector<16xi32> to vector<1x16xi32>
      tpu.vector_store %arg8[%swap3A_435, %swap3A_436], %swap3A_439 {strides = array<i32>} : memref<125x80xi32, #tpu.memory_space<vmem>>, vector<1x16xi32>,
      %mul3A_440 = arith.constant 5 : i32
      %mul3A_441 = arith.muli %scan3A_424, %mul3A_440 : i32
      %add3A_442 = arith.constant 1 : i32
      %add3A_443 = arith.addi %mul3A_441, %add3A_442 : i32
      %le3A_444 = arith.constant 624 : i32
      %le3A_445 = arith.cmpi sle, %add3A_443, %le3A_444 : i32
      %add3A_446 = arith.addi %mul3A_4, %add3A_443 : i32
      %select_n3A_447 = arith.constant 10000 : i32
      %select_n3A_448 = arith.select %le3A_445, %add3A_446, %select_n3A_447 : i32
      %broadcast_in_dim3A_449 = vector.broadcast %select_n3A_448 : i32 to vector<16xi32>
      %swap3A_450 = arith.index_cast %scan3A_424 : i32 to index
      %swap3A_451 = arith.constant 16 : index
      %swap3A_452 = tpu.vector_load %arg8[%swap3A_450, %swap3A_451] {strides = array<i32>} : memref<125x80xi32, #tpu.memory_space<vmem>>, vector<1x16xi32>,
      %swap3A_453 = vector.shape_cast %swap3A_452 : vector<1x16xi32> to vector<16xi32>
      %swap3A_454 = vector.shape_cast %broadcast_in_dim3A_449 : vector<16xi32> to vector<1x16xi32>
      tpu.vector_store %arg8[%swap3A_450, %swap3A_451], %swap3A_454 {strides = array<i32>} : memref<125x80xi32, #tpu.memory_space<vmem>>, vector<1x16xi32>,
      %mul3A_455 = arith.constant 5 : i32
      %mul3A_456 = arith.muli %scan3A_424, %mul3A_455 : i32
      %add3A_457 = arith.constant 2 : i32
      %add3A_458 = arith.addi %mul3A_456, %add3A_457 : i32
      %le3A_459 = arith.constant 624 : i32
      %le3A_460 = arith.cmpi sle, %add3A_458, %le3A_459 : i32
      %add3A_461 = arith.addi %mul3A_4, %add3A_458 : i32
      %select_n3A_462 = arith.constant 10000 : i32
      %select_n3A_463 = arith.select %le3A_460, %add3A_461, %select_n3A_462 : i32
      %broadcast_in_dim3A_464 = vector.broadcast %select_n3A_463 : i32 to vector<16xi32>
      %swap3A_465 = arith.index_cast %scan3A_424 : i32 to index
      %swap3A_466 = arith.constant 32 : index
      %swap3A_467 = tpu.vector_load %arg8[%swap3A_465, %swap3A_466] {strides = array<i32>} : memref<125x80xi32, #tpu.memory_space<vmem>>, vector<1x16xi32>,
      %swap3A_468 = vector.shape_cast %swap3A_467 : vector<1x16xi32> to vector<16xi32>
      %swap3A_469 = vector.shape_cast %broadcast_in_dim3A_464 : vector<16xi32> to vector<1x16xi32>
      tpu.vector_store %arg8[%swap3A_465, %swap3A_466], %swap3A_469 {strides = array<i32>} : memref<125x80xi32, #tpu.memory_space<vmem>>, vector<1x16xi32>,
      %mul3A_470 = arith.constant 5 : i32
      %mul3A_471 = arith.muli %scan3A_424, %mul3A_470 : i32
      %add3A_472 = arith.constant 3 : i32
      %add3A_473 = arith.addi %mul3A_471, %add3A_472 : i32
      %le3A_474 = arith.constant 624 : i32
      %le3A_475 = arith.cmpi sle, %add3A_473, %le3A_474 : i32
      %add3A_476 = arith.addi %mul3A_4, %add3A_473 : i32
      %select_n3A_477 = arith.constant 10000 : i32
      %select_n3A_478 = arith.select %le3A_475, %add3A_476, %select_n3A_477 : i32
      %broadcast_in_dim3A_479 = vector.broadcast %select_n3A_478 : i32 to vector<16xi32>
      %swap3A_480 = arith.index_cast %scan3A_424 : i32 to index
      %swap3A_481 = arith.constant 48 : index
      %swap3A_482 = tpu.vector_load %arg8[%swap3A_480, %swap3A_481] {strides = array<i32>} : memref<125x80xi32, #tpu.memory_space<vmem>>, vector<1x16xi32>,
      %swap3A_483 = vector.shape_cast %swap3A_482 : vector<1x16xi32> to vector<16xi32>
      %swap3A_484 = vector.shape_cast %broadcast_in_dim3A_479 : vector<16xi32> to vector<1x16xi32>
      tpu.vector_store %arg8[%swap3A_480, %swap3A_481], %swap3A_484 {strides = array<i32>} : memref<125x80xi32, #tpu.memory_space<vmem>>, vector<1x16xi32>,
      %mul3A_485 = arith.constant 5 : i32
      %mul3A_486 = arith.muli %scan3A_424, %mul3A_485 : i32
      %add3A_487 = arith.constant 4 : i32
      %add3A_488 = arith.addi %mul3A_486, %add3A_487 : i32
      %le3A_489 = arith.constant 624 : i32
      %le3A_490 = arith.cmpi sle, %add3A_488, %le3A_489 : i32
      %add3A_491 = arith.addi %mul3A_4, %add3A_488 : i32
      %select_n3A_492 = arith.constant 10000 : i32
      %select_n3A_493 = arith.select %le3A_490, %add3A_491, %select_n3A_492 : i32
      %broadcast_in_dim3A_494 = vector.broadcast %select_n3A_493 : i32 to vector<16xi32>
      %swap3A_495 = arith.index_cast %scan3A_424 : i32 to index
      %swap3A_496 = arith.constant 64 : index
      %swap3A_497 = tpu.vector_load %arg8[%swap3A_495, %swap3A_496] {strides = array<i32>} : memref<125x80xi32, #tpu.memory_space<vmem>>, vector<1x16xi32>,
      %swap3A_498 = vector.shape_cast %swap3A_497 : vector<1x16xi32> to vector<16xi32>
      %swap3A_499 = vector.shape_cast %broadcast_in_dim3A_494 : vector<16xi32> to vector<1x16xi32>
      tpu.vector_store %arg8[%swap3A_495, %swap3A_496], %swap3A_499 {strides = array<i32>} : memref<125x80xi32, #tpu.memory_space<vmem>>, vector<1x16xi32>,
      %scan3A_500 = arith.constant 0 : i32
      scf.yield %scan3A_500 : i32
    }
    %scan3A_109 = arith.constant 125 : i32
    %iota3A = tpu.iota {dimensions = array<i32: 0>} : vector<16xi32>
    %scan3A_110 = arith.constant 0 : i32
    %scan3A_111 = arith.constant 0 : i32
    %scan3A_112 = arith.constant 40 : i32
    %scan3A_113 = arith.addi %scan3A_111, %scan3A_112 : i32
    %scan3A_114 = arith.constant 1 : i32
    %scan3A_115 = scf.for %scan3A_424 = %scan3A_111 to %scan3A_113 step %scan3A_114 iter_args(%scan3A_425 = %scan3A_110) -> (i32)  : i32 {
      %mul3A_426 = arith.constant 16 : i32
      %mul3A_427 = arith.muli %scan3A_424, %mul3A_426 : i32
      %add3A_428 = vector.broadcast %mul3A_427 : i32 to vector<16xi32>
      %add3A_429 = arith.addi %add3A_428, %iota3A : vector<16xi32>
      %min3A = arith.constant 624 : i32
      %min3A_430 = vector.broadcast %min3A : i32 to vector<16xi32>
      %min3A_431 = arith.minsi %add3A_429, %min3A_430 : vector<16xi32>
      %add3A_432 = vector.broadcast %mul3A_4 : i32 to vector<16xi32>
      %add3A_433 = arith.addi %add3A_432, %min3A_431 : vector<16xi32>
      %mul3A_434 = arith.constant 16 : i32
      %mul3A_435 = arith.muli %scan3A_424, %mul3A_434 : i32
      %swap3A_436 = arith.index_cast %mul3A_435 : i32 to index
      %swap3A_437 = tpu.vector_load %arg9[%swap3A_436] {strides = array<i32>} : memref<640xi32, #tpu.memory_space<vmem>>, vector<16xi32>,
      %swap3A_438 = vector.shape_cast %swap3A_437 : vector<16xi32> to vector<16xi32>
      %swap3A_439 = vector.shape_cast %add3A_433 : vector<16xi32> to vector<16xi32>
      tpu.vector_store %arg9[%swap3A_436], %swap3A_439 {strides = array<i32>} : memref<640xi32, #tpu.memory_space<vmem>>, vector<16xi32>,
      %scan3A_440 = arith.constant 0 : i32
      scf.yield %scan3A_440 : i32
    }
    %scan3A_116 = arith.constant 40 : i32
    %scan3A_117 = arith.constant 0 : i32
    %scan3A_118 = arith.constant 0 : i32
    %scan3A_119 = arith.constant 8 : i32
    %scan3A_120 = arith.addi %scan3A_118, %scan3A_119 : i32
    %scan3A_121 = arith.constant 1 : i32
    %scan3A_122 = scf.for %scan3A_424 = %scan3A_118 to %scan3A_120 step %scan3A_121 iter_args(%scan3A_425 = %scan3A_117) -> (i32)  : i32 {
      %mul3A_426 = arith.constant 80 : i32
      %mul3A_427 = arith.muli %scan3A_424, %mul3A_426 : i32
      %add3A_428 = arith.constant 0 : i32
      %add3A_429 = arith.addi %mul3A_427, %add3A_428 : i32
      %add3A_430 = vector.broadcast %add3A_429 : i32 to vector<16xi32>
      %add3A_431 = arith.addi %add3A_430, %iota3A : vector<16xi32>
      %min3A = arith.constant 624 : i32
      %min3A_432 = vector.broadcast %min3A : i32 to vector<16xi32>
      %min3A_433 = arith.minsi %add3A_431, %min3A_432 : vector<16xi32>
      %add3A_434 = vector.broadcast %mul3A_2 : i32 to vector<16xi32>
      %add3A_435 = arith.addi %add3A_434, %min3A_433 : vector<16xi32>
      %swap3A_436 = arith.index_cast %scan3A_424 : i32 to index
      %swap3A_437 = arith.constant 0 : index
      %swap3A_438 = tpu.vector_load %arg10[%swap3A_436, %swap3A_437] {strides = array<i32>} : memref<8x80xi32, #tpu.memory_space<vmem>>, vector<1x16xi32>,
      %swap3A_439 = vector.shape_cast %swap3A_438 : vector<1x16xi32> to vector<16xi32>
      %swap3A_440 = vector.shape_cast %add3A_435 : vector<16xi32> to vector<1x16xi32>
      tpu.vector_store %arg10[%swap3A_436, %swap3A_437], %swap3A_440 {strides = array<i32>} : memref<8x80xi32, #tpu.memory_space<vmem>>, vector<1x16xi32>,
      %mul3A_441 = arith.constant 80 : i32
      %mul3A_442 = arith.muli %scan3A_424, %mul3A_441 : i32
      %add3A_443 = arith.constant 16 : i32
      %add3A_444 = arith.addi %mul3A_442, %add3A_443 : i32
      %add3A_445 = vector.broadcast %add3A_444 : i32 to vector<16xi32>
      %add3A_446 = arith.addi %add3A_445, %iota3A : vector<16xi32>
      %min3A_447 = arith.constant 624 : i32
      %min3A_448 = vector.broadcast %min3A_447 : i32 to vector<16xi32>
      %min3A_449 = arith.minsi %add3A_446, %min3A_448 : vector<16xi32>
      %add3A_450 = vector.broadcast %mul3A_2 : i32 to vector<16xi32>
      %add3A_451 = arith.addi %add3A_450, %min3A_449 : vector<16xi32>
      %swap3A_452 = arith.index_cast %scan3A_424 : i32 to index
      %swap3A_453 = arith.constant 16 : index
      %swap3A_454 = tpu.vector_load %arg10[%swap3A_452, %swap3A_453] {strides = array<i32>} : memref<8x80xi32, #tpu.memory_space<vmem>>, vector<1x16xi32>,
      %swap3A_455 = vector.shape_cast %swap3A_454 : vector<1x16xi32> to vector<16xi32>
      %swap3A_456 = vector.shape_cast %add3A_451 : vector<16xi32> to vector<1x16xi32>
      tpu.vector_store %arg10[%swap3A_452, %swap3A_453], %swap3A_456 {strides = array<i32>} : memref<8x80xi32, #tpu.memory_space<vmem>>, vector<1x16xi32>,
      %mul3A_457 = arith.constant 80 : i32
      %mul3A_458 = arith.muli %scan3A_424, %mul3A_457 : i32
      %add3A_459 = arith.constant 32 : i32
      %add3A_460 = arith.addi %mul3A_458, %add3A_459 : i32
      %add3A_461 = vector.broadcast %add3A_460 : i32 to vector<16xi32>
      %add3A_462 = arith.addi %add3A_461, %iota3A : vector<16xi32>
      %min3A_463 = arith.constant 624 : i32
      %min3A_464 = vector.broadcast %min3A_463 : i32 to vector<16xi32>
      %min3A_465 = arith.minsi %add3A_462, %min3A_464 : vector<16xi32>
      %add3A_466 = vector.broadcast %mul3A_2 : i32 to vector<16xi32>
      %add3A_467 = arith.addi %add3A_466, %min3A_465 : vector<16xi32>
      %swap3A_468 = arith.index_cast %scan3A_424 : i32 to index
      %swap3A_469 = arith.constant 32 : index
      %swap3A_470 = tpu.vector_load %arg10[%swap3A_468, %swap3A_469] {strides = array<i32>} : memref<8x80xi32, #tpu.memory_space<vmem>>, vector<1x16xi32>,
      %swap3A_471 = vector.shape_cast %swap3A_470 : vector<1x16xi32> to vector<16xi32>
      %swap3A_472 = vector.shape_cast %add3A_467 : vector<16xi32> to vector<1x16xi32>
      tpu.vector_store %arg10[%swap3A_468, %swap3A_469], %swap3A_472 {strides = array<i32>} : memref<8x80xi32, #tpu.memory_space<vmem>>, vector<1x16xi32>,
      %mul3A_473 = arith.constant 80 : i32
      %mul3A_474 = arith.muli %scan3A_424, %mul3A_473 : i32
      %add3A_475 = arith.constant 48 : i32
      %add3A_476 = arith.addi %mul3A_474, %add3A_475 : i32
      %add3A_477 = vector.broadcast %add3A_476 : i32 to vector<16xi32>
      %add3A_478 = arith.addi %add3A_477, %iota3A : vector<16xi32>
      %min3A_479 = arith.constant 624 : i32
      %min3A_480 = vector.broadcast %min3A_479 : i32 to vector<16xi32>
      %min3A_481 = arith.minsi %add3A_478, %min3A_480 : vector<16xi32>
      %add3A_482 = vector.broadcast %mul3A_2 : i32 to vector<16xi32>
      %add3A_483 = arith.addi %add3A_482, %min3A_481 : vector<16xi32>
      %swap3A_484 = arith.index_cast %scan3A_424 : i32 to index
      %swap3A_485 = arith.constant 48 : index
      %swap3A_486 = tpu.vector_load %arg10[%swap3A_484, %swap3A_485] {strides = array<i32>} : memref<8x80xi32, #tpu.memory_space<vmem>>, vector<1x16xi32>,
      %swap3A_487 = vector.shape_cast %swap3A_486 : vector<1x16xi32> to vector<16xi32>
      %swap3A_488 = vector.shape_cast %add3A_483 : vector<16xi32> to vector<1x16xi32>
      tpu.vector_store %arg10[%swap3A_484, %swap3A_485], %swap3A_488 {strides = array<i32>} : memref<8x80xi32, #tpu.memory_space<vmem>>, vector<1x16xi32>,
      %mul3A_489 = arith.constant 80 : i32
      %mul3A_490 = arith.muli %scan3A_424, %mul3A_489 : i32
      %add3A_491 = arith.constant 64 : i32
      %add3A_492 = arith.addi %mul3A_490, %add3A_491 : i32
      %add3A_493 = vector.broadcast %add3A_492 : i32 to vector<16xi32>
      %add3A_494 = arith.addi %add3A_493, %iota3A : vector<16xi32>
      %min3A_495 = arith.constant 624 : i32
      %min3A_496 = vector.broadcast %min3A_495 : i32 to vector<16xi32>
      %min3A_497 = arith.minsi %add3A_494, %min3A_496 : vector<16xi32>
      %add3A_498 = vector.broadcast %mul3A_2 : i32 to vector<16xi32>
      %add3A_499 = arith.addi %add3A_498, %min3A_497 : vector<16xi32>
      %swap3A_500 = arith.index_cast %scan3A_424 : i32 to index
      %swap3A_501 = arith.constant 64 : index
      %swap3A_502 = tpu.vector_load %arg10[%swap3A_500, %swap3A_501] {strides = array<i32>} : memref<8x80xi32, #tpu.memory_space<vmem>>, vector<1x16xi32>,
      %swap3A_503 = vector.shape_cast %swap3A_502 : vector<1x16xi32> to vector<16xi32>
      %swap3A_504 = vector.shape_cast %add3A_499 : vector<16xi32> to vector<1x16xi32>
      tpu.vector_store %arg10[%swap3A_500, %swap3A_501], %swap3A_504 {strides = array<i32>} : memref<8x80xi32, #tpu.memory_space<vmem>>, vector<1x16xi32>,
      %scan3A_505 = arith.constant 0 : i32
      scf.yield %scan3A_505 : i32
    }
    %scan3A_123 = arith.constant 8 : i32
    %while3A_124 = arith.constant 0 : i32
    %while3A_125 = arith.constant 0 : i32
    %while3A_126 = arith.subi %select_n3A_18, %while3A_124 : i32
    %while3A_127 = arith.addi %while3A_124, %while3A_126 : i32
    %while3A_128 = arith.constant 1 : i32
    %while3A_129 = arith.divsi %while3A_126, %while3A_128 : i32
    %while3A_130 = arith.muli %while3A_129, %while3A_128 : i32
    %while3A_131 = arith.addi %while3A_124, %while3A_130 : i32
    %while3A_132 = arith.constant 1 : i32
    %while3A_133 = scf.for %while3A_424 = %while3A_124 to %while3A_131 step %while3A_132 iter_args(%while3A_425 = %while3A_125) -> (i32)  : i32 {
      %mul3A_426 = arith.constant 640 : i32
      %mul3A_427 = arith.muli %arg1, %mul3A_426 : i32
      %mul3A_428 = arith.constant 80 : i32
      %mul3A_429 = arith.muli %while3A_424, %mul3A_428 : i32
      %add3A_430 = arith.addi %mul3A_427, %mul3A_429 : i32
      %dma_wait3A_431 = arith.constant 0 : i32
      %dma_wait3A_432 = arith.constant 0 : i32
      %dma_wait3A_433 = tpu.memref_slice %arg11[%dma_wait3A_431, %dma_wait3A_432] : memref<80x128xf32, #tpu.memory_space<vmem>> -> memref<80x128xf32, #tpu.memory_space<vmem>>
      %dma_wait3A_434 = arith.constant 0 : i32
      %dma_wait3A_435 = tpu.memref_slice %arg6[%add3A_430, %dma_wait3A_434] : memref<10008x128xf32, #tpu.memory_space<vmem_shared>> -> memref<80x128xf32, #tpu.memory_space<vmem_shared>>
      %dma_wait3A_436 = arith.constant 0 : i32
      %dma_wait3A_437 = tpu.memref_slice %arg6[%add3A_430, %dma_wait3A_436] : memref<10008x128xf32, #tpu.memory_space<vmem_shared>> -> memref<80x128xf32, #tpu.memory_space<vmem_shared>>
      %dma_wait3A_438 = arith.constant 0 : i32
      %dma_wait3A_439 = arith.constant 0 : i32
      %dma_wait3A_440 = tpu.memref_slice %arg11[%dma_wait3A_438, %dma_wait3A_439] : memref<80x128xf32, #tpu.memory_space<vmem>> -> memref<80x128xf32, #tpu.memory_space<vmem>>
      tpu.wait_dma2 semaphore(%arg19 : memref<!tpu.dma_semaphore, #tpu.memory_space<semaphore_mem>>) src(%dma_wait3A_440 : memref<80x128xf32, #tpu.memory_space<vmem>>) dst(%dma_wait3A_437 : memref<80x128xf32, #tpu.memory_space<vmem_shared>>)
      %while3A_441 = arith.constant 0 : i32
      scf.yield %while3A_441 : i32
    }
    %while3A_134 = arith.constant 1 : i32
    %while3A_135 = scf.for %while3A_424 = %while3A_131 to %while3A_127 step %while3A_134 iter_args(%while3A_425 = %while3A_133) -> (i32)  : i32 {
      %mul3A_426 = arith.constant 640 : i32
      %mul3A_427 = arith.muli %arg1, %mul3A_426 : i32
      %mul3A_428 = arith.constant 80 : i32
      %mul3A_429 = arith.muli %while3A_424, %mul3A_428 : i32
      %add3A_430 = arith.addi %mul3A_427, %mul3A_429 : i32
      %dma_wait3A_431 = arith.constant 0 : i32
      %dma_wait3A_432 = arith.constant 0 : i32
      %dma_wait3A_433 = tpu.memref_slice %arg11[%dma_wait3A_431, %dma_wait3A_432] : memref<80x128xf32, #tpu.memory_space<vmem>> -> memref<80x128xf32, #tpu.memory_space<vmem>>
      %dma_wait3A_434 = arith.constant 0 : i32
      %dma_wait3A_435 = tpu.memref_slice %arg6[%add3A_430, %dma_wait3A_434] : memref<10008x128xf32, #tpu.memory_space<vmem_shared>> -> memref<80x128xf32, #tpu.memory_space<vmem_shared>>
      %dma_wait3A_436 = arith.constant 0 : i32
      %dma_wait3A_437 = tpu.memref_slice %arg6[%add3A_430, %dma_wait3A_436] : memref<10008x128xf32, #tpu.memory_space<vmem_shared>> -> memref<80x128xf32, #tpu.memory_space<vmem_shared>>
      %dma_wait3A_438 = arith.constant 0 : i32
      %dma_wait3A_439 = arith.constant 0 : i32
      %dma_wait3A_440 = tpu.memref_slice %arg11[%dma_wait3A_438, %dma_wait3A_439] : memref<80x128xf32, #tpu.memory_space<vmem>> -> memref<80x128xf32, #tpu.memory_space<vmem>>
      tpu.wait_dma2 semaphore(%arg19 : memref<!tpu.dma_semaphore, #tpu.memory_space<semaphore_mem>>) src(%dma_wait3A_440 : memref<80x128xf32, #tpu.memory_space<vmem>>) dst(%dma_wait3A_437 : memref<80x128xf32, #tpu.memory_space<vmem_shared>>)
      %while3A_441 = arith.constant 0 : i32
      scf.yield %while3A_441 : i32
    }
    %barrier3A = arith.constant 0 : index
    tpu.barrier barrier_id(%barrier3A)
    %dma_start3A = arith.constant 0 : i32
    %dma_start3A_136 = tpu.memref_slice %arg7[%dma_start3A] : memref<10000xi32, #tpu.memory_space<vmem>> -> memref<80xi32, #tpu.memory_space<vmem>>
    %dma_start3A_137 = arith.constant 0 : i32
    %dma_start3A_138 = arith.constant 0 : i32
    %dma_start3A_139 = tpu.memref_slice %arg2[%dma_start3A_137, %dma_start3A_138] : memref<20000x128xf32, #tpu.memory_space<hbm>> -> memref<20000x128xf32, #tpu.memory_space<hbm>>
    tpu.enqueue_indirect_dma source(%dma_start3A_139 : memref<20000x128xf32, #tpu.memory_space<hbm>>) target(%arg11 : memref<80x128xf32, #tpu.memory_space<vmem>>) offsets(%dma_start3A_136 : memref<80xi32, #tpu.memory_space<vmem>>) semaphore(%arg15 : memref<!tpu.dma_semaphore, #tpu.memory_space<semaphore_mem>>)
    %dma_start3A_140 = arith.constant 80 : i32
    %dma_start3A_141 = tpu.memref_slice %arg7[%dma_start3A_140] : memref<10000xi32, #tpu.memory_space<vmem>> -> memref<80xi32, #tpu.memory_space<vmem>>
    %dma_start3A_142 = arith.constant 0 : i32
    %dma_start3A_143 = arith.constant 0 : i32
    %dma_start3A_144 = tpu.memref_slice %arg2[%dma_start3A_142, %dma_start3A_143] : memref<20000x128xf32, #tpu.memory_space<hbm>> -> memref<20000x128xf32, #tpu.memory_space<hbm>>
    tpu.enqueue_indirect_dma source(%dma_start3A_144 : memref<20000x128xf32, #tpu.memory_space<hbm>>) target(%arg12 : memref<80x128xf32, #tpu.memory_space<vmem>>) offsets(%dma_start3A_141 : memref<80xi32, #tpu.memory_space<vmem>>) semaphore(%arg16 : memref<!tpu.dma_semaphore, #tpu.memory_space<semaphore_mem>>)
    %scan3A_145 = arith.constant 0 : i32
    %scan3A_146 = arith.constant 0 : i32
    %scan3A_147 = arith.constant 62 : i32
    %scan3A_148 = arith.addi %scan3A_146, %scan3A_147 : i32
    %scan3A_149 = arith.constant 1 : i32
    %scan3A_150 = scf.for %scan3A_424 = %scan3A_146 to %scan3A_148 step %scan3A_149 iter_args(%scan3A_425 = %scan3A_145) -> (i32)  : i32 {
      %mul3A_426 = arith.constant 2 : i32
      %mul3A_427 = arith.muli %mul3A_426, %scan3A_424 : i32
      %add3A_428 = arith.constant 0 : i32
      %add3A_429 = arith.addi %mul3A_427, %add3A_428 : i32
      %mul3A_430 = arith.constant 80 : i32
      %mul3A_431 = arith.muli %add3A_429, %mul3A_430 : i32
      %dma_wait3A_432 = tpu.memref_slice %arg7[%mul3A_431] : memref<10000xi32, #tpu.memory_space<vmem>> -> memref<80xi32, #tpu.memory_space<vmem>>
      %dma_wait3A_433 = arith.constant 0 : i32
      %dma_wait3A_434 = arith.constant 0 : i32
      %dma_wait3A_435 = tpu.memref_slice %arg2[%dma_wait3A_433, %dma_wait3A_434] : memref<20000x128xf32, #tpu.memory_space<hbm>> -> memref<20000x128xf32, #tpu.memory_space<hbm>>
      tpu.wait_indirect_dma semaphore(%arg15 : memref<!tpu.dma_semaphore, #tpu.memory_space<semaphore_mem>>) src(%dma_wait3A_435 : memref<20000x128xf32, #tpu.memory_space<hbm>>) dst(%arg11 : memref<80x128xf32, #tpu.memory_space<vmem>>)
      %dma_start3A_436 = arith.constant 0 : i32
      %dma_start3A_437 = tpu.memref_slice %arg8[%add3A_429, %dma_start3A_436] : memref<125x80xi32, #tpu.memory_space<vmem>> -> memref<1x80xi32, #tpu.memory_space<vmem>>
      %dma_start3A_438 = tpu.memref_squeeze %dma_start3A_437 : memref<1x80xi32, #tpu.memory_space<vmem>> -> memref<80xi32, #tpu.memory_space<vmem>>
      %dma_start3A_439 = arith.constant 0 : i32
      %dma_start3A_440 = arith.constant 0 : i32
      %dma_start3A_441 = tpu.memref_slice %arg6[%dma_start3A_439, %dma_start3A_440] : memref<10008x128xf32, #tpu.memory_space<vmem_shared>> -> memref<10008x128xf32, #tpu.memory_space<vmem_shared>>
      tpu.enqueue_indirect_dma source(%arg11 : memref<80x128xf32, #tpu.memory_space<vmem>>) target(%dma_start3A_441 : memref<10008x128xf32, #tpu.memory_space<vmem_shared>>) offsets(%dma_start3A_438 : memref<80xi32, #tpu.memory_space<vmem>>) semaphore(%arg17 : memref<!tpu.dma_semaphore, #tpu.memory_space<semaphore_mem>>) {add = true}
      %dma_wait3A_442 = arith.constant 0 : i32
      %dma_wait3A_443 = tpu.memref_slice %arg8[%add3A_429, %dma_wait3A_442] : memref<125x80xi32, #tpu.memory_space<vmem>> -> memref<1x80xi32, #tpu.memory_space<vmem>>
      %dma_wait3A_444 = tpu.memref_squeeze %dma_wait3A_443 : memref<1x80xi32, #tpu.memory_space<vmem>> -> memref<80xi32, #tpu.memory_space<vmem>>
      %dma_wait3A_445 = arith.constant 0 : i32
      %dma_wait3A_446 = arith.constant 0 : i32
      %dma_wait3A_447 = tpu.memref_slice %arg6[%dma_wait3A_445, %dma_wait3A_446] : memref<10008x128xf32, #tpu.memory_space<vmem_shared>> -> memref<10008x128xf32, #tpu.memory_space<vmem_shared>>
      tpu.wait_indirect_dma semaphore(%arg17 : memref<!tpu.dma_semaphore, #tpu.memory_space<semaphore_mem>>) src(%arg11 : memref<80x128xf32, #tpu.memory_space<vmem>>) dst(%dma_wait3A_447 : memref<10008x128xf32, #tpu.memory_space<vmem_shared>>)
      %add3A_448 = arith.constant 2 : i32
      %add3A_449 = arith.addi %add3A_429, %add3A_448 : i32
      %lt3A_450 = arith.constant 125 : i32
      %lt3A_451 = arith.cmpi slt, %add3A_449, %lt3A_450 : i32
      %convert_element_type3A = arith.extui %lt3A_451 : i1 to i32
      %cond3A = arith.constant 0 : i32
      %cond3A_452 = arith.cmpi ne, %convert_element_type3A, %cond3A : i32
      scf.if %cond3A_452 {
        %add3A_483 = arith.constant 2 : i32
        %add3A_484 = arith.addi %add3A_429, %add3A_483 : i32
        %mul3A_485 = arith.constant 80 : i32
        %mul3A_486 = arith.muli %add3A_484, %mul3A_485 : i32
        %dma_start3A_487 = tpu.memref_slice %arg7[%mul3A_486] : memref<10000xi32, #tpu.memory_space<vmem>> -> memref<80xi32, #tpu.memory_space<vmem>>
        %dma_start3A_488 = arith.constant 0 : i32
        %dma_start3A_489 = arith.constant 0 : i32
        %dma_start3A_490 = tpu.memref_slice %arg2[%dma_start3A_488, %dma_start3A_489] : memref<20000x128xf32, #tpu.memory_space<hbm>> -> memref<20000x128xf32, #tpu.memory_space<hbm>>
        tpu.enqueue_indirect_dma source(%dma_start3A_490 : memref<20000x128xf32, #tpu.memory_space<hbm>>) target(%arg11 : memref<80x128xf32, #tpu.memory_space<vmem>>) offsets(%dma_start3A_487 : memref<80xi32, #tpu.memory_space<vmem>>) semaphore(%arg15 : memref<!tpu.dma_semaphore, #tpu.memory_space<semaphore_mem>>)
      } else {
      }
      %mul3A_453 = arith.constant 2 : i32
      %mul3A_454 = arith.muli %mul3A_453, %scan3A_424 : i32
      %add3A_455 = arith.constant 1 : i32
      %add3A_456 = arith.addi %mul3A_454, %add3A_455 : i32
      %mul3A_457 = arith.constant 80 : i32
      %mul3A_458 = arith.muli %add3A_456, %mul3A_457 : i32
      %dma_wait3A_459 = tpu.memref_slice %arg7[%mul3A_458] : memref<10000xi32, #tpu.memory_space<vmem>> -> memref<80xi32, #tpu.memory_space<vmem>>
      %dma_wait3A_460 = arith.constant 0 : i32
      %dma_wait3A_461 = arith.constant 0 : i32
      %dma_wait3A_462 = tpu.memref_slice %arg2[%dma_wait3A_460, %dma_wait3A_461] : memref<20000x128xf32, #tpu.memory_space<hbm>> -> memref<20000x128xf32, #tpu.memory_space<hbm>>
      tpu.wait_indirect_dma semaphore(%arg16 : memref<!tpu.dma_semaphore, #tpu.memory_space<semaphore_mem>>) src(%dma_wait3A_462 : memref<20000x128xf32, #tpu.memory_space<hbm>>) dst(%arg12 : memref<80x128xf32, #tpu.memory_space<vmem>>)
      %dma_start3A_463 = arith.constant 0 : i32
      %dma_start3A_464 = tpu.memref_slice %arg8[%add3A_456, %dma_start3A_463] : memref<125x80xi32, #tpu.memory_space<vmem>> -> memref<1x80xi32, #tpu.memory_space<vmem>>
      %dma_start3A_465 = tpu.memref_squeeze %dma_start3A_464 : memref<1x80xi32, #tpu.memory_space<vmem>> -> memref<80xi32, #tpu.memory_space<vmem>>
      %dma_start3A_466 = arith.constant 0 : i32
      %dma_start3A_467 = arith.constant 0 : i32
      %dma_start3A_468 = tpu.memref_slice %arg6[%dma_start3A_466, %dma_start3A_467] : memref<10008x128xf32, #tpu.memory_space<vmem_shared>> -> memref<10008x128xf32, #tpu.memory_space<vmem_shared>>
      tpu.enqueue_indirect_dma source(%arg12 : memref<80x128xf32, #tpu.memory_space<vmem>>) target(%dma_start3A_468 : memref<10008x128xf32, #tpu.memory_space<vmem_shared>>) offsets(%dma_start3A_465 : memref<80xi32, #tpu.memory_space<vmem>>) semaphore(%arg18 : memref<!tpu.dma_semaphore, #tpu.memory_space<semaphore_mem>>) {add = true}
      %dma_wait3A_469 = arith.constant 0 : i32
      %dma_wait3A_470 = tpu.memref_slice %arg8[%add3A_456, %dma_wait3A_469] : memref<125x80xi32, #tpu.memory_space<vmem>> -> memref<1x80xi32, #tpu.memory_space<vmem>>
      %dma_wait3A_471 = tpu.memref_squeeze %dma_wait3A_470 : memref<1x80xi32, #tpu.memory_space<vmem>> -> memref<80xi32, #tpu.memory_space<vmem>>
      %dma_wait3A_472 = arith.constant 0 : i32
      %dma_wait3A_473 = arith.constant 0 : i32
      %dma_wait3A_474 = tpu.memref_slice %arg6[%dma_wait3A_472, %dma_wait3A_473] : memref<10008x128xf32, #tpu.memory_space<vmem_shared>> -> memref<10008x128xf32, #tpu.memory_space<vmem_shared>>
      tpu.wait_indirect_dma semaphore(%arg18 : memref<!tpu.dma_semaphore, #tpu.memory_space<semaphore_mem>>) src(%arg12 : memref<80x128xf32, #tpu.memory_space<vmem>>) dst(%dma_wait3A_474 : memref<10008x128xf32, #tpu.memory_space<vmem_shared>>)
      %add3A_475 = arith.constant 2 : i32
      %add3A_476 = arith.addi %add3A_456, %add3A_475 : i32
      %lt3A_477 = arith.constant 125 : i32
      %lt3A_478 = arith.cmpi slt, %add3A_476, %lt3A_477 : i32
      %convert_element_type3A_479 = arith.extui %lt3A_478 : i1 to i32
      %cond3A_480 = arith.constant 0 : i32
      %cond3A_481 = arith.cmpi ne, %convert_element_type3A_479, %cond3A_480 : i32
      scf.if %cond3A_481 {
        %add3A_483 = arith.constant 2 : i32
        %add3A_484 = arith.addi %add3A_456, %add3A_483 : i32
        %mul3A_485 = arith.constant 80 : i32
        %mul3A_486 = arith.muli %add3A_484, %mul3A_485 : i32
        %dma_start3A_487 = tpu.memref_slice %arg7[%mul3A_486] : memref<10000xi32, #tpu.memory_space<vmem>> -> memref<80xi32, #tpu.memory_space<vmem>>
        %dma_start3A_488 = arith.constant 0 : i32
        %dma_start3A_489 = arith.constant 0 : i32
        %dma_start3A_490 = tpu.memref_slice %arg2[%dma_start3A_488, %dma_start3A_489] : memref<20000x128xf32, #tpu.memory_space<hbm>> -> memref<20000x128xf32, #tpu.memory_space<hbm>>
        tpu.enqueue_indirect_dma source(%dma_start3A_490 : memref<20000x128xf32, #tpu.memory_space<hbm>>) target(%arg12 : memref<80x128xf32, #tpu.memory_space<vmem>>) offsets(%dma_start3A_487 : memref<80xi32, #tpu.memory_space<vmem>>) semaphore(%arg16 : memref<!tpu.dma_semaphore, #tpu.memory_space<semaphore_mem>>)
      } else {
      }
      %scan3A_482 = arith.constant 0 : i32
      scf.yield %scan3A_482 : i32
    }
    %scan3A_151 = arith.constant 62 : i32
    %dma_wait3A = arith.constant 9920 : i32
    %dma_wait3A_152 = tpu.memref_slice %arg7[%dma_wait3A] : memref<10000xi32, #tpu.memory_space<vmem>> -> memref<80xi32, #tpu.memory_space<vmem>>
    %dma_wait3A_153 = arith.constant 0 : i32
    %dma_wait3A_154 = arith.constant 0 : i32
    %dma_wait3A_155 = tpu.memref_slice %arg2[%dma_wait3A_153, %dma_wait3A_154] : memref<20000x128xf32, #tpu.memory_space<hbm>> -> memref<20000x128xf32, #tpu.memory_space<hbm>>
    tpu.wait_indirect_dma semaphore(%arg15 : memref<!tpu.dma_semaphore, #tpu.memory_space<semaphore_mem>>) src(%dma_wait3A_155 : memref<20000x128xf32, #tpu.memory_space<hbm>>) dst(%arg11 : memref<80x128xf32, #tpu.memory_space<vmem>>)
    %dma_start3A_156 = arith.constant 124 : i32
    %dma_start3A_157 = arith.constant 0 : i32
    %dma_start3A_158 = tpu.memref_slice %arg8[%dma_start3A_156, %dma_start3A_157] : memref<125x80xi32, #tpu.memory_space<vmem>> -> memref<1x80xi32, #tpu.memory_space<vmem>>
    %dma_start3A_159 = tpu.memref_squeeze %dma_start3A_158 : memref<1x80xi32, #tpu.memory_space<vmem>> -> memref<80xi32, #tpu.memory_space<vmem>>
    %dma_start3A_160 = arith.constant 0 : i32
    %dma_start3A_161 = arith.constant 0 : i32
    %dma_start3A_162 = tpu.memref_slice %arg6[%dma_start3A_160, %dma_start3A_161] : memref<10008x128xf32, #tpu.memory_space<vmem_shared>> -> memref<10008x128xf32, #tpu.memory_space<vmem_shared>>
    tpu.enqueue_indirect_dma source(%arg11 : memref<80x128xf32, #tpu.memory_space<vmem>>) target(%dma_start3A_162 : memref<10008x128xf32, #tpu.memory_space<vmem_shared>>) offsets(%dma_start3A_159 : memref<80xi32, #tpu.memory_space<vmem>>) semaphore(%arg17 : memref<!tpu.dma_semaphore, #tpu.memory_space<semaphore_mem>>) {add = true}
    %dma_wait3A_163 = arith.constant 124 : i32
    %dma_wait3A_164 = arith.constant 0 : i32
    %dma_wait3A_165 = tpu.memref_slice %arg8[%dma_wait3A_163, %dma_wait3A_164] : memref<125x80xi32, #tpu.memory_space<vmem>> -> memref<1x80xi32, #tpu.memory_space<vmem>>
    %dma_wait3A_166 = tpu.memref_squeeze %dma_wait3A_165 : memref<1x80xi32, #tpu.memory_space<vmem>> -> memref<80xi32, #tpu.memory_space<vmem>>
    %dma_wait3A_167 = arith.constant 0 : i32
    %dma_wait3A_168 = arith.constant 0 : i32
    %dma_wait3A_169 = tpu.memref_slice %arg6[%dma_wait3A_167, %dma_wait3A_168] : memref<10008x128xf32, #tpu.memory_space<vmem_shared>> -> memref<10008x128xf32, #tpu.memory_space<vmem_shared>>
    tpu.wait_indirect_dma semaphore(%arg17 : memref<!tpu.dma_semaphore, #tpu.memory_space<semaphore_mem>>) src(%arg11 : memref<80x128xf32, #tpu.memory_space<vmem>>) dst(%dma_wait3A_169 : memref<10008x128xf32, #tpu.memory_space<vmem_shared>>)
    %dma_start3A_170 = arith.constant 0 : i32
    %dma_start3A_171 = tpu.memref_slice %arg9[%dma_start3A_170] : memref<640xi32, #tpu.memory_space<vmem>> -> memref<80xi32, #tpu.memory_space<vmem>>
    %dma_start3A_172 = arith.constant 0 : i32
    %dma_start3A_173 = arith.constant 0 : i32
    %dma_start3A_174 = tpu.memref_slice %arg6[%dma_start3A_172, %dma_start3A_173] : memref<10008x128xf32, #tpu.memory_space<vmem_shared>> -> memref<10008x128xf32, #tpu.memory_space<vmem_shared>>
    tpu.enqueue_indirect_dma source(%dma_start3A_174 : memref<10008x128xf32, #tpu.memory_space<vmem_shared>>) target(%arg11 : memref<80x128xf32, #tpu.memory_space<vmem>>) offsets(%dma_start3A_171 : memref<80xi32, #tpu.memory_space<vmem>>) semaphore(%arg15 : memref<!tpu.dma_semaphore, #tpu.memory_space<semaphore_mem>>)
    %dma_start3A_175 = arith.constant 80 : i32
    %dma_start3A_176 = tpu.memref_slice %arg9[%dma_start3A_175] : memref<640xi32, #tpu.memory_space<vmem>> -> memref<80xi32, #tpu.memory_space<vmem>>
    %dma_start3A_177 = arith.constant 0 : i32
    %dma_start3A_178 = arith.constant 0 : i32
    %dma_start3A_179 = tpu.memref_slice %arg6[%dma_start3A_177, %dma_start3A_178] : memref<10008x128xf32, #tpu.memory_space<vmem_shared>> -> memref<10008x128xf32, #tpu.memory_space<vmem_shared>>
    tpu.enqueue_indirect_dma source(%dma_start3A_179 : memref<10008x128xf32, #tpu.memory_space<vmem_shared>>) target(%arg12 : memref<80x128xf32, #tpu.memory_space<vmem>>) offsets(%dma_start3A_176 : memref<80xi32, #tpu.memory_space<vmem>>) semaphore(%arg16 : memref<!tpu.dma_semaphore, #tpu.memory_space<semaphore_mem>>)
    %dma_wait3A_180 = arith.constant 0 : i32
    %dma_wait3A_181 = tpu.memref_slice %arg9[%dma_wait3A_180] : memref<640xi32, #tpu.memory_space<vmem>> -> memref<80xi32, #tpu.memory_space<vmem>>
    %dma_wait3A_182 = arith.constant 0 : i32
    %dma_wait3A_183 = arith.constant 0 : i32
    %dma_wait3A_184 = tpu.memref_slice %arg6[%dma_wait3A_182, %dma_wait3A_183] : memref<10008x128xf32, #tpu.memory_space<vmem_shared>> -> memref<10008x128xf32, #tpu.memory_space<vmem_shared>>
    tpu.wait_indirect_dma semaphore(%arg15 : memref<!tpu.dma_semaphore, #tpu.memory_space<semaphore_mem>>) src(%dma_wait3A_184 : memref<10008x128xf32, #tpu.memory_space<vmem_shared>>) dst(%arg11 : memref<80x128xf32, #tpu.memory_space<vmem>>)
    %dma_start3A_185 = arith.constant 0 : i32
    %dma_start3A_186 = arith.constant 0 : i32
    %dma_start3A_187 = tpu.memref_slice %arg10[%dma_start3A_185, %dma_start3A_186] : memref<8x80xi32, #tpu.memory_space<vmem>> -> memref<1x80xi32, #tpu.memory_space<vmem>>
    %dma_start3A_188 = tpu.memref_squeeze %dma_start3A_187 : memref<1x80xi32, #tpu.memory_space<vmem>> -> memref<80xi32, #tpu.memory_space<vmem>>
    %dma_start3A_189 = arith.constant 0 : i32
    %dma_start3A_190 = arith.constant 0 : i32
    %dma_start3A_191 = tpu.memref_slice %arg4[%dma_start3A_189, %dma_start3A_190] : memref<20000x128xf32, #tpu.memory_space<hbm>> -> memref<20000x128xf32, #tpu.memory_space<hbm>>
    tpu.enqueue_indirect_dma source(%arg11 : memref<80x128xf32, #tpu.memory_space<vmem>>) target(%dma_start3A_191 : memref<20000x128xf32, #tpu.memory_space<hbm>>) offsets(%dma_start3A_188 : memref<80xi32, #tpu.memory_space<vmem>>) semaphore(%arg19 : memref<!tpu.dma_semaphore, #tpu.memory_space<semaphore_mem>>)
    %scan3A_192 = arith.constant 0 : i32
    %scan3A_193 = arith.constant 0 : i32
    %scan3A_194 = arith.constant 80 : i32
    %scan3A_195 = arith.addi %scan3A_193, %scan3A_194 : i32
    %scan3A_196 = arith.constant 1 : i32
    %scan3A_197 = scf.for %scan3A_424 = %scan3A_193 to %scan3A_195 step %scan3A_196 iter_args(%scan3A_425 = %scan3A_192) -> (i32)  : i32 {
      %get3A = arith.index_cast %scan3A_424 : i32 to index
      %get3A_426 = arith.constant 0 : index
      %get3A_427 = tpu.vector_load %arg11[%get3A, %get3A_426] {strides = array<i32>} : memref<80x128xf32, #tpu.memory_space<vmem>>, vector<1x16xf32>,
      %get3A_428 = vector.shape_cast %get3A_427 : vector<1x16xf32> to vector<16xf32>
      %swap3A_429 = arith.constant 0 : index
      %swap3A_430 = tpu.vector_load %arg13[%swap3A_429] {strides = array<i32>} : memref<128xf32, #tpu.memory_space<vmem>>, vector<16xf32>,
      %swap3A_431 = vector.shape_cast %swap3A_430 : vector<16xf32> to vector<16xf32>
      %swap3A_432 = vector.shape_cast %get3A_428 : vector<16xf32> to vector<16xf32>
      tpu.vector_store %arg13[%swap3A_429], %swap3A_432 {add = true, strides = array<i32>} : memref<128xf32, #tpu.memory_space<vmem>>, vector<16xf32>,
      %mul3A_433 = arith.mulf %get3A_428, %get3A_428 : vector<16xf32>
      %swap3A_434 = arith.constant 0 : index
      %swap3A_435 = tpu.vector_load %arg14[%swap3A_434] {strides = array<i32>} : memref<128xf32, #tpu.memory_space<vmem>>, vector<16xf32>,
      %swap3A_436 = vector.shape_cast %swap3A_435 : vector<16xf32> to vector<16xf32>
      %swap3A_437 = vector.shape_cast %mul3A_433 : vector<16xf32> to vector<16xf32>
      tpu.vector_store %arg14[%swap3A_434], %swap3A_437 {add = true, strides = array<i32>} : memref<128xf32, #tpu.memory_space<vmem>>, vector<16xf32>,
      %get3A_438 = arith.index_cast %scan3A_424 : i32 to index
      %get3A_439 = arith.constant 16 : index
      %get3A_440 = tpu.vector_load %arg11[%get3A_438, %get3A_439] {strides = array<i32>} : memref<80x128xf32, #tpu.memory_space<vmem>>, vector<1x16xf32>,
      %get3A_441 = vector.shape_cast %get3A_440 : vector<1x16xf32> to vector<16xf32>
      %swap3A_442 = arith.constant 16 : index
      %swap3A_443 = tpu.vector_load %arg13[%swap3A_442] {strides = array<i32>} : memref<128xf32, #tpu.memory_space<vmem>>, vector<16xf32>,
      %swap3A_444 = vector.shape_cast %swap3A_443 : vector<16xf32> to vector<16xf32>
      %swap3A_445 = vector.shape_cast %get3A_441 : vector<16xf32> to vector<16xf32>
      tpu.vector_store %arg13[%swap3A_442], %swap3A_445 {add = true, strides = array<i32>} : memref<128xf32, #tpu.memory_space<vmem>>, vector<16xf32>,
      %mul3A_446 = arith.mulf %get3A_441, %get3A_441 : vector<16xf32>
      %swap3A_447 = arith.constant 16 : index
      %swap3A_448 = tpu.vector_load %arg14[%swap3A_447] {strides = array<i32>} : memref<128xf32, #tpu.memory_space<vmem>>, vector<16xf32>,
      %swap3A_449 = vector.shape_cast %swap3A_448 : vector<16xf32> to vector<16xf32>
      %swap3A_450 = vector.shape_cast %mul3A_446 : vector<16xf32> to vector<16xf32>
      tpu.vector_store %arg14[%swap3A_447], %swap3A_450 {add = true, strides = array<i32>} : memref<128xf32, #tpu.memory_space<vmem>>, vector<16xf32>,
      %get3A_451 = arith.index_cast %scan3A_424 : i32 to index
      %get3A_452 = arith.constant 32 : index
      %get3A_453 = tpu.vector_load %arg11[%get3A_451, %get3A_452] {strides = array<i32>} : memref<80x128xf32, #tpu.memory_space<vmem>>, vector<1x16xf32>,
      %get3A_454 = vector.shape_cast %get3A_453 : vector<1x16xf32> to vector<16xf32>
      %swap3A_455 = arith.constant 32 : index
      %swap3A_456 = tpu.vector_load %arg13[%swap3A_455] {strides = array<i32>} : memref<128xf32, #tpu.memory_space<vmem>>, vector<16xf32>,
      %swap3A_457 = vector.shape_cast %swap3A_456 : vector<16xf32> to vector<16xf32>
      %swap3A_458 = vector.shape_cast %get3A_454 : vector<16xf32> to vector<16xf32>
      tpu.vector_store %arg13[%swap3A_455], %swap3A_458 {add = true, strides = array<i32>} : memref<128xf32, #tpu.memory_space<vmem>>, vector<16xf32>,
      %mul3A_459 = arith.mulf %get3A_454, %get3A_454 : vector<16xf32>
      %swap3A_460 = arith.constant 32 : index
      %swap3A_461 = tpu.vector_load %arg14[%swap3A_460] {strides = array<i32>} : memref<128xf32, #tpu.memory_space<vmem>>, vector<16xf32>,
      %swap3A_462 = vector.shape_cast %swap3A_461 : vector<16xf32> to vector<16xf32>
      %swap3A_463 = vector.shape_cast %mul3A_459 : vector<16xf32> to vector<16xf32>
      tpu.vector_store %arg14[%swap3A_460], %swap3A_463 {add = true, strides = array<i32>} : memref<128xf32, #tpu.memory_space<vmem>>, vector<16xf32>,
      %get3A_464 = arith.index_cast %scan3A_424 : i32 to index
      %get3A_465 = arith.constant 48 : index
      %get3A_466 = tpu.vector_load %arg11[%get3A_464, %get3A_465] {strides = array<i32>} : memref<80x128xf32, #tpu.memory_space<vmem>>, vector<1x16xf32>,
      %get3A_467 = vector.shape_cast %get3A_466 : vector<1x16xf32> to vector<16xf32>
      %swap3A_468 = arith.constant 48 : index
      %swap3A_469 = tpu.vector_load %arg13[%swap3A_468] {strides = array<i32>} : memref<128xf32, #tpu.memory_space<vmem>>, vector<16xf32>,
      %swap3A_470 = vector.shape_cast %swap3A_469 : vector<16xf32> to vector<16xf32>
      %swap3A_471 = vector.shape_cast %get3A_467 : vector<16xf32> to vector<16xf32>
      tpu.vector_store %arg13[%swap3A_468], %swap3A_471 {add = true, strides = array<i32>} : memref<128xf32, #tpu.memory_space<vmem>>, vector<16xf32>,
      %mul3A_472 = arith.mulf %get3A_467, %get3A_467 : vector<16xf32>
      %swap3A_473 = arith.constant 48 : index
      %swap3A_474 = tpu.vector_load %arg14[%swap3A_473] {strides = array<i32>} : memref<128xf32, #tpu.memory_space<vmem>>, vector<16xf32>,
      %swap3A_475 = vector.shape_cast %swap3A_474 : vector<16xf32> to vector<16xf32>
      %swap3A_476 = vector.shape_cast %mul3A_472 : vector<16xf32> to vector<16xf32>
      tpu.vector_store %arg14[%swap3A_473], %swap3A_476 {add = true, strides = array<i32>} : memref<128xf32, #tpu.memory_space<vmem>>, vector<16xf32>,
      %get3A_477 = arith.index_cast %scan3A_424 : i32 to index
      %get3A_478 = arith.constant 64 : index
      %get3A_479 = tpu.vector_load %arg11[%get3A_477, %get3A_478] {strides = array<i32>} : memref<80x128xf32, #tpu.memory_space<vmem>>, vector<1x16xf32>,
      %get3A_480 = vector.shape_cast %get3A_479 : vector<1x16xf32> to vector<16xf32>
      %swap3A_481 = arith.constant 64 : index
      %swap3A_482 = tpu.vector_load %arg13[%swap3A_481] {strides = array<i32>} : memref<128xf32, #tpu.memory_space<vmem>>, vector<16xf32>,
      %swap3A_483 = vector.shape_cast %swap3A_482 : vector<16xf32> to vector<16xf32>
      %swap3A_484 = vector.shape_cast %get3A_480 : vector<16xf32> to vector<16xf32>
      tpu.vector_store %arg13[%swap3A_481], %swap3A_484 {add = true, strides = array<i32>} : memref<128xf32, #tpu.memory_space<vmem>>, vector<16xf32>,
      %mul3A_485 = arith.mulf %get3A_480, %get3A_480 : vector<16xf32>
      %swap3A_486 = arith.constant 64 : index
      %swap3A_487 = tpu.vector_load %arg14[%swap3A_486] {strides = array<i32>} : memref<128xf32, #tpu.memory_space<vmem>>, vector<16xf32>,
      %swap3A_488 = vector.shape_cast %swap3A_487 : vector<16xf32> to vector<16xf32>
      %swap3A_489 = vector.shape_cast %mul3A_485 : vector<16xf32> to vector<16xf32>
      tpu.vector_store %arg14[%swap3A_486], %swap3A_489 {add = true, strides = array<i32>} : memref<128xf32, #tpu.memory_space<vmem>>, vector<16xf32>,
      %get3A_490 = arith.index_cast %scan3A_424 : i32 to index
      %get3A_491 = arith.constant 80 : index
      %get3A_492 = tpu.vector_load %arg11[%get3A_490, %get3A_491] {strides = array<i32>} : memref<80x128xf32, #tpu.memory_space<vmem>>, vector<1x16xf32>,
      %get3A_493 = vector.shape_cast %get3A_492 : vector<1x16xf32> to vector<16xf32>
      %swap3A_494 = arith.constant 80 : index
      %swap3A_495 = tpu.vector_load %arg13[%swap3A_494] {strides = array<i32>} : memref<128xf32, #tpu.memory_space<vmem>>, vector<16xf32>,
      %swap3A_496 = vector.shape_cast %swap3A_495 : vector<16xf32> to vector<16xf32>
      %swap3A_497 = vector.shape_cast %get3A_493 : vector<16xf32> to vector<16xf32>
      tpu.vector_store %arg13[%swap3A_494], %swap3A_497 {add = true, strides = array<i32>} : memref<128xf32, #tpu.memory_space<vmem>>, vector<16xf32>,
      %mul3A_498 = arith.mulf %get3A_493, %get3A_493 : vector<16xf32>
      %swap3A_499 = arith.constant 80 : index
      %swap3A_500 = tpu.vector_load %arg14[%swap3A_499] {strides = array<i32>} : memref<128xf32, #tpu.memory_space<vmem>>, vector<16xf32>,
      %swap3A_501 = vector.shape_cast %swap3A_500 : vector<16xf32> to vector<16xf32>
      %swap3A_502 = vector.shape_cast %mul3A_498 : vector<16xf32> to vector<16xf32>
      tpu.vector_store %arg14[%swap3A_499], %swap3A_502 {add = true, strides = array<i32>} : memref<128xf32, #tpu.memory_space<vmem>>, vector<16xf32>,
      %get3A_503 = arith.index_cast %scan3A_424 : i32 to index
      %get3A_504 = arith.constant 96 : index
      %get3A_505 = tpu.vector_load %arg11[%get3A_503, %get3A_504] {strides = array<i32>} : memref<80x128xf32, #tpu.memory_space<vmem>>, vector<1x16xf32>,
      %get3A_506 = vector.shape_cast %get3A_505 : vector<1x16xf32> to vector<16xf32>
      %swap3A_507 = arith.constant 96 : index
      %swap3A_508 = tpu.vector_load %arg13[%swap3A_507] {strides = array<i32>} : memref<128xf32, #tpu.memory_space<vmem>>, vector<16xf32>,
      %swap3A_509 = vector.shape_cast %swap3A_508 : vector<16xf32> to vector<16xf32>
      %swap3A_510 = vector.shape_cast %get3A_506 : vector<16xf32> to vector<16xf32>
      tpu.vector_store %arg13[%swap3A_507], %swap3A_510 {add = true, strides = array<i32>} : memref<128xf32, #tpu.memory_space<vmem>>, vector<16xf32>,
      %mul3A_511 = arith.mulf %get3A_506, %get3A_506 : vector<16xf32>
      %swap3A_512 = arith.constant 96 : index
      %swap3A_513 = tpu.vector_load %arg14[%swap3A_512] {strides = array<i32>} : memref<128xf32, #tpu.memory_space<vmem>>, vector<16xf32>,
      %swap3A_514 = vector.shape_cast %swap3A_513 : vector<16xf32> to vector<16xf32>
      %swap3A_515 = vector.shape_cast %mul3A_511 : vector<16xf32> to vector<16xf32>
      tpu.vector_store %arg14[%swap3A_512], %swap3A_515 {add = true, strides = array<i32>} : memref<128xf32, #tpu.memory_space<vmem>>, vector<16xf32>,
      %get3A_516 = arith.index_cast %scan3A_424 : i32 to index
      %get3A_517 = arith.constant 112 : index
      %get3A_518 = tpu.vector_load %arg11[%get3A_516, %get3A_517] {strides = array<i32>} : memref<80x128xf32, #tpu.memory_space<vmem>>, vector<1x16xf32>,
      %get3A_519 = vector.shape_cast %get3A_518 : vector<1x16xf32> to vector<16xf32>
      %swap3A_520 = arith.constant 112 : index
      %swap3A_521 = tpu.vector_load %arg13[%swap3A_520] {strides = array<i32>} : memref<128xf32, #tpu.memory_space<vmem>>, vector<16xf32>,
      %swap3A_522 = vector.shape_cast %swap3A_521 : vector<16xf32> to vector<16xf32>
      %swap3A_523 = vector.shape_cast %get3A_519 : vector<16xf32> to vector<16xf32>
      tpu.vector_store %arg13[%swap3A_520], %swap3A_523 {add = true, strides = array<i32>} : memref<128xf32, #tpu.memory_space<vmem>>, vector<16xf32>,
      %mul3A_524 = arith.mulf %get3A_519, %get3A_519 : vector<16xf32>
      %swap3A_525 = arith.constant 112 : index
      %swap3A_526 = tpu.vector_load %arg14[%swap3A_525] {strides = array<i32>} : memref<128xf32, #tpu.memory_space<vmem>>, vector<16xf32>,
      %swap3A_527 = vector.shape_cast %swap3A_526 : vector<16xf32> to vector<16xf32>
      %swap3A_528 = vector.shape_cast %mul3A_524 : vector<16xf32> to vector<16xf32>
      tpu.vector_store %arg14[%swap3A_525], %swap3A_528 {add = true, strides = array<i32>} : memref<128xf32, #tpu.memory_space<vmem>>, vector<16xf32>,
      %scan3A_529 = arith.constant 0 : i32
      scf.yield %scan3A_529 : i32
    }
    %scan3A_198 = arith.constant 80 : i32
    %dma_wait3A_199 = arith.constant 0 : i32
    %dma_wait3A_200 = arith.constant 0 : i32
    %dma_wait3A_201 = tpu.memref_slice %arg10[%dma_wait3A_199, %dma_wait3A_200] : memref<8x80xi32, #tpu.memory_space<vmem>> -> memref<1x80xi32, #tpu.memory_space<vmem>>
    %dma_wait3A_202 = tpu.memref_squeeze %dma_wait3A_201 : memref<1x80xi32, #tpu.memory_space<vmem>> -> memref<80xi32, #tpu.memory_space<vmem>>
    %dma_wait3A_203 = arith.constant 0 : i32
    %dma_wait3A_204 = arith.constant 0 : i32
    %dma_wait3A_205 = tpu.memref_slice %arg4[%dma_wait3A_203, %dma_wait3A_204] : memref<20000x128xf32, #tpu.memory_space<hbm>> -> memref<20000x128xf32, #tpu.memory_space<hbm>>
    tpu.wait_indirect_dma semaphore(%arg19 : memref<!tpu.dma_semaphore, #tpu.memory_space<semaphore_mem>>) src(%arg11 : memref<80x128xf32, #tpu.memory_space<vmem>>) dst(%dma_wait3A_205 : memref<20000x128xf32, #tpu.memory_space<hbm>>)
    %dma_start3A_206 = arith.constant 160 : i32
    %dma_start3A_207 = tpu.memref_slice %arg9[%dma_start3A_206] : memref<640xi32, #tpu.memory_space<vmem>> -> memref<80xi32, #tpu.memory_space<vmem>>
    %dma_start3A_208 = arith.constant 0 : i32
    %dma_start3A_209 = arith.constant 0 : i32
    %dma_start3A_210 = tpu.memref_slice %arg6[%dma_start3A_208, %dma_start3A_209] : memref<10008x128xf32, #tpu.memory_space<vmem_shared>> -> memref<10008x128xf32, #tpu.memory_space<vmem_shared>>
    tpu.enqueue_indirect_dma source(%dma_start3A_210 : memref<10008x128xf32, #tpu.memory_space<vmem_shared>>) target(%arg11 : memref<80x128xf32, #tpu.memory_space<vmem>>) offsets(%dma_start3A_207 : memref<80xi32, #tpu.memory_space<vmem>>) semaphore(%arg15 : memref<!tpu.dma_semaphore, #tpu.memory_space<semaphore_mem>>)
    %dma_wait3A_211 = arith.constant 80 : i32
    %dma_wait3A_212 = tpu.memref_slice %arg9[%dma_wait3A_211] : memref<640xi32, #tpu.memory_space<vmem>> -> memref<80xi32, #tpu.memory_space<vmem>>
    %dma_wait3A_213 = arith.constant 0 : i32
    %dma_wait3A_214 = arith.constant 0 : i32
    %dma_wait3A_215 = tpu.memref_slice %arg6[%dma_wait3A_213, %dma_wait3A_214] : memref<10008x128xf32, #tpu.memory_space<vmem_shared>> -> memref<10008x128xf32, #tpu.memory_space<vmem_shared>>
    tpu.wait_indirect_dma semaphore(%arg16 : memref<!tpu.dma_semaphore, #tpu.memory_space<semaphore_mem>>) src(%dma_wait3A_215 : memref<10008x128xf32, #tpu.memory_space<vmem_shared>>) dst(%arg12 : memref<80x128xf32, #tpu.memory_space<vmem>>)
    %dma_start3A_216 = arith.constant 1 : i32
    %dma_start3A_217 = arith.constant 0 : i32
    %dma_start3A_218 = tpu.memref_slice %arg10[%dma_start3A_216, %dma_start3A_217] : memref<8x80xi32, #tpu.memory_space<vmem>> -> memref<1x80xi32, #tpu.memory_space<vmem>>
    %dma_start3A_219 = tpu.memref_squeeze %dma_start3A_218 : memref<1x80xi32, #tpu.memory_space<vmem>> -> memref<80xi32, #tpu.memory_space<vmem>>
    %dma_start3A_220 = arith.constant 0 : i32
    %dma_start3A_221 = arith.constant 0 : i32
    %dma_start3A_222 = tpu.memref_slice %arg4[%dma_start3A_220, %dma_start3A_221] : memref<20000x128xf32, #tpu.memory_space<hbm>> -> memref<20000x128xf32, #tpu.memory_space<hbm>>
    tpu.enqueue_indirect_dma source(%arg12 : memref<80x128xf32, #tpu.memory_space<vmem>>) target(%dma_start3A_222 : memref<20000x128xf32, #tpu.memory_space<hbm>>) offsets(%dma_start3A_219 : memref<80xi32, #tpu.memory_space<vmem>>) semaphore(%arg19 : memref<!tpu.dma_semaphore, #tpu.memory_space<semaphore_mem>>)
    %scan3A_223 = arith.constant 0 : i32
    %scan3A_224 = arith.constant 0 : i32
    %scan3A_225 = arith.constant 80 : i32
    %scan3A_226 = arith.addi %scan3A_224, %scan3A_225 : i32
    %scan3A_227 = arith.constant 1 : i32
    %scan3A_228 = scf.for %scan3A_424 = %scan3A_224 to %scan3A_226 step %scan3A_227 iter_args(%scan3A_425 = %scan3A_223) -> (i32)  : i32 {
      %get3A = arith.index_cast %scan3A_424 : i32 to index
      %get3A_426 = arith.constant 0 : index
      %get3A_427 = tpu.vector_load %arg12[%get3A, %get3A_426] {strides = array<i32>} : memref<80x128xf32, #tpu.memory_space<vmem>>, vector<1x16xf32>,
      %get3A_428 = vector.shape_cast %get3A_427 : vector<1x16xf32> to vector<16xf32>
      %swap3A_429 = arith.constant 0 : index
      %swap3A_430 = tpu.vector_load %arg13[%swap3A_429] {strides = array<i32>} : memref<128xf32, #tpu.memory_space<vmem>>, vector<16xf32>,
      %swap3A_431 = vector.shape_cast %swap3A_430 : vector<16xf32> to vector<16xf32>
      %swap3A_432 = vector.shape_cast %get3A_428 : vector<16xf32> to vector<16xf32>
      tpu.vector_store %arg13[%swap3A_429], %swap3A_432 {add = true, strides = array<i32>} : memref<128xf32, #tpu.memory_space<vmem>>, vector<16xf32>,
      %mul3A_433 = arith.mulf %get3A_428, %get3A_428 : vector<16xf32>
      %swap3A_434 = arith.constant 0 : index
      %swap3A_435 = tpu.vector_load %arg14[%swap3A_434] {strides = array<i32>} : memref<128xf32, #tpu.memory_space<vmem>>, vector<16xf32>,
      %swap3A_436 = vector.shape_cast %swap3A_435 : vector<16xf32> to vector<16xf32>
      %swap3A_437 = vector.shape_cast %mul3A_433 : vector<16xf32> to vector<16xf32>
      tpu.vector_store %arg14[%swap3A_434], %swap3A_437 {add = true, strides = array<i32>} : memref<128xf32, #tpu.memory_space<vmem>>, vector<16xf32>,
      %get3A_438 = arith.index_cast %scan3A_424 : i32 to index
      %get3A_439 = arith.constant 16 : index
      %get3A_440 = tpu.vector_load %arg12[%get3A_438, %get3A_439] {strides = array<i32>} : memref<80x128xf32, #tpu.memory_space<vmem>>, vector<1x16xf32>,
      %get3A_441 = vector.shape_cast %get3A_440 : vector<1x16xf32> to vector<16xf32>
      %swap3A_442 = arith.constant 16 : index
      %swap3A_443 = tpu.vector_load %arg13[%swap3A_442] {strides = array<i32>} : memref<128xf32, #tpu.memory_space<vmem>>, vector<16xf32>,
      %swap3A_444 = vector.shape_cast %swap3A_443 : vector<16xf32> to vector<16xf32>
      %swap3A_445 = vector.shape_cast %get3A_441 : vector<16xf32> to vector<16xf32>
      tpu.vector_store %arg13[%swap3A_442], %swap3A_445 {add = true, strides = array<i32>} : memref<128xf32, #tpu.memory_space<vmem>>, vector<16xf32>,
      %mul3A_446 = arith.mulf %get3A_441, %get3A_441 : vector<16xf32>
      %swap3A_447 = arith.constant 16 : index
      %swap3A_448 = tpu.vector_load %arg14[%swap3A_447] {strides = array<i32>} : memref<128xf32, #tpu.memory_space<vmem>>, vector<16xf32>,
      %swap3A_449 = vector.shape_cast %swap3A_448 : vector<16xf32> to vector<16xf32>
      %swap3A_450 = vector.shape_cast %mul3A_446 : vector<16xf32> to vector<16xf32>
      tpu.vector_store %arg14[%swap3A_447], %swap3A_450 {add = true, strides = array<i32>} : memref<128xf32, #tpu.memory_space<vmem>>, vector<16xf32>,
      %get3A_451 = arith.index_cast %scan3A_424 : i32 to index
      %get3A_452 = arith.constant 32 : index
      %get3A_453 = tpu.vector_load %arg12[%get3A_451, %get3A_452] {strides = array<i32>} : memref<80x128xf32, #tpu.memory_space<vmem>>, vector<1x16xf32>,
      %get3A_454 = vector.shape_cast %get3A_453 : vector<1x16xf32> to vector<16xf32>
      %swap3A_455 = arith.constant 32 : index
      %swap3A_456 = tpu.vector_load %arg13[%swap3A_455] {strides = array<i32>} : memref<128xf32, #tpu.memory_space<vmem>>, vector<16xf32>,
      %swap3A_457 = vector.shape_cast %swap3A_456 : vector<16xf32> to vector<16xf32>
      %swap3A_458 = vector.shape_cast %get3A_454 : vector<16xf32> to vector<16xf32>
      tpu.vector_store %arg13[%swap3A_455], %swap3A_458 {add = true, strides = array<i32>} : memref<128xf32, #tpu.memory_space<vmem>>, vector<16xf32>,
      %mul3A_459 = arith.mulf %get3A_454, %get3A_454 : vector<16xf32>
      %swap3A_460 = arith.constant 32 : index
      %swap3A_461 = tpu.vector_load %arg14[%swap3A_460] {strides = array<i32>} : memref<128xf32, #tpu.memory_space<vmem>>, vector<16xf32>,
      %swap3A_462 = vector.shape_cast %swap3A_461 : vector<16xf32> to vector<16xf32>
      %swap3A_463 = vector.shape_cast %mul3A_459 : vector<16xf32> to vector<16xf32>
      tpu.vector_store %arg14[%swap3A_460], %swap3A_463 {add = true, strides = array<i32>} : memref<128xf32, #tpu.memory_space<vmem>>, vector<16xf32>,
      %get3A_464 = arith.index_cast %scan3A_424 : i32 to index
      %get3A_465 = arith.constant 48 : index
      %get3A_466 = tpu.vector_load %arg12[%get3A_464, %get3A_465] {strides = array<i32>} : memref<80x128xf32, #tpu.memory_space<vmem>>, vector<1x16xf32>,
      %get3A_467 = vector.shape_cast %get3A_466 : vector<1x16xf32> to vector<16xf32>
      %swap3A_468 = arith.constant 48 : index
      %swap3A_469 = tpu.vector_load %arg13[%swap3A_468] {strides = array<i32>} : memref<128xf32, #tpu.memory_space<vmem>>, vector<16xf32>,
      %swap3A_470 = vector.shape_cast %swap3A_469 : vector<16xf32> to vector<16xf32>
      %swap3A_471 = vector.shape_cast %get3A_467 : vector<16xf32> to vector<16xf32>
      tpu.vector_store %arg13[%swap3A_468], %swap3A_471 {add = true, strides = array<i32>} : memref<128xf32, #tpu.memory_space<vmem>>, vector<16xf32>,
      %mul3A_472 = arith.mulf %get3A_467, %get3A_467 : vector<16xf32>
      %swap3A_473 = arith.constant 48 : index
      %swap3A_474 = tpu.vector_load %arg14[%swap3A_473] {strides = array<i32>} : memref<128xf32, #tpu.memory_space<vmem>>, vector<16xf32>,
      %swap3A_475 = vector.shape_cast %swap3A_474 : vector<16xf32> to vector<16xf32>
      %swap3A_476 = vector.shape_cast %mul3A_472 : vector<16xf32> to vector<16xf32>
      tpu.vector_store %arg14[%swap3A_473], %swap3A_476 {add = true, strides = array<i32>} : memref<128xf32, #tpu.memory_space<vmem>>, vector<16xf32>,
      %get3A_477 = arith.index_cast %scan3A_424 : i32 to index
      %get3A_478 = arith.constant 64 : index
      %get3A_479 = tpu.vector_load %arg12[%get3A_477, %get3A_478] {strides = array<i32>} : memref<80x128xf32, #tpu.memory_space<vmem>>, vector<1x16xf32>,
      %get3A_480 = vector.shape_cast %get3A_479 : vector<1x16xf32> to vector<16xf32>
      %swap3A_481 = arith.constant 64 : index
      %swap3A_482 = tpu.vector_load %arg13[%swap3A_481] {strides = array<i32>} : memref<128xf32, #tpu.memory_space<vmem>>, vector<16xf32>,
      %swap3A_483 = vector.shape_cast %swap3A_482 : vector<16xf32> to vector<16xf32>
      %swap3A_484 = vector.shape_cast %get3A_480 : vector<16xf32> to vector<16xf32>
      tpu.vector_store %arg13[%swap3A_481], %swap3A_484 {add = true, strides = array<i32>} : memref<128xf32, #tpu.memory_space<vmem>>, vector<16xf32>,
      %mul3A_485 = arith.mulf %get3A_480, %get3A_480 : vector<16xf32>
      %swap3A_486 = arith.constant 64 : index
      %swap3A_487 = tpu.vector_load %arg14[%swap3A_486] {strides = array<i32>} : memref<128xf32, #tpu.memory_space<vmem>>, vector<16xf32>,
      %swap3A_488 = vector.shape_cast %swap3A_487 : vector<16xf32> to vector<16xf32>
      %swap3A_489 = vector.shape_cast %mul3A_485 : vector<16xf32> to vector<16xf32>
      tpu.vector_store %arg14[%swap3A_486], %swap3A_489 {add = true, strides = array<i32>} : memref<128xf32, #tpu.memory_space<vmem>>, vector<16xf32>,
      %get3A_490 = arith.index_cast %scan3A_424 : i32 to index
      %get3A_491 = arith.constant 80 : index
      %get3A_492 = tpu.vector_load %arg12[%get3A_490, %get3A_491] {strides = array<i32>} : memref<80x128xf32, #tpu.memory_space<vmem>>, vector<1x16xf32>,
      %get3A_493 = vector.shape_cast %get3A_492 : vector<1x16xf32> to vector<16xf32>
      %swap3A_494 = arith.constant 80 : index
      %swap3A_495 = tpu.vector_load %arg13[%swap3A_494] {strides = array<i32>} : memref<128xf32, #tpu.memory_space<vmem>>, vector<16xf32>,
      %swap3A_496 = vector.shape_cast %swap3A_495 : vector<16xf32> to vector<16xf32>
      %swap3A_497 = vector.shape_cast %get3A_493 : vector<16xf32> to vector<16xf32>
      tpu.vector_store %arg13[%swap3A_494], %swap3A_497 {add = true, strides = array<i32>} : memref<128xf32, #tpu.memory_space<vmem>>, vector<16xf32>,
      %mul3A_498 = arith.mulf %get3A_493, %get3A_493 : vector<16xf32>
      %swap3A_499 = arith.constant 80 : index
      %swap3A_500 = tpu.vector_load %arg14[%swap3A_499] {strides = array<i32>} : memref<128xf32, #tpu.memory_space<vmem>>, vector<16xf32>,
      %swap3A_501 = vector.shape_cast %swap3A_500 : vector<16xf32> to vector<16xf32>
      %swap3A_502 = vector.shape_cast %mul3A_498 : vector<16xf32> to vector<16xf32>
      tpu.vector_store %arg14[%swap3A_499], %swap3A_502 {add = true, strides = array<i32>} : memref<128xf32, #tpu.memory_space<vmem>>, vector<16xf32>,
      %get3A_503 = arith.index_cast %scan3A_424 : i32 to index
      %get3A_504 = arith.constant 96 : index
      %get3A_505 = tpu.vector_load %arg12[%get3A_503, %get3A_504] {strides = array<i32>} : memref<80x128xf32, #tpu.memory_space<vmem>>, vector<1x16xf32>,
      %get3A_506 = vector.shape_cast %get3A_505 : vector<1x16xf32> to vector<16xf32>
      %swap3A_507 = arith.constant 96 : index
      %swap3A_508 = tpu.vector_load %arg13[%swap3A_507] {strides = array<i32>} : memref<128xf32, #tpu.memory_space<vmem>>, vector<16xf32>,
      %swap3A_509 = vector.shape_cast %swap3A_508 : vector<16xf32> to vector<16xf32>
      %swap3A_510 = vector.shape_cast %get3A_506 : vector<16xf32> to vector<16xf32>
      tpu.vector_store %arg13[%swap3A_507], %swap3A_510 {add = true, strides = array<i32>} : memref<128xf32, #tpu.memory_space<vmem>>, vector<16xf32>,
      %mul3A_511 = arith.mulf %get3A_506, %get3A_506 : vector<16xf32>
      %swap3A_512 = arith.constant 96 : index
      %swap3A_513 = tpu.vector_load %arg14[%swap3A_512] {strides = array<i32>} : memref<128xf32, #tpu.memory_space<vmem>>, vector<16xf32>,
      %swap3A_514 = vector.shape_cast %swap3A_513 : vector<16xf32> to vector<16xf32>
      %swap3A_515 = vector.shape_cast %mul3A_511 : vector<16xf32> to vector<16xf32>
      tpu.vector_store %arg14[%swap3A_512], %swap3A_515 {add = true, strides = array<i32>} : memref<128xf32, #tpu.memory_space<vmem>>, vector<16xf32>,
      %get3A_516 = arith.index_cast %scan3A_424 : i32 to index
      %get3A_517 = arith.constant 112 : index
      %get3A_518 = tpu.vector_load %arg12[%get3A_516, %get3A_517] {strides = array<i32>} : memref<80x128xf32, #tpu.memory_space<vmem>>, vector<1x16xf32>,
      %get3A_519 = vector.shape_cast %get3A_518 : vector<1x16xf32> to vector<16xf32>
      %swap3A_520 = arith.constant 112 : index
      %swap3A_521 = tpu.vector_load %arg13[%swap3A_520] {strides = array<i32>} : memref<128xf32, #tpu.memory_space<vmem>>, vector<16xf32>,
      %swap3A_522 = vector.shape_cast %swap3A_521 : vector<16xf32> to vector<16xf32>
      %swap3A_523 = vector.shape_cast %get3A_519 : vector<16xf32> to vector<16xf32>
      tpu.vector_store %arg13[%swap3A_520], %swap3A_523 {add = true, strides = array<i32>} : memref<128xf32, #tpu.memory_space<vmem>>, vector<16xf32>,
      %mul3A_524 = arith.mulf %get3A_519, %get3A_519 : vector<16xf32>
      %swap3A_525 = arith.constant 112 : index
      %swap3A_526 = tpu.vector_load %arg14[%swap3A_525] {strides = array<i32>} : memref<128xf32, #tpu.memory_space<vmem>>, vector<16xf32>,
      %swap3A_527 = vector.shape_cast %swap3A_526 : vector<16xf32> to vector<16xf32>
      %swap3A_528 = vector.shape_cast %mul3A_524 : vector<16xf32> to vector<16xf32>
      tpu.vector_store %arg14[%swap3A_525], %swap3A_528 {add = true, strides = array<i32>} : memref<128xf32, #tpu.memory_space<vmem>>, vector<16xf32>,
      %scan3A_529 = arith.constant 0 : i32
      scf.yield %scan3A_529 : i32
    }
    %scan3A_229 = arith.constant 80 : i32
    %dma_wait3A_230 = arith.constant 1 : i32
    %dma_wait3A_231 = arith.constant 0 : i32
    %dma_wait3A_232 = tpu.memref_slice %arg10[%dma_wait3A_230, %dma_wait3A_231] : memref<8x80xi32, #tpu.memory_space<vmem>> -> memref<1x80xi32, #tpu.memory_space<vmem>>
    %dma_wait3A_233 = tpu.memref_squeeze %dma_wait3A_232 : memref<1x80xi32, #tpu.memory_space<vmem>> -> memref<80xi32, #tpu.memory_space<vmem>>
    %dma_wait3A_234 = arith.constant 0 : i32
    %dma_wait3A_235 = arith.constant 0 : i32
    %dma_wait3A_236 = tpu.memref_slice %arg4[%dma_wait3A_234, %dma_wait3A_235] : memref<20000x128xf32, #tpu.memory_space<hbm>> -> memref<20000x128xf32, #tpu.memory_space<hbm>>
    tpu.wait_indirect_dma semaphore(%arg19 : memref<!tpu.dma_semaphore, #tpu.memory_space<semaphore_mem>>) src(%arg12 : memref<80x128xf32, #tpu.memory_space<vmem>>) dst(%dma_wait3A_236 : memref<20000x128xf32, #tpu.memory_space<hbm>>)
    %dma_start3A_237 = arith.constant 240 : i32
    %dma_start3A_238 = tpu.memref_slice %arg9[%dma_start3A_237] : memref<640xi32, #tpu.memory_space<vmem>> -> memref<80xi32, #tpu.memory_space<vmem>>
    %dma_start3A_239 = arith.constant 0 : i32
    %dma_start3A_240 = arith.constant 0 : i32
    %dma_start3A_241 = tpu.memref_slice %arg6[%dma_start3A_239, %dma_start3A_240] : memref<10008x128xf32, #tpu.memory_space<vmem_shared>> -> memref<10008x128xf32, #tpu.memory_space<vmem_shared>>
    tpu.enqueue_indirect_dma source(%dma_start3A_241 : memref<10008x128xf32, #tpu.memory_space<vmem_shared>>) target(%arg12 : memref<80x128xf32, #tpu.memory_space<vmem>>) offsets(%dma_start3A_238 : memref<80xi32, #tpu.memory_space<vmem>>) semaphore(%arg16 : memref<!tpu.dma_semaphore, #tpu.memory_space<semaphore_mem>>)
    %dma_wait3A_242 = arith.constant 160 : i32
    %dma_wait3A_243 = tpu.memref_slice %arg9[%dma_wait3A_242] : memref<640xi32, #tpu.memory_space<vmem>> -> memref<80xi32, #tpu.memory_space<vmem>>
    %dma_wait3A_244 = arith.constant 0 : i32
    %dma_wait3A_245 = arith.constant 0 : i32
    %dma_wait3A_246 = tpu.memref_slice %arg6[%dma_wait3A_244, %dma_wait3A_245] : memref<10008x128xf32, #tpu.memory_space<vmem_shared>> -> memref<10008x128xf32, #tpu.memory_space<vmem_shared>>
    tpu.wait_indirect_dma semaphore(%arg15 : memref<!tpu.dma_semaphore, #tpu.memory_space<semaphore_mem>>) src(%dma_wait3A_246 : memref<10008x128xf32, #tpu.memory_space<vmem_shared>>) dst(%arg11 : memref<80x128xf32, #tpu.memory_space<vmem>>)
    %dma_start3A_247 = arith.constant 2 : i32
    %dma_start3A_248 = arith.constant 0 : i32
    %dma_start3A_249 = tpu.memref_slice %arg10[%dma_start3A_247, %dma_start3A_248] : memref<8x80xi32, #tpu.memory_space<vmem>> -> memref<1x80xi32, #tpu.memory_space<vmem>>
    %dma_start3A_250 = tpu.memref_squeeze %dma_start3A_249 : memref<1x80xi32, #tpu.memory_space<vmem>> -> memref<80xi32, #tpu.memory_space<vmem>>
    %dma_start3A_251 = arith.constant 0 : i32
    %dma_start3A_252 = arith.constant 0 : i32
    %dma_start3A_253 = tpu.memref_slice %arg4[%dma_start3A_251, %dma_start3A_252] : memref<20000x128xf32, #tpu.memory_space<hbm>> -> memref<20000x128xf32, #tpu.memory_space<hbm>>
    tpu.enqueue_indirect_dma source(%arg11 : memref<80x128xf32, #tpu.memory_space<vmem>>) target(%dma_start3A_253 : memref<20000x128xf32, #tpu.memory_space<hbm>>) offsets(%dma_start3A_250 : memref<80xi32, #tpu.memory_space<vmem>>) semaphore(%arg19 : memref<!tpu.dma_semaphore, #tpu.memory_space<semaphore_mem>>)
    %scan3A_254 = arith.constant 0 : i32
    %scan3A_255 = arith.constant 0 : i32
    %scan3A_256 = arith.constant 80 : i32
    %scan3A_257 = arith.addi %scan3A_255, %scan3A_256 : i32
    %scan3A_258 = arith.constant 1 : i32
    %scan3A_259 = scf.for %scan3A_424 = %scan3A_255 to %scan3A_257 step %scan3A_258 iter_args(%scan3A_425 = %scan3A_254) -> (i32)  : i32 {
      %get3A = arith.index_cast %scan3A_424 : i32 to index
      %get3A_426 = arith.constant 0 : index
      %get3A_427 = tpu.vector_load %arg11[%get3A, %get3A_426] {strides = array<i32>} : memref<80x128xf32, #tpu.memory_space<vmem>>, vector<1x16xf32>,
      %get3A_428 = vector.shape_cast %get3A_427 : vector<1x16xf32> to vector<16xf32>
      %swap3A_429 = arith.constant 0 : index
      %swap3A_430 = tpu.vector_load %arg13[%swap3A_429] {strides = array<i32>} : memref<128xf32, #tpu.memory_space<vmem>>, vector<16xf32>,
      %swap3A_431 = vector.shape_cast %swap3A_430 : vector<16xf32> to vector<16xf32>
      %swap3A_432 = vector.shape_cast %get3A_428 : vector<16xf32> to vector<16xf32>
      tpu.vector_store %arg13[%swap3A_429], %swap3A_432 {add = true, strides = array<i32>} : memref<128xf32, #tpu.memory_space<vmem>>, vector<16xf32>,
      %mul3A_433 = arith.mulf %get3A_428, %get3A_428 : vector<16xf32>
      %swap3A_434 = arith.constant 0 : index
      %swap3A_435 = tpu.vector_load %arg14[%swap3A_434] {strides = array<i32>} : memref<128xf32, #tpu.memory_space<vmem>>, vector<16xf32>,
      %swap3A_436 = vector.shape_cast %swap3A_435 : vector<16xf32> to vector<16xf32>
      %swap3A_437 = vector.shape_cast %mul3A_433 : vector<16xf32> to vector<16xf32>
      tpu.vector_store %arg14[%swap3A_434], %swap3A_437 {add = true, strides = array<i32>} : memref<128xf32, #tpu.memory_space<vmem>>, vector<16xf32>,
      %get3A_438 = arith.index_cast %scan3A_424 : i32 to index
      %get3A_439 = arith.constant 16 : index
      %get3A_440 = tpu.vector_load %arg11[%get3A_438, %get3A_439] {strides = array<i32>} : memref<80x128xf32, #tpu.memory_space<vmem>>, vector<1x16xf32>,
      %get3A_441 = vector.shape_cast %get3A_440 : vector<1x16xf32> to vector<16xf32>
      %swap3A_442 = arith.constant 16 : index
      %swap3A_443 = tpu.vector_load %arg13[%swap3A_442] {strides = array<i32>} : memref<128xf32, #tpu.memory_space<vmem>>, vector<16xf32>,
      %swap3A_444 = vector.shape_cast %swap3A_443 : vector<16xf32> to vector<16xf32>
      %swap3A_445 = vector.shape_cast %get3A_441 : vector<16xf32> to vector<16xf32>
      tpu.vector_store %arg13[%swap3A_442], %swap3A_445 {add = true, strides = array<i32>} : memref<128xf32, #tpu.memory_space<vmem>>, vector<16xf32>,
      %mul3A_446 = arith.mulf %get3A_441, %get3A_441 : vector<16xf32>
      %swap3A_447 = arith.constant 16 : index
      %swap3A_448 = tpu.vector_load %arg14[%swap3A_447] {strides = array<i32>} : memref<128xf32, #tpu.memory_space<vmem>>, vector<16xf32>,
      %swap3A_449 = vector.shape_cast %swap3A_448 : vector<16xf32> to vector<16xf32>
      %swap3A_450 = vector.shape_cast %mul3A_446 : vector<16xf32> to vector<16xf32>
      tpu.vector_store %arg14[%swap3A_447], %swap3A_450 {add = true, strides = array<i32>} : memref<128xf32, #tpu.memory_space<vmem>>, vector<16xf32>,
      %get3A_451 = arith.index_cast %scan3A_424 : i32 to index
      %get3A_452 = arith.constant 32 : index
      %get3A_453 = tpu.vector_load %arg11[%get3A_451, %get3A_452] {strides = array<i32>} : memref<80x128xf32, #tpu.memory_space<vmem>>, vector<1x16xf32>,
      %get3A_454 = vector.shape_cast %get3A_453 : vector<1x16xf32> to vector<16xf32>
      %swap3A_455 = arith.constant 32 : index
      %swap3A_456 = tpu.vector_load %arg13[%swap3A_455] {strides = array<i32>} : memref<128xf32, #tpu.memory_space<vmem>>, vector<16xf32>,
      %swap3A_457 = vector.shape_cast %swap3A_456 : vector<16xf32> to vector<16xf32>
      %swap3A_458 = vector.shape_cast %get3A_454 : vector<16xf32> to vector<16xf32>
      tpu.vector_store %arg13[%swap3A_455], %swap3A_458 {add = true, strides = array<i32>} : memref<128xf32, #tpu.memory_space<vmem>>, vector<16xf32>,
      %mul3A_459 = arith.mulf %get3A_454, %get3A_454 : vector<16xf32>
      %swap3A_460 = arith.constant 32 : index
      %swap3A_461 = tpu.vector_load %arg14[%swap3A_460] {strides = array<i32>} : memref<128xf32, #tpu.memory_space<vmem>>, vector<16xf32>,
      %swap3A_462 = vector.shape_cast %swap3A_461 : vector<16xf32> to vector<16xf32>
      %swap3A_463 = vector.shape_cast %mul3A_459 : vector<16xf32> to vector<16xf32>
      tpu.vector_store %arg14[%swap3A_460], %swap3A_463 {add = true, strides = array<i32>} : memref<128xf32, #tpu.memory_space<vmem>>, vector<16xf32>,
      %get3A_464 = arith.index_cast %scan3A_424 : i32 to index
      %get3A_465 = arith.constant 48 : index
      %get3A_466 = tpu.vector_load %arg11[%get3A_464, %get3A_465] {strides = array<i32>} : memref<80x128xf32, #tpu.memory_space<vmem>>, vector<1x16xf32>,
      %get3A_467 = vector.shape_cast %get3A_466 : vector<1x16xf32> to vector<16xf32>
      %swap3A_468 = arith.constant 48 : index
      %swap3A_469 = tpu.vector_load %arg13[%swap3A_468] {strides = array<i32>} : memref<128xf32, #tpu.memory_space<vmem>>, vector<16xf32>,
      %swap3A_470 = vector.shape_cast %swap3A_469 : vector<16xf32> to vector<16xf32>
      %swap3A_471 = vector.shape_cast %get3A_467 : vector<16xf32> to vector<16xf32>
      tpu.vector_store %arg13[%swap3A_468], %swap3A_471 {add = true, strides = array<i32>} : memref<128xf32, #tpu.memory_space<vmem>>, vector<16xf32>,
      %mul3A_472 = arith.mulf %get3A_467, %get3A_467 : vector<16xf32>
      %swap3A_473 = arith.constant 48 : index
      %swap3A_474 = tpu.vector_load %arg14[%swap3A_473] {strides = array<i32>} : memref<128xf32, #tpu.memory_space<vmem>>, vector<16xf32>,
      %swap3A_475 = vector.shape_cast %swap3A_474 : vector<16xf32> to vector<16xf32>
      %swap3A_476 = vector.shape_cast %mul3A_472 : vector<16xf32> to vector<16xf32>
      tpu.vector_store %arg14[%swap3A_473], %swap3A_476 {add = true, strides = array<i32>} : memref<128xf32, #tpu.memory_space<vmem>>, vector<16xf32>,
      %get3A_477 = arith.index_cast %scan3A_424 : i32 to index
      %get3A_478 = arith.constant 64 : index
      %get3A_479 = tpu.vector_load %arg11[%get3A_477, %get3A_478] {strides = array<i32>} : memref<80x128xf32, #tpu.memory_space<vmem>>, vector<1x16xf32>,
      %get3A_480 = vector.shape_cast %get3A_479 : vector<1x16xf32> to vector<16xf32>
      %swap3A_481 = arith.constant 64 : index
      %swap3A_482 = tpu.vector_load %arg13[%swap3A_481] {strides = array<i32>} : memref<128xf32, #tpu.memory_space<vmem>>, vector<16xf32>,
      %swap3A_483 = vector.shape_cast %swap3A_482 : vector<16xf32> to vector<16xf32>
      %swap3A_484 = vector.shape_cast %get3A_480 : vector<16xf32> to vector<16xf32>
      tpu.vector_store %arg13[%swap3A_481], %swap3A_484 {add = true, strides = array<i32>} : memref<128xf32, #tpu.memory_space<vmem>>, vector<16xf32>,
      %mul3A_485 = arith.mulf %get3A_480, %get3A_480 : vector<16xf32>
      %swap3A_486 = arith.constant 64 : index
      %swap3A_487 = tpu.vector_load %arg14[%swap3A_486] {strides = array<i32>} : memref<128xf32, #tpu.memory_space<vmem>>, vector<16xf32>,
      %swap3A_488 = vector.shape_cast %swap3A_487 : vector<16xf32> to vector<16xf32>
      %swap3A_489 = vector.shape_cast %mul3A_485 : vector<16xf32> to vector<16xf32>
      tpu.vector_store %arg14[%swap3A_486], %swap3A_489 {add = true, strides = array<i32>} : memref<128xf32, #tpu.memory_space<vmem>>, vector<16xf32>,
      %get3A_490 = arith.index_cast %scan3A_424 : i32 to index
      %get3A_491 = arith.constant 80 : index
      %get3A_492 = tpu.vector_load %arg11[%get3A_490, %get3A_491] {strides = array<i32>} : memref<80x128xf32, #tpu.memory_space<vmem>>, vector<1x16xf32>,
      %get3A_493 = vector.shape_cast %get3A_492 : vector<1x16xf32> to vector<16xf32>
      %swap3A_494 = arith.constant 80 : index
      %swap3A_495 = tpu.vector_load %arg13[%swap3A_494] {strides = array<i32>} : memref<128xf32, #tpu.memory_space<vmem>>, vector<16xf32>,
      %swap3A_496 = vector.shape_cast %swap3A_495 : vector<16xf32> to vector<16xf32>
      %swap3A_497 = vector.shape_cast %get3A_493 : vector<16xf32> to vector<16xf32>
      tpu.vector_store %arg13[%swap3A_494], %swap3A_497 {add = true, strides = array<i32>} : memref<128xf32, #tpu.memory_space<vmem>>, vector<16xf32>,
      %mul3A_498 = arith.mulf %get3A_493, %get3A_493 : vector<16xf32>
      %swap3A_499 = arith.constant 80 : index
      %swap3A_500 = tpu.vector_load %arg14[%swap3A_499] {strides = array<i32>} : memref<128xf32, #tpu.memory_space<vmem>>, vector<16xf32>,
      %swap3A_501 = vector.shape_cast %swap3A_500 : vector<16xf32> to vector<16xf32>
      %swap3A_502 = vector.shape_cast %mul3A_498 : vector<16xf32> to vector<16xf32>
      tpu.vector_store %arg14[%swap3A_499], %swap3A_502 {add = true, strides = array<i32>} : memref<128xf32, #tpu.memory_space<vmem>>, vector<16xf32>,
      %get3A_503 = arith.index_cast %scan3A_424 : i32 to index
      %get3A_504 = arith.constant 96 : index
      %get3A_505 = tpu.vector_load %arg11[%get3A_503, %get3A_504] {strides = array<i32>} : memref<80x128xf32, #tpu.memory_space<vmem>>, vector<1x16xf32>,
      %get3A_506 = vector.shape_cast %get3A_505 : vector<1x16xf32> to vector<16xf32>
      %swap3A_507 = arith.constant 96 : index
      %swap3A_508 = tpu.vector_load %arg13[%swap3A_507] {strides = array<i32>} : memref<128xf32, #tpu.memory_space<vmem>>, vector<16xf32>,
      %swap3A_509 = vector.shape_cast %swap3A_508 : vector<16xf32> to vector<16xf32>
      %swap3A_510 = vector.shape_cast %get3A_506 : vector<16xf32> to vector<16xf32>
      tpu.vector_store %arg13[%swap3A_507], %swap3A_510 {add = true, strides = array<i32>} : memref<128xf32, #tpu.memory_space<vmem>>, vector<16xf32>,
      %mul3A_511 = arith.mulf %get3A_506, %get3A_506 : vector<16xf32>
      %swap3A_512 = arith.constant 96 : index
      %swap3A_513 = tpu.vector_load %arg14[%swap3A_512] {strides = array<i32>} : memref<128xf32, #tpu.memory_space<vmem>>, vector<16xf32>,
      %swap3A_514 = vector.shape_cast %swap3A_513 : vector<16xf32> to vector<16xf32>
      %swap3A_515 = vector.shape_cast %mul3A_511 : vector<16xf32> to vector<16xf32>
      tpu.vector_store %arg14[%swap3A_512], %swap3A_515 {add = true, strides = array<i32>} : memref<128xf32, #tpu.memory_space<vmem>>, vector<16xf32>,
      %get3A_516 = arith.index_cast %scan3A_424 : i32 to index
      %get3A_517 = arith.constant 112 : index
      %get3A_518 = tpu.vector_load %arg11[%get3A_516, %get3A_517] {strides = array<i32>} : memref<80x128xf32, #tpu.memory_space<vmem>>, vector<1x16xf32>,
      %get3A_519 = vector.shape_cast %get3A_518 : vector<1x16xf32> to vector<16xf32>
      %swap3A_520 = arith.constant 112 : index
      %swap3A_521 = tpu.vector_load %arg13[%swap3A_520] {strides = array<i32>} : memref<128xf32, #tpu.memory_space<vmem>>, vector<16xf32>,
      %swap3A_522 = vector.shape_cast %swap3A_521 : vector<16xf32> to vector<16xf32>
      %swap3A_523 = vector.shape_cast %get3A_519 : vector<16xf32> to vector<16xf32>
      tpu.vector_store %arg13[%swap3A_520], %swap3A_523 {add = true, strides = array<i32>} : memref<128xf32, #tpu.memory_space<vmem>>, vector<16xf32>,
      %mul3A_524 = arith.mulf %get3A_519, %get3A_519 : vector<16xf32>
      %swap3A_525 = arith.constant 112 : index
      %swap3A_526 = tpu.vector_load %arg14[%swap3A_525] {strides = array<i32>} : memref<128xf32, #tpu.memory_space<vmem>>, vector<16xf32>,
      %swap3A_527 = vector.shape_cast %swap3A_526 : vector<16xf32> to vector<16xf32>
      %swap3A_528 = vector.shape_cast %mul3A_524 : vector<16xf32> to vector<16xf32>
      tpu.vector_store %arg14[%swap3A_525], %swap3A_528 {add = true, strides = array<i32>} : memref<128xf32, #tpu.memory_space<vmem>>, vector<16xf32>,
      %scan3A_529 = arith.constant 0 : i32
      scf.yield %scan3A_529 : i32
    }
    %scan3A_260 = arith.constant 80 : i32
    %dma_wait3A_261 = arith.constant 2 : i32
    %dma_wait3A_262 = arith.constant 0 : i32
    %dma_wait3A_263 = tpu.memref_slice %arg10[%dma_wait3A_261, %dma_wait3A_262] : memref<8x80xi32, #tpu.memory_space<vmem>> -> memref<1x80xi32, #tpu.memory_space<vmem>>
    %dma_wait3A_264 = tpu.memref_squeeze %dma_wait3A_263 : memref<1x80xi32, #tpu.memory_space<vmem>> -> memref<80xi32, #tpu.memory_space<vmem>>
    %dma_wait3A_265 = arith.constant 0 : i32
    %dma_wait3A_266 = arith.constant 0 : i32
    %dma_wait3A_267 = tpu.memref_slice %arg4[%dma_wait3A_265, %dma_wait3A_266] : memref<20000x128xf32, #tpu.memory_space<hbm>> -> memref<20000x128xf32, #tpu.memory_space<hbm>>
    tpu.wait_indirect_dma semaphore(%arg19 : memref<!tpu.dma_semaphore, #tpu.memory_space<semaphore_mem>>) src(%arg11 : memref<80x128xf32, #tpu.memory_space<vmem>>) dst(%dma_wait3A_267 : memref<20000x128xf32, #tpu.memory_space<hbm>>)
    %dma_start3A_268 = arith.constant 320 : i32
    %dma_start3A_269 = tpu.memref_slice %arg9[%dma_start3A_268] : memref<640xi32, #tpu.memory_space<vmem>> -> memref<80xi32, #tpu.memory_space<vmem>>
    %dma_start3A_270 = arith.constant 0 : i32
    %dma_start3A_271 = arith.constant 0 : i32
    %dma_start3A_272 = tpu.memref_slice %arg6[%dma_start3A_270, %dma_start3A_271] : memref<10008x128xf32, #tpu.memory_space<vmem_shared>> -> memref<10008x128xf32, #tpu.memory_space<vmem_shared>>
    tpu.enqueue_indirect_dma source(%dma_start3A_272 : memref<10008x128xf32, #tpu.memory_space<vmem_shared>>) target(%arg11 : memref<80x128xf32, #tpu.memory_space<vmem>>) offsets(%dma_start3A_269 : memref<80xi32, #tpu.memory_space<vmem>>) semaphore(%arg15 : memref<!tpu.dma_semaphore, #tpu.memory_space<semaphore_mem>>)
    %dma_wait3A_273 = arith.constant 240 : i32
    %dma_wait3A_274 = tpu.memref_slice %arg9[%dma_wait3A_273] : memref<640xi32, #tpu.memory_space<vmem>> -> memref<80xi32, #tpu.memory_space<vmem>>
    %dma_wait3A_275 = arith.constant 0 : i32
    %dma_wait3A_276 = arith.constant 0 : i32
    %dma_wait3A_277 = tpu.memref_slice %arg6[%dma_wait3A_275, %dma_wait3A_276] : memref<10008x128xf32, #tpu.memory_space<vmem_shared>> -> memref<10008x128xf32, #tpu.memory_space<vmem_shared>>
    tpu.wait_indirect_dma semaphore(%arg16 : memref<!tpu.dma_semaphore, #tpu.memory_space<semaphore_mem>>) src(%dma_wait3A_277 : memref<10008x128xf32, #tpu.memory_space<vmem_shared>>) dst(%arg12 : memref<80x128xf32, #tpu.memory_space<vmem>>)
    %dma_start3A_278 = arith.constant 3 : i32
    %dma_start3A_279 = arith.constant 0 : i32
    %dma_start3A_280 = tpu.memref_slice %arg10[%dma_start3A_278, %dma_start3A_279] : memref<8x80xi32, #tpu.memory_space<vmem>> -> memref<1x80xi32, #tpu.memory_space<vmem>>
    %dma_start3A_281 = tpu.memref_squeeze %dma_start3A_280 : memref<1x80xi32, #tpu.memory_space<vmem>> -> memref<80xi32, #tpu.memory_space<vmem>>
    %dma_start3A_282 = arith.constant 0 : i32
    %dma_start3A_283 = arith.constant 0 : i32
    %dma_start3A_284 = tpu.memref_slice %arg4[%dma_start3A_282, %dma_start3A_283] : memref<20000x128xf32, #tpu.memory_space<hbm>> -> memref<20000x128xf32, #tpu.memory_space<hbm>>
    tpu.enqueue_indirect_dma source(%arg12 : memref<80x128xf32, #tpu.memory_space<vmem>>) target(%dma_start3A_284 : memref<20000x128xf32, #tpu.memory_space<hbm>>) offsets(%dma_start3A_281 : memref<80xi32, #tpu.memory_space<vmem>>) semaphore(%arg19 : memref<!tpu.dma_semaphore, #tpu.memory_space<semaphore_mem>>)
    %scan3A_285 = arith.constant 0 : i32
    %scan3A_286 = arith.constant 0 : i32
    %scan3A_287 = arith.constant 80 : i32
    %scan3A_288 = arith.addi %scan3A_286, %scan3A_287 : i32
    %scan3A_289 = arith.constant 1 : i32
    %scan3A_290 = scf.for %scan3A_424 = %scan3A_286 to %scan3A_288 step %scan3A_289 iter_args(%scan3A_425 = %scan3A_285) -> (i32)  : i32 {
      %get3A = arith.index_cast %scan3A_424 : i32 to index
      %get3A_426 = arith.constant 0 : index
      %get3A_427 = tpu.vector_load %arg12[%get3A, %get3A_426] {strides = array<i32>} : memref<80x128xf32, #tpu.memory_space<vmem>>, vector<1x16xf32>,
      %get3A_428 = vector.shape_cast %get3A_427 : vector<1x16xf32> to vector<16xf32>
      %swap3A_429 = arith.constant 0 : index
      %swap3A_430 = tpu.vector_load %arg13[%swap3A_429] {strides = array<i32>} : memref<128xf32, #tpu.memory_space<vmem>>, vector<16xf32>,
      %swap3A_431 = vector.shape_cast %swap3A_430 : vector<16xf32> to vector<16xf32>
      %swap3A_432 = vector.shape_cast %get3A_428 : vector<16xf32> to vector<16xf32>
      tpu.vector_store %arg13[%swap3A_429], %swap3A_432 {add = true, strides = array<i32>} : memref<128xf32, #tpu.memory_space<vmem>>, vector<16xf32>,
      %mul3A_433 = arith.mulf %get3A_428, %get3A_428 : vector<16xf32>
      %swap3A_434 = arith.constant 0 : index
      %swap3A_435 = tpu.vector_load %arg14[%swap3A_434] {strides = array<i32>} : memref<128xf32, #tpu.memory_space<vmem>>, vector<16xf32>,
      %swap3A_436 = vector.shape_cast %swap3A_435 : vector<16xf32> to vector<16xf32>
      %swap3A_437 = vector.shape_cast %mul3A_433 : vector<16xf32> to vector<16xf32>
      tpu.vector_store %arg14[%swap3A_434], %swap3A_437 {add = true, strides = array<i32>} : memref<128xf32, #tpu.memory_space<vmem>>, vector<16xf32>,
      %get3A_438 = arith.index_cast %scan3A_424 : i32 to index
      %get3A_439 = arith.constant 16 : index
      %get3A_440 = tpu.vector_load %arg12[%get3A_438, %get3A_439] {strides = array<i32>} : memref<80x128xf32, #tpu.memory_space<vmem>>, vector<1x16xf32>,
      %get3A_441 = vector.shape_cast %get3A_440 : vector<1x16xf32> to vector<16xf32>
      %swap3A_442 = arith.constant 16 : index
      %swap3A_443 = tpu.vector_load %arg13[%swap3A_442] {strides = array<i32>} : memref<128xf32, #tpu.memory_space<vmem>>, vector<16xf32>,
      %swap3A_444 = vector.shape_cast %swap3A_443 : vector<16xf32> to vector<16xf32>
      %swap3A_445 = vector.shape_cast %get3A_441 : vector<16xf32> to vector<16xf32>
      tpu.vector_store %arg13[%swap3A_442], %swap3A_445 {add = true, strides = array<i32>} : memref<128xf32, #tpu.memory_space<vmem>>, vector<16xf32>,
      %mul3A_446 = arith.mulf %get3A_441, %get3A_441 : vector<16xf32>
      %swap3A_447 = arith.constant 16 : index
      %swap3A_448 = tpu.vector_load %arg14[%swap3A_447] {strides = array<i32>} : memref<128xf32, #tpu.memory_space<vmem>>, vector<16xf32>,
      %swap3A_449 = vector.shape_cast %swap3A_448 : vector<16xf32> to vector<16xf32>
      %swap3A_450 = vector.shape_cast %mul3A_446 : vector<16xf32> to vector<16xf32>
      tpu.vector_store %arg14[%swap3A_447], %swap3A_450 {add = true, strides = array<i32>} : memref<128xf32, #tpu.memory_space<vmem>>, vector<16xf32>,
      %get3A_451 = arith.index_cast %scan3A_424 : i32 to index
      %get3A_452 = arith.constant 32 : index
      %get3A_453 = tpu.vector_load %arg12[%get3A_451, %get3A_452] {strides = array<i32>} : memref<80x128xf32, #tpu.memory_space<vmem>>, vector<1x16xf32>,
      %get3A_454 = vector.shape_cast %get3A_453 : vector<1x16xf32> to vector<16xf32>
      %swap3A_455 = arith.constant 32 : index
      %swap3A_456 = tpu.vector_load %arg13[%swap3A_455] {strides = array<i32>} : memref<128xf32, #tpu.memory_space<vmem>>, vector<16xf32>,
      %swap3A_457 = vector.shape_cast %swap3A_456 : vector<16xf32> to vector<16xf32>
      %swap3A_458 = vector.shape_cast %get3A_454 : vector<16xf32> to vector<16xf32>
      tpu.vector_store %arg13[%swap3A_455], %swap3A_458 {add = true, strides = array<i32>} : memref<128xf32, #tpu.memory_space<vmem>>, vector<16xf32>,
      %mul3A_459 = arith.mulf %get3A_454, %get3A_454 : vector<16xf32>
      %swap3A_460 = arith.constant 32 : index
      %swap3A_461 = tpu.vector_load %arg14[%swap3A_460] {strides = array<i32>} : memref<128xf32, #tpu.memory_space<vmem>>, vector<16xf32>,
      %swap3A_462 = vector.shape_cast %swap3A_461 : vector<16xf32> to vector<16xf32>
      %swap3A_463 = vector.shape_cast %mul3A_459 : vector<16xf32> to vector<16xf32>
      tpu.vector_store %arg14[%swap3A_460], %swap3A_463 {add = true, strides = array<i32>} : memref<128xf32, #tpu.memory_space<vmem>>, vector<16xf32>,
      %get3A_464 = arith.index_cast %scan3A_424 : i32 to index
      %get3A_465 = arith.constant 48 : index
      %get3A_466 = tpu.vector_load %arg12[%get3A_464, %get3A_465] {strides = array<i32>} : memref<80x128xf32, #tpu.memory_space<vmem>>, vector<1x16xf32>,
      %get3A_467 = vector.shape_cast %get3A_466 : vector<1x16xf32> to vector<16xf32>
      %swap3A_468 = arith.constant 48 : index
      %swap3A_469 = tpu.vector_load %arg13[%swap3A_468] {strides = array<i32>} : memref<128xf32, #tpu.memory_space<vmem>>, vector<16xf32>,
      %swap3A_470 = vector.shape_cast %swap3A_469 : vector<16xf32> to vector<16xf32>
      %swap3A_471 = vector.shape_cast %get3A_467 : vector<16xf32> to vector<16xf32>
      tpu.vector_store %arg13[%swap3A_468], %swap3A_471 {add = true, strides = array<i32>} : memref<128xf32, #tpu.memory_space<vmem>>, vector<16xf32>,
      %mul3A_472 = arith.mulf %get3A_467, %get3A_467 : vector<16xf32>
      %swap3A_473 = arith.constant 48 : index
      %swap3A_474 = tpu.vector_load %arg14[%swap3A_473] {strides = array<i32>} : memref<128xf32, #tpu.memory_space<vmem>>, vector<16xf32>,
      %swap3A_475 = vector.shape_cast %swap3A_474 : vector<16xf32> to vector<16xf32>
      %swap3A_476 = vector.shape_cast %mul3A_472 : vector<16xf32> to vector<16xf32>
      tpu.vector_store %arg14[%swap3A_473], %swap3A_476 {add = true, strides = array<i32>} : memref<128xf32, #tpu.memory_space<vmem>>, vector<16xf32>,
      %get3A_477 = arith.index_cast %scan3A_424 : i32 to index
      %get3A_478 = arith.constant 64 : index
      %get3A_479 = tpu.vector_load %arg12[%get3A_477, %get3A_478] {strides = array<i32>} : memref<80x128xf32, #tpu.memory_space<vmem>>, vector<1x16xf32>,
      %get3A_480 = vector.shape_cast %get3A_479 : vector<1x16xf32> to vector<16xf32>
      %swap3A_481 = arith.constant 64 : index
      %swap3A_482 = tpu.vector_load %arg13[%swap3A_481] {strides = array<i32>} : memref<128xf32, #tpu.memory_space<vmem>>, vector<16xf32>,
      %swap3A_483 = vector.shape_cast %swap3A_482 : vector<16xf32> to vector<16xf32>
      %swap3A_484 = vector.shape_cast %get3A_480 : vector<16xf32> to vector<16xf32>
      tpu.vector_store %arg13[%swap3A_481], %swap3A_484 {add = true, strides = array<i32>} : memref<128xf32, #tpu.memory_space<vmem>>, vector<16xf32>,
      %mul3A_485 = arith.mulf %get3A_480, %get3A_480 : vector<16xf32>
      %swap3A_486 = arith.constant 64 : index
      %swap3A_487 = tpu.vector_load %arg14[%swap3A_486] {strides = array<i32>} : memref<128xf32, #tpu.memory_space<vmem>>, vector<16xf32>,
      %swap3A_488 = vector.shape_cast %swap3A_487 : vector<16xf32> to vector<16xf32>
      %swap3A_489 = vector.shape_cast %mul3A_485 : vector<16xf32> to vector<16xf32>
      tpu.vector_store %arg14[%swap3A_486], %swap3A_489 {add = true, strides = array<i32>} : memref<128xf32, #tpu.memory_space<vmem>>, vector<16xf32>,
      %get3A_490 = arith.index_cast %scan3A_424 : i32 to index
      %get3A_491 = arith.constant 80 : index
      %get3A_492 = tpu.vector_load %arg12[%get3A_490, %get3A_491] {strides = array<i32>} : memref<80x128xf32, #tpu.memory_space<vmem>>, vector<1x16xf32>,
      %get3A_493 = vector.shape_cast %get3A_492 : vector<1x16xf32> to vector<16xf32>
      %swap3A_494 = arith.constant 80 : index
      %swap3A_495 = tpu.vector_load %arg13[%swap3A_494] {strides = array<i32>} : memref<128xf32, #tpu.memory_space<vmem>>, vector<16xf32>,
      %swap3A_496 = vector.shape_cast %swap3A_495 : vector<16xf32> to vector<16xf32>
      %swap3A_497 = vector.shape_cast %get3A_493 : vector<16xf32> to vector<16xf32>
      tpu.vector_store %arg13[%swap3A_494], %swap3A_497 {add = true, strides = array<i32>} : memref<128xf32, #tpu.memory_space<vmem>>, vector<16xf32>,
      %mul3A_498 = arith.mulf %get3A_493, %get3A_493 : vector<16xf32>
      %swap3A_499 = arith.constant 80 : index
      %swap3A_500 = tpu.vector_load %arg14[%swap3A_499] {strides = array<i32>} : memref<128xf32, #tpu.memory_space<vmem>>, vector<16xf32>,
      %swap3A_501 = vector.shape_cast %swap3A_500 : vector<16xf32> to vector<16xf32>
      %swap3A_502 = vector.shape_cast %mul3A_498 : vector<16xf32> to vector<16xf32>
      tpu.vector_store %arg14[%swap3A_499], %swap3A_502 {add = true, strides = array<i32>} : memref<128xf32, #tpu.memory_space<vmem>>, vector<16xf32>,
      %get3A_503 = arith.index_cast %scan3A_424 : i32 to index
      %get3A_504 = arith.constant 96 : index
      %get3A_505 = tpu.vector_load %arg12[%get3A_503, %get3A_504] {strides = array<i32>} : memref<80x128xf32, #tpu.memory_space<vmem>>, vector<1x16xf32>,
      %get3A_506 = vector.shape_cast %get3A_505 : vector<1x16xf32> to vector<16xf32>
      %swap3A_507 = arith.constant 96 : index
      %swap3A_508 = tpu.vector_load %arg13[%swap3A_507] {strides = array<i32>} : memref<128xf32, #tpu.memory_space<vmem>>, vector<16xf32>,
      %swap3A_509 = vector.shape_cast %swap3A_508 : vector<16xf32> to vector<16xf32>
      %swap3A_510 = vector.shape_cast %get3A_506 : vector<16xf32> to vector<16xf32>
      tpu.vector_store %arg13[%swap3A_507], %swap3A_510 {add = true, strides = array<i32>} : memref<128xf32, #tpu.memory_space<vmem>>, vector<16xf32>,
      %mul3A_511 = arith.mulf %get3A_506, %get3A_506 : vector<16xf32>
      %swap3A_512 = arith.constant 96 : index
      %swap3A_513 = tpu.vector_load %arg14[%swap3A_512] {strides = array<i32>} : memref<128xf32, #tpu.memory_space<vmem>>, vector<16xf32>,
      %swap3A_514 = vector.shape_cast %swap3A_513 : vector<16xf32> to vector<16xf32>
      %swap3A_515 = vector.shape_cast %mul3A_511 : vector<16xf32> to vector<16xf32>
      tpu.vector_store %arg14[%swap3A_512], %swap3A_515 {add = true, strides = array<i32>} : memref<128xf32, #tpu.memory_space<vmem>>, vector<16xf32>,
      %get3A_516 = arith.index_cast %scan3A_424 : i32 to index
      %get3A_517 = arith.constant 112 : index
      %get3A_518 = tpu.vector_load %arg12[%get3A_516, %get3A_517] {strides = array<i32>} : memref<80x128xf32, #tpu.memory_space<vmem>>, vector<1x16xf32>,
      %get3A_519 = vector.shape_cast %get3A_518 : vector<1x16xf32> to vector<16xf32>
      %swap3A_520 = arith.constant 112 : index
      %swap3A_521 = tpu.vector_load %arg13[%swap3A_520] {strides = array<i32>} : memref<128xf32, #tpu.memory_space<vmem>>, vector<16xf32>,
      %swap3A_522 = vector.shape_cast %swap3A_521 : vector<16xf32> to vector<16xf32>
      %swap3A_523 = vector.shape_cast %get3A_519 : vector<16xf32> to vector<16xf32>
      tpu.vector_store %arg13[%swap3A_520], %swap3A_523 {add = true, strides = array<i32>} : memref<128xf32, #tpu.memory_space<vmem>>, vector<16xf32>,
      %mul3A_524 = arith.mulf %get3A_519, %get3A_519 : vector<16xf32>
      %swap3A_525 = arith.constant 112 : index
      %swap3A_526 = tpu.vector_load %arg14[%swap3A_525] {strides = array<i32>} : memref<128xf32, #tpu.memory_space<vmem>>, vector<16xf32>,
      %swap3A_527 = vector.shape_cast %swap3A_526 : vector<16xf32> to vector<16xf32>
      %swap3A_528 = vector.shape_cast %mul3A_524 : vector<16xf32> to vector<16xf32>
      tpu.vector_store %arg14[%swap3A_525], %swap3A_528 {add = true, strides = array<i32>} : memref<128xf32, #tpu.memory_space<vmem>>, vector<16xf32>,
      %scan3A_529 = arith.constant 0 : i32
      scf.yield %scan3A_529 : i32
    }
    %scan3A_291 = arith.constant 80 : i32
    %dma_wait3A_292 = arith.constant 3 : i32
    %dma_wait3A_293 = arith.constant 0 : i32
    %dma_wait3A_294 = tpu.memref_slice %arg10[%dma_wait3A_292, %dma_wait3A_293] : memref<8x80xi32, #tpu.memory_space<vmem>> -> memref<1x80xi32, #tpu.memory_space<vmem>>
    %dma_wait3A_295 = tpu.memref_squeeze %dma_wait3A_294 : memref<1x80xi32, #tpu.memory_space<vmem>> -> memref<80xi32, #tpu.memory_space<vmem>>
    %dma_wait3A_296 = arith.constant 0 : i32
    %dma_wait3A_297 = arith.constant 0 : i32
    %dma_wait3A_298 = tpu.memref_slice %arg4[%dma_wait3A_296, %dma_wait3A_297] : memref<20000x128xf32, #tpu.memory_space<hbm>> -> memref<20000x128xf32, #tpu.memory_space<hbm>>
    tpu.wait_indirect_dma semaphore(%arg19 : memref<!tpu.dma_semaphore, #tpu.memory_space<semaphore_mem>>) src(%arg12 : memref<80x128xf32, #tpu.memory_space<vmem>>) dst(%dma_wait3A_298 : memref<20000x128xf32, #tpu.memory_space<hbm>>)
    %dma_start3A_299 = arith.constant 400 : i32
    %dma_start3A_300 = tpu.memref_slice %arg9[%dma_start3A_299] : memref<640xi32, #tpu.memory_space<vmem>> -> memref<80xi32, #tpu.memory_space<vmem>>
    %dma_start3A_301 = arith.constant 0 : i32
    %dma_start3A_302 = arith.constant 0 : i32
    %dma_start3A_303 = tpu.memref_slice %arg6[%dma_start3A_301, %dma_start3A_302] : memref<10008x128xf32, #tpu.memory_space<vmem_shared>> -> memref<10008x128xf32, #tpu.memory_space<vmem_shared>>
    tpu.enqueue_indirect_dma source(%dma_start3A_303 : memref<10008x128xf32, #tpu.memory_space<vmem_shared>>) target(%arg12 : memref<80x128xf32, #tpu.memory_space<vmem>>) offsets(%dma_start3A_300 : memref<80xi32, #tpu.memory_space<vmem>>) semaphore(%arg16 : memref<!tpu.dma_semaphore, #tpu.memory_space<semaphore_mem>>)
    %dma_wait3A_304 = arith.constant 320 : i32
    %dma_wait3A_305 = tpu.memref_slice %arg9[%dma_wait3A_304] : memref<640xi32, #tpu.memory_space<vmem>> -> memref<80xi32, #tpu.memory_space<vmem>>
    %dma_wait3A_306 = arith.constant 0 : i32
    %dma_wait3A_307 = arith.constant 0 : i32
    %dma_wait3A_308 = tpu.memref_slice %arg6[%dma_wait3A_306, %dma_wait3A_307] : memref<10008x128xf32, #tpu.memory_space<vmem_shared>> -> memref<10008x128xf32, #tpu.memory_space<vmem_shared>>
    tpu.wait_indirect_dma semaphore(%arg15 : memref<!tpu.dma_semaphore, #tpu.memory_space<semaphore_mem>>) src(%dma_wait3A_308 : memref<10008x128xf32, #tpu.memory_space<vmem_shared>>) dst(%arg11 : memref<80x128xf32, #tpu.memory_space<vmem>>)
    %dma_start3A_309 = arith.constant 4 : i32
    %dma_start3A_310 = arith.constant 0 : i32
    %dma_start3A_311 = tpu.memref_slice %arg10[%dma_start3A_309, %dma_start3A_310] : memref<8x80xi32, #tpu.memory_space<vmem>> -> memref<1x80xi32, #tpu.memory_space<vmem>>
    %dma_start3A_312 = tpu.memref_squeeze %dma_start3A_311 : memref<1x80xi32, #tpu.memory_space<vmem>> -> memref<80xi32, #tpu.memory_space<vmem>>
    %dma_start3A_313 = arith.constant 0 : i32
    %dma_start3A_314 = arith.constant 0 : i32
    %dma_start3A_315 = tpu.memref_slice %arg4[%dma_start3A_313, %dma_start3A_314] : memref<20000x128xf32, #tpu.memory_space<hbm>> -> memref<20000x128xf32, #tpu.memory_space<hbm>>
    tpu.enqueue_indirect_dma source(%arg11 : memref<80x128xf32, #tpu.memory_space<vmem>>) target(%dma_start3A_315 : memref<20000x128xf32, #tpu.memory_space<hbm>>) offsets(%dma_start3A_312 : memref<80xi32, #tpu.memory_space<vmem>>) semaphore(%arg19 : memref<!tpu.dma_semaphore, #tpu.memory_space<semaphore_mem>>)
    %scan3A_316 = arith.constant 0 : i32
    %scan3A_317 = arith.constant 0 : i32
    %scan3A_318 = arith.constant 80 : i32
    %scan3A_319 = arith.addi %scan3A_317, %scan3A_318 : i32
    %scan3A_320 = arith.constant 1 : i32
    %scan3A_321 = scf.for %scan3A_424 = %scan3A_317 to %scan3A_319 step %scan3A_320 iter_args(%scan3A_425 = %scan3A_316) -> (i32)  : i32 {
      %get3A = arith.index_cast %scan3A_424 : i32 to index
      %get3A_426 = arith.constant 0 : index
      %get3A_427 = tpu.vector_load %arg11[%get3A, %get3A_426] {strides = array<i32>} : memref<80x128xf32, #tpu.memory_space<vmem>>, vector<1x16xf32>,
      %get3A_428 = vector.shape_cast %get3A_427 : vector<1x16xf32> to vector<16xf32>
      %swap3A_429 = arith.constant 0 : index
      %swap3A_430 = tpu.vector_load %arg13[%swap3A_429] {strides = array<i32>} : memref<128xf32, #tpu.memory_space<vmem>>, vector<16xf32>,
      %swap3A_431 = vector.shape_cast %swap3A_430 : vector<16xf32> to vector<16xf32>
      %swap3A_432 = vector.shape_cast %get3A_428 : vector<16xf32> to vector<16xf32>
      tpu.vector_store %arg13[%swap3A_429], %swap3A_432 {add = true, strides = array<i32>} : memref<128xf32, #tpu.memory_space<vmem>>, vector<16xf32>,
      %mul3A_433 = arith.mulf %get3A_428, %get3A_428 : vector<16xf32>
      %swap3A_434 = arith.constant 0 : index
      %swap3A_435 = tpu.vector_load %arg14[%swap3A_434] {strides = array<i32>} : memref<128xf32, #tpu.memory_space<vmem>>, vector<16xf32>,
      %swap3A_436 = vector.shape_cast %swap3A_435 : vector<16xf32> to vector<16xf32>
      %swap3A_437 = vector.shape_cast %mul3A_433 : vector<16xf32> to vector<16xf32>
      tpu.vector_store %arg14[%swap3A_434], %swap3A_437 {add = true, strides = array<i32>} : memref<128xf32, #tpu.memory_space<vmem>>, vector<16xf32>,
      %get3A_438 = arith.index_cast %scan3A_424 : i32 to index
      %get3A_439 = arith.constant 16 : index
      %get3A_440 = tpu.vector_load %arg11[%get3A_438, %get3A_439] {strides = array<i32>} : memref<80x128xf32, #tpu.memory_space<vmem>>, vector<1x16xf32>,
      %get3A_441 = vector.shape_cast %get3A_440 : vector<1x16xf32> to vector<16xf32>
      %swap3A_442 = arith.constant 16 : index
      %swap3A_443 = tpu.vector_load %arg13[%swap3A_442] {strides = array<i32>} : memref<128xf32, #tpu.memory_space<vmem>>, vector<16xf32>,
      %swap3A_444 = vector.shape_cast %swap3A_443 : vector<16xf32> to vector<16xf32>
      %swap3A_445 = vector.shape_cast %get3A_441 : vector<16xf32> to vector<16xf32>
      tpu.vector_store %arg13[%swap3A_442], %swap3A_445 {add = true, strides = array<i32>} : memref<128xf32, #tpu.memory_space<vmem>>, vector<16xf32>,
      %mul3A_446 = arith.mulf %get3A_441, %get3A_441 : vector<16xf32>
      %swap3A_447 = arith.constant 16 : index
      %swap3A_448 = tpu.vector_load %arg14[%swap3A_447] {strides = array<i32>} : memref<128xf32, #tpu.memory_space<vmem>>, vector<16xf32>,
      %swap3A_449 = vector.shape_cast %swap3A_448 : vector<16xf32> to vector<16xf32>
      %swap3A_450 = vector.shape_cast %mul3A_446 : vector<16xf32> to vector<16xf32>
      tpu.vector_store %arg14[%swap3A_447], %swap3A_450 {add = true, strides = array<i32>} : memref<128xf32, #tpu.memory_space<vmem>>, vector<16xf32>,
      %get3A_451 = arith.index_cast %scan3A_424 : i32 to index
      %get3A_452 = arith.constant 32 : index
      %get3A_453 = tpu.vector_load %arg11[%get3A_451, %get3A_452] {strides = array<i32>} : memref<80x128xf32, #tpu.memory_space<vmem>>, vector<1x16xf32>,
      %get3A_454 = vector.shape_cast %get3A_453 : vector<1x16xf32> to vector<16xf32>
      %swap3A_455 = arith.constant 32 : index
      %swap3A_456 = tpu.vector_load %arg13[%swap3A_455] {strides = array<i32>} : memref<128xf32, #tpu.memory_space<vmem>>, vector<16xf32>,
      %swap3A_457 = vector.shape_cast %swap3A_456 : vector<16xf32> to vector<16xf32>
      %swap3A_458 = vector.shape_cast %get3A_454 : vector<16xf32> to vector<16xf32>
      tpu.vector_store %arg13[%swap3A_455], %swap3A_458 {add = true, strides = array<i32>} : memref<128xf32, #tpu.memory_space<vmem>>, vector<16xf32>,
      %mul3A_459 = arith.mulf %get3A_454, %get3A_454 : vector<16xf32>
      %swap3A_460 = arith.constant 32 : index
      %swap3A_461 = tpu.vector_load %arg14[%swap3A_460] {strides = array<i32>} : memref<128xf32, #tpu.memory_space<vmem>>, vector<16xf32>,
      %swap3A_462 = vector.shape_cast %swap3A_461 : vector<16xf32> to vector<16xf32>
      %swap3A_463 = vector.shape_cast %mul3A_459 : vector<16xf32> to vector<16xf32>
      tpu.vector_store %arg14[%swap3A_460], %swap3A_463 {add = true, strides = array<i32>} : memref<128xf32, #tpu.memory_space<vmem>>, vector<16xf32>,
      %get3A_464 = arith.index_cast %scan3A_424 : i32 to index
      %get3A_465 = arith.constant 48 : index
      %get3A_466 = tpu.vector_load %arg11[%get3A_464, %get3A_465] {strides = array<i32>} : memref<80x128xf32, #tpu.memory_space<vmem>>, vector<1x16xf32>,
      %get3A_467 = vector.shape_cast %get3A_466 : vector<1x16xf32> to vector<16xf32>
      %swap3A_468 = arith.constant 48 : index
      %swap3A_469 = tpu.vector_load %arg13[%swap3A_468] {strides = array<i32>} : memref<128xf32, #tpu.memory_space<vmem>>, vector<16xf32>,
      %swap3A_470 = vector.shape_cast %swap3A_469 : vector<16xf32> to vector<16xf32>
      %swap3A_471 = vector.shape_cast %get3A_467 : vector<16xf32> to vector<16xf32>
      tpu.vector_store %arg13[%swap3A_468], %swap3A_471 {add = true, strides = array<i32>} : memref<128xf32, #tpu.memory_space<vmem>>, vector<16xf32>,
      %mul3A_472 = arith.mulf %get3A_467, %get3A_467 : vector<16xf32>
      %swap3A_473 = arith.constant 48 : index
      %swap3A_474 = tpu.vector_load %arg14[%swap3A_473] {strides = array<i32>} : memref<128xf32, #tpu.memory_space<vmem>>, vector<16xf32>,
      %swap3A_475 = vector.shape_cast %swap3A_474 : vector<16xf32> to vector<16xf32>
      %swap3A_476 = vector.shape_cast %mul3A_472 : vector<16xf32> to vector<16xf32>
      tpu.vector_store %arg14[%swap3A_473], %swap3A_476 {add = true, strides = array<i32>} : memref<128xf32, #tpu.memory_space<vmem>>, vector<16xf32>,
      %get3A_477 = arith.index_cast %scan3A_424 : i32 to index
      %get3A_478 = arith.constant 64 : index
      %get3A_479 = tpu.vector_load %arg11[%get3A_477, %get3A_478] {strides = array<i32>} : memref<80x128xf32, #tpu.memory_space<vmem>>, vector<1x16xf32>,
      %get3A_480 = vector.shape_cast %get3A_479 : vector<1x16xf32> to vector<16xf32>
      %swap3A_481 = arith.constant 64 : index
      %swap3A_482 = tpu.vector_load %arg13[%swap3A_481] {strides = array<i32>} : memref<128xf32, #tpu.memory_space<vmem>>, vector<16xf32>,
      %swap3A_483 = vector.shape_cast %swap3A_482 : vector<16xf32> to vector<16xf32>
      %swap3A_484 = vector.shape_cast %get3A_480 : vector<16xf32> to vector<16xf32>
      tpu.vector_store %arg13[%swap3A_481], %swap3A_484 {add = true, strides = array<i32>} : memref<128xf32, #tpu.memory_space<vmem>>, vector<16xf32>,
      %mul3A_485 = arith.mulf %get3A_480, %get3A_480 : vector<16xf32>
      %swap3A_486 = arith.constant 64 : index
      %swap3A_487 = tpu.vector_load %arg14[%swap3A_486] {strides = array<i32>} : memref<128xf32, #tpu.memory_space<vmem>>, vector<16xf32>,
      %swap3A_488 = vector.shape_cast %swap3A_487 : vector<16xf32> to vector<16xf32>
      %swap3A_489 = vector.shape_cast %mul3A_485 : vector<16xf32> to vector<16xf32>
      tpu.vector_store %arg14[%swap3A_486], %swap3A_489 {add = true, strides = array<i32>} : memref<128xf32, #tpu.memory_space<vmem>>, vector<16xf32>,
      %get3A_490 = arith.index_cast %scan3A_424 : i32 to index
      %get3A_491 = arith.constant 80 : index
      %get3A_492 = tpu.vector_load %arg11[%get3A_490, %get3A_491] {strides = array<i32>} : memref<80x128xf32, #tpu.memory_space<vmem>>, vector<1x16xf32>,
      %get3A_493 = vector.shape_cast %get3A_492 : vector<1x16xf32> to vector<16xf32>
      %swap3A_494 = arith.constant 80 : index
      %swap3A_495 = tpu.vector_load %arg13[%swap3A_494] {strides = array<i32>} : memref<128xf32, #tpu.memory_space<vmem>>, vector<16xf32>,
      %swap3A_496 = vector.shape_cast %swap3A_495 : vector<16xf32> to vector<16xf32>
      %swap3A_497 = vector.shape_cast %get3A_493 : vector<16xf32> to vector<16xf32>
      tpu.vector_store %arg13[%swap3A_494], %swap3A_497 {add = true, strides = array<i32>} : memref<128xf32, #tpu.memory_space<vmem>>, vector<16xf32>,
      %mul3A_498 = arith.mulf %get3A_493, %get3A_493 : vector<16xf32>
      %swap3A_499 = arith.constant 80 : index
      %swap3A_500 = tpu.vector_load %arg14[%swap3A_499] {strides = array<i32>} : memref<128xf32, #tpu.memory_space<vmem>>, vector<16xf32>,
      %swap3A_501 = vector.shape_cast %swap3A_500 : vector<16xf32> to vector<16xf32>
      %swap3A_502 = vector.shape_cast %mul3A_498 : vector<16xf32> to vector<16xf32>
      tpu.vector_store %arg14[%swap3A_499], %swap3A_502 {add = true, strides = array<i32>} : memref<128xf32, #tpu.memory_space<vmem>>, vector<16xf32>,
      %get3A_503 = arith.index_cast %scan3A_424 : i32 to index
      %get3A_504 = arith.constant 96 : index
      %get3A_505 = tpu.vector_load %arg11[%get3A_503, %get3A_504] {strides = array<i32>} : memref<80x128xf32, #tpu.memory_space<vmem>>, vector<1x16xf32>,
      %get3A_506 = vector.shape_cast %get3A_505 : vector<1x16xf32> to vector<16xf32>
      %swap3A_507 = arith.constant 96 : index
      %swap3A_508 = tpu.vector_load %arg13[%swap3A_507] {strides = array<i32>} : memref<128xf32, #tpu.memory_space<vmem>>, vector<16xf32>,
      %swap3A_509 = vector.shape_cast %swap3A_508 : vector<16xf32> to vector<16xf32>
      %swap3A_510 = vector.shape_cast %get3A_506 : vector<16xf32> to vector<16xf32>
      tpu.vector_store %arg13[%swap3A_507], %swap3A_510 {add = true, strides = array<i32>} : memref<128xf32, #tpu.memory_space<vmem>>, vector<16xf32>,
      %mul3A_511 = arith.mulf %get3A_506, %get3A_506 : vector<16xf32>
      %swap3A_512 = arith.constant 96 : index
      %swap3A_513 = tpu.vector_load %arg14[%swap3A_512] {strides = array<i32>} : memref<128xf32, #tpu.memory_space<vmem>>, vector<16xf32>,
      %swap3A_514 = vector.shape_cast %swap3A_513 : vector<16xf32> to vector<16xf32>
      %swap3A_515 = vector.shape_cast %mul3A_511 : vector<16xf32> to vector<16xf32>
      tpu.vector_store %arg14[%swap3A_512], %swap3A_515 {add = true, strides = array<i32>} : memref<128xf32, #tpu.memory_space<vmem>>, vector<16xf32>,
      %get3A_516 = arith.index_cast %scan3A_424 : i32 to index
      %get3A_517 = arith.constant 112 : index
      %get3A_518 = tpu.vector_load %arg11[%get3A_516, %get3A_517] {strides = array<i32>} : memref<80x128xf32, #tpu.memory_space<vmem>>, vector<1x16xf32>,
      %get3A_519 = vector.shape_cast %get3A_518 : vector<1x16xf32> to vector<16xf32>
      %swap3A_520 = arith.constant 112 : index
      %swap3A_521 = tpu.vector_load %arg13[%swap3A_520] {strides = array<i32>} : memref<128xf32, #tpu.memory_space<vmem>>, vector<16xf32>,
      %swap3A_522 = vector.shape_cast %swap3A_521 : vector<16xf32> to vector<16xf32>
      %swap3A_523 = vector.shape_cast %get3A_519 : vector<16xf32> to vector<16xf32>
      tpu.vector_store %arg13[%swap3A_520], %swap3A_523 {add = true, strides = array<i32>} : memref<128xf32, #tpu.memory_space<vmem>>, vector<16xf32>,
      %mul3A_524 = arith.mulf %get3A_519, %get3A_519 : vector<16xf32>
      %swap3A_525 = arith.constant 112 : index
      %swap3A_526 = tpu.vector_load %arg14[%swap3A_525] {strides = array<i32>} : memref<128xf32, #tpu.memory_space<vmem>>, vector<16xf32>,
      %swap3A_527 = vector.shape_cast %swap3A_526 : vector<16xf32> to vector<16xf32>
      %swap3A_528 = vector.shape_cast %mul3A_524 : vector<16xf32> to vector<16xf32>
      tpu.vector_store %arg14[%swap3A_525], %swap3A_528 {add = true, strides = array<i32>} : memref<128xf32, #tpu.memory_space<vmem>>, vector<16xf32>,
      %scan3A_529 = arith.constant 0 : i32
      scf.yield %scan3A_529 : i32
    }
    %scan3A_322 = arith.constant 80 : i32
    %dma_wait3A_323 = arith.constant 4 : i32
    %dma_wait3A_324 = arith.constant 0 : i32
    %dma_wait3A_325 = tpu.memref_slice %arg10[%dma_wait3A_323, %dma_wait3A_324] : memref<8x80xi32, #tpu.memory_space<vmem>> -> memref<1x80xi32, #tpu.memory_space<vmem>>
    %dma_wait3A_326 = tpu.memref_squeeze %dma_wait3A_325 : memref<1x80xi32, #tpu.memory_space<vmem>> -> memref<80xi32, #tpu.memory_space<vmem>>
    %dma_wait3A_327 = arith.constant 0 : i32
    %dma_wait3A_328 = arith.constant 0 : i32
    %dma_wait3A_329 = tpu.memref_slice %arg4[%dma_wait3A_327, %dma_wait3A_328] : memref<20000x128xf32, #tpu.memory_space<hbm>> -> memref<20000x128xf32, #tpu.memory_space<hbm>>
    tpu.wait_indirect_dma semaphore(%arg19 : memref<!tpu.dma_semaphore, #tpu.memory_space<semaphore_mem>>) src(%arg11 : memref<80x128xf32, #tpu.memory_space<vmem>>) dst(%dma_wait3A_329 : memref<20000x128xf32, #tpu.memory_space<hbm>>)
    %dma_start3A_330 = arith.constant 480 : i32
    %dma_start3A_331 = tpu.memref_slice %arg9[%dma_start3A_330] : memref<640xi32, #tpu.memory_space<vmem>> -> memref<80xi32, #tpu.memory_space<vmem>>
    %dma_start3A_332 = arith.constant 0 : i32
    %dma_start3A_333 = arith.constant 0 : i32
    %dma_start3A_334 = tpu.memref_slice %arg6[%dma_start3A_332, %dma_start3A_333] : memref<10008x128xf32, #tpu.memory_space<vmem_shared>> -> memref<10008x128xf32, #tpu.memory_space<vmem_shared>>
    tpu.enqueue_indirect_dma source(%dma_start3A_334 : memref<10008x128xf32, #tpu.memory_space<vmem_shared>>) target(%arg11 : memref<80x128xf32, #tpu.memory_space<vmem>>) offsets(%dma_start3A_331 : memref<80xi32, #tpu.memory_space<vmem>>) semaphore(%arg15 : memref<!tpu.dma_semaphore, #tpu.memory_space<semaphore_mem>>)
    %dma_wait3A_335 = arith.constant 400 : i32
    %dma_wait3A_336 = tpu.memref_slice %arg9[%dma_wait3A_335] : memref<640xi32, #tpu.memory_space<vmem>> -> memref<80xi32, #tpu.memory_space<vmem>>
    %dma_wait3A_337 = arith.constant 0 : i32
    %dma_wait3A_338 = arith.constant 0 : i32
    %dma_wait3A_339 = tpu.memref_slice %arg6[%dma_wait3A_337, %dma_wait3A_338] : memref<10008x128xf32, #tpu.memory_space<vmem_shared>> -> memref<10008x128xf32, #tpu.memory_space<vmem_shared>>
    tpu.wait_indirect_dma semaphore(%arg16 : memref<!tpu.dma_semaphore, #tpu.memory_space<semaphore_mem>>) src(%dma_wait3A_339 : memref<10008x128xf32, #tpu.memory_space<vmem_shared>>) dst(%arg12 : memref<80x128xf32, #tpu.memory_space<vmem>>)
    %dma_start3A_340 = arith.constant 5 : i32
    %dma_start3A_341 = arith.constant 0 : i32
    %dma_start3A_342 = tpu.memref_slice %arg10[%dma_start3A_340, %dma_start3A_341] : memref<8x80xi32, #tpu.memory_space<vmem>> -> memref<1x80xi32, #tpu.memory_space<vmem>>
    %dma_start3A_343 = tpu.memref_squeeze %dma_start3A_342 : memref<1x80xi32, #tpu.memory_space<vmem>> -> memref<80xi32, #tpu.memory_space<vmem>>
    %dma_start3A_344 = arith.constant 0 : i32
    %dma_start3A_345 = arith.constant 0 : i32
    %dma_start3A_346 = tpu.memref_slice %arg4[%dma_start3A_344, %dma_start3A_345] : memref<20000x128xf32, #tpu.memory_space<hbm>> -> memref<20000x128xf32, #tpu.memory_space<hbm>>
    tpu.enqueue_indirect_dma source(%arg12 : memref<80x128xf32, #tpu.memory_space<vmem>>) target(%dma_start3A_346 : memref<20000x128xf32, #tpu.memory_space<hbm>>) offsets(%dma_start3A_343 : memref<80xi32, #tpu.memory_space<vmem>>) semaphore(%arg19 : memref<!tpu.dma_semaphore, #tpu.memory_space<semaphore_mem>>)
    %scan3A_347 = arith.constant 0 : i32
    %scan3A_348 = arith.constant 0 : i32
    %scan3A_349 = arith.constant 80 : i32
    %scan3A_350 = arith.addi %scan3A_348, %scan3A_349 : i32
    %scan3A_351 = arith.constant 1 : i32
    %scan3A_352 = scf.for %scan3A_424 = %scan3A_348 to %scan3A_350 step %scan3A_351 iter_args(%scan3A_425 = %scan3A_347) -> (i32)  : i32 {
      %get3A = arith.index_cast %scan3A_424 : i32 to index
      %get3A_426 = arith.constant 0 : index
      %get3A_427 = tpu.vector_load %arg12[%get3A, %get3A_426] {strides = array<i32>} : memref<80x128xf32, #tpu.memory_space<vmem>>, vector<1x16xf32>,
      %get3A_428 = vector.shape_cast %get3A_427 : vector<1x16xf32> to vector<16xf32>
      %swap3A_429 = arith.constant 0 : index
      %swap3A_430 = tpu.vector_load %arg13[%swap3A_429] {strides = array<i32>} : memref<128xf32, #tpu.memory_space<vmem>>, vector<16xf32>,
      %swap3A_431 = vector.shape_cast %swap3A_430 : vector<16xf32> to vector<16xf32>
      %swap3A_432 = vector.shape_cast %get3A_428 : vector<16xf32> to vector<16xf32>
      tpu.vector_store %arg13[%swap3A_429], %swap3A_432 {add = true, strides = array<i32>} : memref<128xf32, #tpu.memory_space<vmem>>, vector<16xf32>,
      %mul3A_433 = arith.mulf %get3A_428, %get3A_428 : vector<16xf32>
      %swap3A_434 = arith.constant 0 : index
      %swap3A_435 = tpu.vector_load %arg14[%swap3A_434] {strides = array<i32>} : memref<128xf32, #tpu.memory_space<vmem>>, vector<16xf32>,
      %swap3A_436 = vector.shape_cast %swap3A_435 : vector<16xf32> to vector<16xf32>
      %swap3A_437 = vector.shape_cast %mul3A_433 : vector<16xf32> to vector<16xf32>
      tpu.vector_store %arg14[%swap3A_434], %swap3A_437 {add = true, strides = array<i32>} : memref<128xf32, #tpu.memory_space<vmem>>, vector<16xf32>,
      %get3A_438 = arith.index_cast %scan3A_424 : i32 to index
      %get3A_439 = arith.constant 16 : index
      %get3A_440 = tpu.vector_load %arg12[%get3A_438, %get3A_439] {strides = array<i32>} : memref<80x128xf32, #tpu.memory_space<vmem>>, vector<1x16xf32>,
      %get3A_441 = vector.shape_cast %get3A_440 : vector<1x16xf32> to vector<16xf32>
      %swap3A_442 = arith.constant 16 : index
      %swap3A_443 = tpu.vector_load %arg13[%swap3A_442] {strides = array<i32>} : memref<128xf32, #tpu.memory_space<vmem>>, vector<16xf32>,
      %swap3A_444 = vector.shape_cast %swap3A_443 : vector<16xf32> to vector<16xf32>
      %swap3A_445 = vector.shape_cast %get3A_441 : vector<16xf32> to vector<16xf32>
      tpu.vector_store %arg13[%swap3A_442], %swap3A_445 {add = true, strides = array<i32>} : memref<128xf32, #tpu.memory_space<vmem>>, vector<16xf32>,
      %mul3A_446 = arith.mulf %get3A_441, %get3A_441 : vector<16xf32>
      %swap3A_447 = arith.constant 16 : index
      %swap3A_448 = tpu.vector_load %arg14[%swap3A_447] {strides = array<i32>} : memref<128xf32, #tpu.memory_space<vmem>>, vector<16xf32>,
      %swap3A_449 = vector.shape_cast %swap3A_448 : vector<16xf32> to vector<16xf32>
      %swap3A_450 = vector.shape_cast %mul3A_446 : vector<16xf32> to vector<16xf32>
      tpu.vector_store %arg14[%swap3A_447], %swap3A_450 {add = true, strides = array<i32>} : memref<128xf32, #tpu.memory_space<vmem>>, vector<16xf32>,
      %get3A_451 = arith.index_cast %scan3A_424 : i32 to index
      %get3A_452 = arith.constant 32 : index
      %get3A_453 = tpu.vector_load %arg12[%get3A_451, %get3A_452] {strides = array<i32>} : memref<80x128xf32, #tpu.memory_space<vmem>>, vector<1x16xf32>,
      %get3A_454 = vector.shape_cast %get3A_453 : vector<1x16xf32> to vector<16xf32>
      %swap3A_455 = arith.constant 32 : index
      %swap3A_456 = tpu.vector_load %arg13[%swap3A_455] {strides = array<i32>} : memref<128xf32, #tpu.memory_space<vmem>>, vector<16xf32>,
      %swap3A_457 = vector.shape_cast %swap3A_456 : vector<16xf32> to vector<16xf32>
      %swap3A_458 = vector.shape_cast %get3A_454 : vector<16xf32> to vector<16xf32>
      tpu.vector_store %arg13[%swap3A_455], %swap3A_458 {add = true, strides = array<i32>} : memref<128xf32, #tpu.memory_space<vmem>>, vector<16xf32>,
      %mul3A_459 = arith.mulf %get3A_454, %get3A_454 : vector<16xf32>
      %swap3A_460 = arith.constant 32 : index
      %swap3A_461 = tpu.vector_load %arg14[%swap3A_460] {strides = array<i32>} : memref<128xf32, #tpu.memory_space<vmem>>, vector<16xf32>,
      %swap3A_462 = vector.shape_cast %swap3A_461 : vector<16xf32> to vector<16xf32>
      %swap3A_463 = vector.shape_cast %mul3A_459 : vector<16xf32> to vector<16xf32>
      tpu.vector_store %arg14[%swap3A_460], %swap3A_463 {add = true, strides = array<i32>} : memref<128xf32, #tpu.memory_space<vmem>>, vector<16xf32>,
      %get3A_464 = arith.index_cast %scan3A_424 : i32 to index
      %get3A_465 = arith.constant 48 : index
      %get3A_466 = tpu.vector_load %arg12[%get3A_464, %get3A_465] {strides = array<i32>} : memref<80x128xf32, #tpu.memory_space<vmem>>, vector<1x16xf32>,
      %get3A_467 = vector.shape_cast %get3A_466 : vector<1x16xf32> to vector<16xf32>
      %swap3A_468 = arith.constant 48 : index
      %swap3A_469 = tpu.vector_load %arg13[%swap3A_468] {strides = array<i32>} : memref<128xf32, #tpu.memory_space<vmem>>, vector<16xf32>,
      %swap3A_470 = vector.shape_cast %swap3A_469 : vector<16xf32> to vector<16xf32>
      %swap3A_471 = vector.shape_cast %get3A_467 : vector<16xf32> to vector<16xf32>
      tpu.vector_store %arg13[%swap3A_468], %swap3A_471 {add = true, strides = array<i32>} : memref<128xf32, #tpu.memory_space<vmem>>, vector<16xf32>,
      %mul3A_472 = arith.mulf %get3A_467, %get3A_467 : vector<16xf32>
      %swap3A_473 = arith.constant 48 : index
      %swap3A_474 = tpu.vector_load %arg14[%swap3A_473] {strides = array<i32>} : memref<128xf32, #tpu.memory_space<vmem>>, vector<16xf32>,
      %swap3A_475 = vector.shape_cast %swap3A_474 : vector<16xf32> to vector<16xf32>
      %swap3A_476 = vector.shape_cast %mul3A_472 : vector<16xf32> to vector<16xf32>
      tpu.vector_store %arg14[%swap3A_473], %swap3A_476 {add = true, strides = array<i32>} : memref<128xf32, #tpu.memory_space<vmem>>, vector<16xf32>,
      %get3A_477 = arith.index_cast %scan3A_424 : i32 to index
      %get3A_478 = arith.constant 64 : index
      %get3A_479 = tpu.vector_load %arg12[%get3A_477, %get3A_478] {strides = array<i32>} : memref<80x128xf32, #tpu.memory_space<vmem>>, vector<1x16xf32>,
      %get3A_480 = vector.shape_cast %get3A_479 : vector<1x16xf32> to vector<16xf32>
      %swap3A_481 = arith.constant 64 : index
      %swap3A_482 = tpu.vector_load %arg13[%swap3A_481] {strides = array<i32>} : memref<128xf32, #tpu.memory_space<vmem>>, vector<16xf32>,
      %swap3A_483 = vector.shape_cast %swap3A_482 : vector<16xf32> to vector<16xf32>
      %swap3A_484 = vector.shape_cast %get3A_480 : vector<16xf32> to vector<16xf32>
      tpu.vector_store %arg13[%swap3A_481], %swap3A_484 {add = true, strides = array<i32>} : memref<128xf32, #tpu.memory_space<vmem>>, vector<16xf32>,
      %mul3A_485 = arith.mulf %get3A_480, %get3A_480 : vector<16xf32>
      %swap3A_486 = arith.constant 64 : index
      %swap3A_487 = tpu.vector_load %arg14[%swap3A_486] {strides = array<i32>} : memref<128xf32, #tpu.memory_space<vmem>>, vector<16xf32>,
      %swap3A_488 = vector.shape_cast %swap3A_487 : vector<16xf32> to vector<16xf32>
      %swap3A_489 = vector.shape_cast %mul3A_485 : vector<16xf32> to vector<16xf32>
      tpu.vector_store %arg14[%swap3A_486], %swap3A_489 {add = true, strides = array<i32>} : memref<128xf32, #tpu.memory_space<vmem>>, vector<16xf32>,
      %get3A_490 = arith.index_cast %scan3A_424 : i32 to index
      %get3A_491 = arith.constant 80 : index
      %get3A_492 = tpu.vector_load %arg12[%get3A_490, %get3A_491] {strides = array<i32>} : memref<80x128xf32, #tpu.memory_space<vmem>>, vector<1x16xf32>,
      %get3A_493 = vector.shape_cast %get3A_492 : vector<1x16xf32> to vector<16xf32>
      %swap3A_494 = arith.constant 80 : index
      %swap3A_495 = tpu.vector_load %arg13[%swap3A_494] {strides = array<i32>} : memref<128xf32, #tpu.memory_space<vmem>>, vector<16xf32>,
      %swap3A_496 = vector.shape_cast %swap3A_495 : vector<16xf32> to vector<16xf32>
      %swap3A_497 = vector.shape_cast %get3A_493 : vector<16xf32> to vector<16xf32>
      tpu.vector_store %arg13[%swap3A_494], %swap3A_497 {add = true, strides = array<i32>} : memref<128xf32, #tpu.memory_space<vmem>>, vector<16xf32>,
      %mul3A_498 = arith.mulf %get3A_493, %get3A_493 : vector<16xf32>
      %swap3A_499 = arith.constant 80 : index
      %swap3A_500 = tpu.vector_load %arg14[%swap3A_499] {strides = array<i32>} : memref<128xf32, #tpu.memory_space<vmem>>, vector<16xf32>,
      %swap3A_501 = vector.shape_cast %swap3A_500 : vector<16xf32> to vector<16xf32>
      %swap3A_502 = vector.shape_cast %mul3A_498 : vector<16xf32> to vector<16xf32>
      tpu.vector_store %arg14[%swap3A_499], %swap3A_502 {add = true, strides = array<i32>} : memref<128xf32, #tpu.memory_space<vmem>>, vector<16xf32>,
      %get3A_503 = arith.index_cast %scan3A_424 : i32 to index
      %get3A_504 = arith.constant 96 : index
      %get3A_505 = tpu.vector_load %arg12[%get3A_503, %get3A_504] {strides = array<i32>} : memref<80x128xf32, #tpu.memory_space<vmem>>, vector<1x16xf32>,
      %get3A_506 = vector.shape_cast %get3A_505 : vector<1x16xf32> to vector<16xf32>
      %swap3A_507 = arith.constant 96 : index
      %swap3A_508 = tpu.vector_load %arg13[%swap3A_507] {strides = array<i32>} : memref<128xf32, #tpu.memory_space<vmem>>, vector<16xf32>,
      %swap3A_509 = vector.shape_cast %swap3A_508 : vector<16xf32> to vector<16xf32>
      %swap3A_510 = vector.shape_cast %get3A_506 : vector<16xf32> to vector<16xf32>
      tpu.vector_store %arg13[%swap3A_507], %swap3A_510 {add = true, strides = array<i32>} : memref<128xf32, #tpu.memory_space<vmem>>, vector<16xf32>,
      %mul3A_511 = arith.mulf %get3A_506, %get3A_506 : vector<16xf32>
      %swap3A_512 = arith.constant 96 : index
      %swap3A_513 = tpu.vector_load %arg14[%swap3A_512] {strides = array<i32>} : memref<128xf32, #tpu.memory_space<vmem>>, vector<16xf32>,
      %swap3A_514 = vector.shape_cast %swap3A_513 : vector<16xf32> to vector<16xf32>
      %swap3A_515 = vector.shape_cast %mul3A_511 : vector<16xf32> to vector<16xf32>
      tpu.vector_store %arg14[%swap3A_512], %swap3A_515 {add = true, strides = array<i32>} : memref<128xf32, #tpu.memory_space<vmem>>, vector<16xf32>,
      %get3A_516 = arith.index_cast %scan3A_424 : i32 to index
      %get3A_517 = arith.constant 112 : index
      %get3A_518 = tpu.vector_load %arg12[%get3A_516, %get3A_517] {strides = array<i32>} : memref<80x128xf32, #tpu.memory_space<vmem>>, vector<1x16xf32>,
      %get3A_519 = vector.shape_cast %get3A_518 : vector<1x16xf32> to vector<16xf32>
      %swap3A_520 = arith.constant 112 : index
      %swap3A_521 = tpu.vector_load %arg13[%swap3A_520] {strides = array<i32>} : memref<128xf32, #tpu.memory_space<vmem>>, vector<16xf32>,
      %swap3A_522 = vector.shape_cast %swap3A_521 : vector<16xf32> to vector<16xf32>
      %swap3A_523 = vector.shape_cast %get3A_519 : vector<16xf32> to vector<16xf32>
      tpu.vector_store %arg13[%swap3A_520], %swap3A_523 {add = true, strides = array<i32>} : memref<128xf32, #tpu.memory_space<vmem>>, vector<16xf32>,
      %mul3A_524 = arith.mulf %get3A_519, %get3A_519 : vector<16xf32>
      %swap3A_525 = arith.constant 112 : index
      %swap3A_526 = tpu.vector_load %arg14[%swap3A_525] {strides = array<i32>} : memref<128xf32, #tpu.memory_space<vmem>>, vector<16xf32>,
      %swap3A_527 = vector.shape_cast %swap3A_526 : vector<16xf32> to vector<16xf32>
      %swap3A_528 = vector.shape_cast %mul3A_524 : vector<16xf32> to vector<16xf32>
      tpu.vector_store %arg14[%swap3A_525], %swap3A_528 {add = true, strides = array<i32>} : memref<128xf32, #tpu.memory_space<vmem>>, vector<16xf32>,
      %scan3A_529 = arith.constant 0 : i32
      scf.yield %scan3A_529 : i32
    }
    %scan3A_353 = arith.constant 80 : i32
    %dma_wait3A_354 = arith.constant 5 : i32
    %dma_wait3A_355 = arith.constant 0 : i32
    %dma_wait3A_356 = tpu.memref_slice %arg10[%dma_wait3A_354, %dma_wait3A_355] : memref<8x80xi32, #tpu.memory_space<vmem>> -> memref<1x80xi32, #tpu.memory_space<vmem>>
    %dma_wait3A_357 = tpu.memref_squeeze %dma_wait3A_356 : memref<1x80xi32, #tpu.memory_space<vmem>> -> memref<80xi32, #tpu.memory_space<vmem>>
    %dma_wait3A_358 = arith.constant 0 : i32
    %dma_wait3A_359 = arith.constant 0 : i32
    %dma_wait3A_360 = tpu.memref_slice %arg4[%dma_wait3A_358, %dma_wait3A_359] : memref<20000x128xf32, #tpu.memory_space<hbm>> -> memref<20000x128xf32, #tpu.memory_space<hbm>>
    tpu.wait_indirect_dma semaphore(%arg19 : memref<!tpu.dma_semaphore, #tpu.memory_space<semaphore_mem>>) src(%arg12 : memref<80x128xf32, #tpu.memory_space<vmem>>) dst(%dma_wait3A_360 : memref<20000x128xf32, #tpu.memory_space<hbm>>)
    %dma_start3A_361 = arith.constant 560 : i32
    %dma_start3A_362 = tpu.memref_slice %arg9[%dma_start3A_361] : memref<640xi32, #tpu.memory_space<vmem>> -> memref<80xi32, #tpu.memory_space<vmem>>
    %dma_start3A_363 = arith.constant 0 : i32
    %dma_start3A_364 = arith.constant 0 : i32
    %dma_start3A_365 = tpu.memref_slice %arg6[%dma_start3A_363, %dma_start3A_364] : memref<10008x128xf32, #tpu.memory_space<vmem_shared>> -> memref<10008x128xf32, #tpu.memory_space<vmem_shared>>
    tpu.enqueue_indirect_dma source(%dma_start3A_365 : memref<10008x128xf32, #tpu.memory_space<vmem_shared>>) target(%arg12 : memref<80x128xf32, #tpu.memory_space<vmem>>) offsets(%dma_start3A_362 : memref<80xi32, #tpu.memory_space<vmem>>) semaphore(%arg16 : memref<!tpu.dma_semaphore, #tpu.memory_space<semaphore_mem>>)
    %dma_wait3A_366 = arith.constant 480 : i32
    %dma_wait3A_367 = tpu.memref_slice %arg9[%dma_wait3A_366] : memref<640xi32, #tpu.memory_space<vmem>> -> memref<80xi32, #tpu.memory_space<vmem>>
    %dma_wait3A_368 = arith.constant 0 : i32
    %dma_wait3A_369 = arith.constant 0 : i32
    %dma_wait3A_370 = tpu.memref_slice %arg6[%dma_wait3A_368, %dma_wait3A_369] : memref<10008x128xf32, #tpu.memory_space<vmem_shared>> -> memref<10008x128xf32, #tpu.memory_space<vmem_shared>>
    tpu.wait_indirect_dma semaphore(%arg15 : memref<!tpu.dma_semaphore, #tpu.memory_space<semaphore_mem>>) src(%dma_wait3A_370 : memref<10008x128xf32, #tpu.memory_space<vmem_shared>>) dst(%arg11 : memref<80x128xf32, #tpu.memory_space<vmem>>)
    %dma_start3A_371 = arith.constant 6 : i32
    %dma_start3A_372 = arith.constant 0 : i32
    %dma_start3A_373 = tpu.memref_slice %arg10[%dma_start3A_371, %dma_start3A_372] : memref<8x80xi32, #tpu.memory_space<vmem>> -> memref<1x80xi32, #tpu.memory_space<vmem>>
    %dma_start3A_374 = tpu.memref_squeeze %dma_start3A_373 : memref<1x80xi32, #tpu.memory_space<vmem>> -> memref<80xi32, #tpu.memory_space<vmem>>
    %dma_start3A_375 = arith.constant 0 : i32
    %dma_start3A_376 = arith.constant 0 : i32
    %dma_start3A_377 = tpu.memref_slice %arg4[%dma_start3A_375, %dma_start3A_376] : memref<20000x128xf32, #tpu.memory_space<hbm>> -> memref<20000x128xf32, #tpu.memory_space<hbm>>
    tpu.enqueue_indirect_dma source(%arg11 : memref<80x128xf32, #tpu.memory_space<vmem>>) target(%dma_start3A_377 : memref<20000x128xf32, #tpu.memory_space<hbm>>) offsets(%dma_start3A_374 : memref<80xi32, #tpu.memory_space<vmem>>) semaphore(%arg19 : memref<!tpu.dma_semaphore, #tpu.memory_space<semaphore_mem>>)
    %scan3A_378 = arith.constant 0 : i32
    %scan3A_379 = arith.constant 0 : i32
    %scan3A_380 = arith.constant 80 : i32
    %scan3A_381 = arith.addi %scan3A_379, %scan3A_380 : i32
    %scan3A_382 = arith.constant 1 : i32
    %scan3A_383 = scf.for %scan3A_424 = %scan3A_379 to %scan3A_381 step %scan3A_382 iter_args(%scan3A_425 = %scan3A_378) -> (i32)  : i32 {
      %get3A = arith.index_cast %scan3A_424 : i32 to index
      %get3A_426 = arith.constant 0 : index
      %get3A_427 = tpu.vector_load %arg11[%get3A, %get3A_426] {strides = array<i32>} : memref<80x128xf32, #tpu.memory_space<vmem>>, vector<1x16xf32>,
      %get3A_428 = vector.shape_cast %get3A_427 : vector<1x16xf32> to vector<16xf32>
      %swap3A_429 = arith.constant 0 : index
      %swap3A_430 = tpu.vector_load %arg13[%swap3A_429] {strides = array<i32>} : memref<128xf32, #tpu.memory_space<vmem>>, vector<16xf32>,
      %swap3A_431 = vector.shape_cast %swap3A_430 : vector<16xf32> to vector<16xf32>
      %swap3A_432 = vector.shape_cast %get3A_428 : vector<16xf32> to vector<16xf32>
      tpu.vector_store %arg13[%swap3A_429], %swap3A_432 {add = true, strides = array<i32>} : memref<128xf32, #tpu.memory_space<vmem>>, vector<16xf32>,
      %mul3A_433 = arith.mulf %get3A_428, %get3A_428 : vector<16xf32>
      %swap3A_434 = arith.constant 0 : index
      %swap3A_435 = tpu.vector_load %arg14[%swap3A_434] {strides = array<i32>} : memref<128xf32, #tpu.memory_space<vmem>>, vector<16xf32>,
      %swap3A_436 = vector.shape_cast %swap3A_435 : vector<16xf32> to vector<16xf32>
      %swap3A_437 = vector.shape_cast %mul3A_433 : vector<16xf32> to vector<16xf32>
      tpu.vector_store %arg14[%swap3A_434], %swap3A_437 {add = true, strides = array<i32>} : memref<128xf32, #tpu.memory_space<vmem>>, vector<16xf32>,
      %get3A_438 = arith.index_cast %scan3A_424 : i32 to index
      %get3A_439 = arith.constant 16 : index
      %get3A_440 = tpu.vector_load %arg11[%get3A_438, %get3A_439] {strides = array<i32>} : memref<80x128xf32, #tpu.memory_space<vmem>>, vector<1x16xf32>,
      %get3A_441 = vector.shape_cast %get3A_440 : vector<1x16xf32> to vector<16xf32>
      %swap3A_442 = arith.constant 16 : index
      %swap3A_443 = tpu.vector_load %arg13[%swap3A_442] {strides = array<i32>} : memref<128xf32, #tpu.memory_space<vmem>>, vector<16xf32>,
      %swap3A_444 = vector.shape_cast %swap3A_443 : vector<16xf32> to vector<16xf32>
      %swap3A_445 = vector.shape_cast %get3A_441 : vector<16xf32> to vector<16xf32>
      tpu.vector_store %arg13[%swap3A_442], %swap3A_445 {add = true, strides = array<i32>} : memref<128xf32, #tpu.memory_space<vmem>>, vector<16xf32>,
      %mul3A_446 = arith.mulf %get3A_441, %get3A_441 : vector<16xf32>
      %swap3A_447 = arith.constant 16 : index
      %swap3A_448 = tpu.vector_load %arg14[%swap3A_447] {strides = array<i32>} : memref<128xf32, #tpu.memory_space<vmem>>, vector<16xf32>,
      %swap3A_449 = vector.shape_cast %swap3A_448 : vector<16xf32> to vector<16xf32>
      %swap3A_450 = vector.shape_cast %mul3A_446 : vector<16xf32> to vector<16xf32>
      tpu.vector_store %arg14[%swap3A_447], %swap3A_450 {add = true, strides = array<i32>} : memref<128xf32, #tpu.memory_space<vmem>>, vector<16xf32>,
      %get3A_451 = arith.index_cast %scan3A_424 : i32 to index
      %get3A_452 = arith.constant 32 : index
      %get3A_453 = tpu.vector_load %arg11[%get3A_451, %get3A_452] {strides = array<i32>} : memref<80x128xf32, #tpu.memory_space<vmem>>, vector<1x16xf32>,
      %get3A_454 = vector.shape_cast %get3A_453 : vector<1x16xf32> to vector<16xf32>
      %swap3A_455 = arith.constant 32 : index
      %swap3A_456 = tpu.vector_load %arg13[%swap3A_455] {strides = array<i32>} : memref<128xf32, #tpu.memory_space<vmem>>, vector<16xf32>,
      %swap3A_457 = vector.shape_cast %swap3A_456 : vector<16xf32> to vector<16xf32>
      %swap3A_458 = vector.shape_cast %get3A_454 : vector<16xf32> to vector<16xf32>
      tpu.vector_store %arg13[%swap3A_455], %swap3A_458 {add = true, strides = array<i32>} : memref<128xf32, #tpu.memory_space<vmem>>, vector<16xf32>,
      %mul3A_459 = arith.mulf %get3A_454, %get3A_454 : vector<16xf32>
      %swap3A_460 = arith.constant 32 : index
      %swap3A_461 = tpu.vector_load %arg14[%swap3A_460] {strides = array<i32>} : memref<128xf32, #tpu.memory_space<vmem>>, vector<16xf32>,
      %swap3A_462 = vector.shape_cast %swap3A_461 : vector<16xf32> to vector<16xf32>
      %swap3A_463 = vector.shape_cast %mul3A_459 : vector<16xf32> to vector<16xf32>
      tpu.vector_store %arg14[%swap3A_460], %swap3A_463 {add = true, strides = array<i32>} : memref<128xf32, #tpu.memory_space<vmem>>, vector<16xf32>,
      %get3A_464 = arith.index_cast %scan3A_424 : i32 to index
      %get3A_465 = arith.constant 48 : index
      %get3A_466 = tpu.vector_load %arg11[%get3A_464, %get3A_465] {strides = array<i32>} : memref<80x128xf32, #tpu.memory_space<vmem>>, vector<1x16xf32>,
      %get3A_467 = vector.shape_cast %get3A_466 : vector<1x16xf32> to vector<16xf32>
      %swap3A_468 = arith.constant 48 : index
      %swap3A_469 = tpu.vector_load %arg13[%swap3A_468] {strides = array<i32>} : memref<128xf32, #tpu.memory_space<vmem>>, vector<16xf32>,
      %swap3A_470 = vector.shape_cast %swap3A_469 : vector<16xf32> to vector<16xf32>
      %swap3A_471 = vector.shape_cast %get3A_467 : vector<16xf32> to vector<16xf32>
      tpu.vector_store %arg13[%swap3A_468], %swap3A_471 {add = true, strides = array<i32>} : memref<128xf32, #tpu.memory_space<vmem>>, vector<16xf32>,
      %mul3A_472 = arith.mulf %get3A_467, %get3A_467 : vector<16xf32>
      %swap3A_473 = arith.constant 48 : index
      %swap3A_474 = tpu.vector_load %arg14[%swap3A_473] {strides = array<i32>} : memref<128xf32, #tpu.memory_space<vmem>>, vector<16xf32>,
      %swap3A_475 = vector.shape_cast %swap3A_474 : vector<16xf32> to vector<16xf32>
      %swap3A_476 = vector.shape_cast %mul3A_472 : vector<16xf32> to vector<16xf32>
      tpu.vector_store %arg14[%swap3A_473], %swap3A_476 {add = true, strides = array<i32>} : memref<128xf32, #tpu.memory_space<vmem>>, vector<16xf32>,
      %get3A_477 = arith.index_cast %scan3A_424 : i32 to index
      %get3A_478 = arith.constant 64 : index
      %get3A_479 = tpu.vector_load %arg11[%get3A_477, %get3A_478] {strides = array<i32>} : memref<80x128xf32, #tpu.memory_space<vmem>>, vector<1x16xf32>,
      %get3A_480 = vector.shape_cast %get3A_479 : vector<1x16xf32> to vector<16xf32>
      %swap3A_481 = arith.constant 64 : index
      %swap3A_482 = tpu.vector_load %arg13[%swap3A_481] {strides = array<i32>} : memref<128xf32, #tpu.memory_space<vmem>>, vector<16xf32>,
      %swap3A_483 = vector.shape_cast %swap3A_482 : vector<16xf32> to vector<16xf32>
      %swap3A_484 = vector.shape_cast %get3A_480 : vector<16xf32> to vector<16xf32>
      tpu.vector_store %arg13[%swap3A_481], %swap3A_484 {add = true, strides = array<i32>} : memref<128xf32, #tpu.memory_space<vmem>>, vector<16xf32>,
      %mul3A_485 = arith.mulf %get3A_480, %get3A_480 : vector<16xf32>
      %swap3A_486 = arith.constant 64 : index
      %swap3A_487 = tpu.vector_load %arg14[%swap3A_486] {strides = array<i32>} : memref<128xf32, #tpu.memory_space<vmem>>, vector<16xf32>,
      %swap3A_488 = vector.shape_cast %swap3A_487 : vector<16xf32> to vector<16xf32>
      %swap3A_489 = vector.shape_cast %mul3A_485 : vector<16xf32> to vector<16xf32>
      tpu.vector_store %arg14[%swap3A_486], %swap3A_489 {add = true, strides = array<i32>} : memref<128xf32, #tpu.memory_space<vmem>>, vector<16xf32>,
      %get3A_490 = arith.index_cast %scan3A_424 : i32 to index
      %get3A_491 = arith.constant 80 : index
      %get3A_492 = tpu.vector_load %arg11[%get3A_490, %get3A_491] {strides = array<i32>} : memref<80x128xf32, #tpu.memory_space<vmem>>, vector<1x16xf32>,
      %get3A_493 = vector.shape_cast %get3A_492 : vector<1x16xf32> to vector<16xf32>
      %swap3A_494 = arith.constant 80 : index
      %swap3A_495 = tpu.vector_load %arg13[%swap3A_494] {strides = array<i32>} : memref<128xf32, #tpu.memory_space<vmem>>, vector<16xf32>,
      %swap3A_496 = vector.shape_cast %swap3A_495 : vector<16xf32> to vector<16xf32>
      %swap3A_497 = vector.shape_cast %get3A_493 : vector<16xf32> to vector<16xf32>
      tpu.vector_store %arg13[%swap3A_494], %swap3A_497 {add = true, strides = array<i32>} : memref<128xf32, #tpu.memory_space<vmem>>, vector<16xf32>,
      %mul3A_498 = arith.mulf %get3A_493, %get3A_493 : vector<16xf32>
      %swap3A_499 = arith.constant 80 : index
      %swap3A_500 = tpu.vector_load %arg14[%swap3A_499] {strides = array<i32>} : memref<128xf32, #tpu.memory_space<vmem>>, vector<16xf32>,
      %swap3A_501 = vector.shape_cast %swap3A_500 : vector<16xf32> to vector<16xf32>
      %swap3A_502 = vector.shape_cast %mul3A_498 : vector<16xf32> to vector<16xf32>
      tpu.vector_store %arg14[%swap3A_499], %swap3A_502 {add = true, strides = array<i32>} : memref<128xf32, #tpu.memory_space<vmem>>, vector<16xf32>,
      %get3A_503 = arith.index_cast %scan3A_424 : i32 to index
      %get3A_504 = arith.constant 96 : index
      %get3A_505 = tpu.vector_load %arg11[%get3A_503, %get3A_504] {strides = array<i32>} : memref<80x128xf32, #tpu.memory_space<vmem>>, vector<1x16xf32>,
      %get3A_506 = vector.shape_cast %get3A_505 : vector<1x16xf32> to vector<16xf32>
      %swap3A_507 = arith.constant 96 : index
      %swap3A_508 = tpu.vector_load %arg13[%swap3A_507] {strides = array<i32>} : memref<128xf32, #tpu.memory_space<vmem>>, vector<16xf32>,
      %swap3A_509 = vector.shape_cast %swap3A_508 : vector<16xf32> to vector<16xf32>
      %swap3A_510 = vector.shape_cast %get3A_506 : vector<16xf32> to vector<16xf32>
      tpu.vector_store %arg13[%swap3A_507], %swap3A_510 {add = true, strides = array<i32>} : memref<128xf32, #tpu.memory_space<vmem>>, vector<16xf32>,
      %mul3A_511 = arith.mulf %get3A_506, %get3A_506 : vector<16xf32>
      %swap3A_512 = arith.constant 96 : index
      %swap3A_513 = tpu.vector_load %arg14[%swap3A_512] {strides = array<i32>} : memref<128xf32, #tpu.memory_space<vmem>>, vector<16xf32>,
      %swap3A_514 = vector.shape_cast %swap3A_513 : vector<16xf32> to vector<16xf32>
      %swap3A_515 = vector.shape_cast %mul3A_511 : vector<16xf32> to vector<16xf32>
      tpu.vector_store %arg14[%swap3A_512], %swap3A_515 {add = true, strides = array<i32>} : memref<128xf32, #tpu.memory_space<vmem>>, vector<16xf32>,
      %get3A_516 = arith.index_cast %scan3A_424 : i32 to index
      %get3A_517 = arith.constant 112 : index
      %get3A_518 = tpu.vector_load %arg11[%get3A_516, %get3A_517] {strides = array<i32>} : memref<80x128xf32, #tpu.memory_space<vmem>>, vector<1x16xf32>,
      %get3A_519 = vector.shape_cast %get3A_518 : vector<1x16xf32> to vector<16xf32>
      %swap3A_520 = arith.constant 112 : index
      %swap3A_521 = tpu.vector_load %arg13[%swap3A_520] {strides = array<i32>} : memref<128xf32, #tpu.memory_space<vmem>>, vector<16xf32>,
      %swap3A_522 = vector.shape_cast %swap3A_521 : vector<16xf32> to vector<16xf32>
      %swap3A_523 = vector.shape_cast %get3A_519 : vector<16xf32> to vector<16xf32>
      tpu.vector_store %arg13[%swap3A_520], %swap3A_523 {add = true, strides = array<i32>} : memref<128xf32, #tpu.memory_space<vmem>>, vector<16xf32>,
      %mul3A_524 = arith.mulf %get3A_519, %get3A_519 : vector<16xf32>
      %swap3A_525 = arith.constant 112 : index
      %swap3A_526 = tpu.vector_load %arg14[%swap3A_525] {strides = array<i32>} : memref<128xf32, #tpu.memory_space<vmem>>, vector<16xf32>,
      %swap3A_527 = vector.shape_cast %swap3A_526 : vector<16xf32> to vector<16xf32>
      %swap3A_528 = vector.shape_cast %mul3A_524 : vector<16xf32> to vector<16xf32>
      tpu.vector_store %arg14[%swap3A_525], %swap3A_528 {add = true, strides = array<i32>} : memref<128xf32, #tpu.memory_space<vmem>>, vector<16xf32>,
      %scan3A_529 = arith.constant 0 : i32
      scf.yield %scan3A_529 : i32
    }
    %scan3A_384 = arith.constant 80 : i32
    %dma_wait3A_385 = arith.constant 6 : i32
    %dma_wait3A_386 = arith.constant 0 : i32
    %dma_wait3A_387 = tpu.memref_slice %arg10[%dma_wait3A_385, %dma_wait3A_386] : memref<8x80xi32, #tpu.memory_space<vmem>> -> memref<1x80xi32, #tpu.memory_space<vmem>>
    %dma_wait3A_388 = tpu.memref_squeeze %dma_wait3A_387 : memref<1x80xi32, #tpu.memory_space<vmem>> -> memref<80xi32, #tpu.memory_space<vmem>>
    %dma_wait3A_389 = arith.constant 0 : i32
    %dma_wait3A_390 = arith.constant 0 : i32
    %dma_wait3A_391 = tpu.memref_slice %arg4[%dma_wait3A_389, %dma_wait3A_390] : memref<20000x128xf32, #tpu.memory_space<hbm>> -> memref<20000x128xf32, #tpu.memory_space<hbm>>
    tpu.wait_indirect_dma semaphore(%arg19 : memref<!tpu.dma_semaphore, #tpu.memory_space<semaphore_mem>>) src(%arg11 : memref<80x128xf32, #tpu.memory_space<vmem>>) dst(%dma_wait3A_391 : memref<20000x128xf32, #tpu.memory_space<hbm>>)
    %dma_wait3A_392 = arith.constant 560 : i32
    %dma_wait3A_393 = tpu.memref_slice %arg9[%dma_wait3A_392] : memref<640xi32, #tpu.memory_space<vmem>> -> memref<80xi32, #tpu.memory_space<vmem>>
    %dma_wait3A_394 = arith.constant 0 : i32
    %dma_wait3A_395 = arith.constant 0 : i32
    %dma_wait3A_396 = tpu.memref_slice %arg6[%dma_wait3A_394, %dma_wait3A_395] : memref<10008x128xf32, #tpu.memory_space<vmem_shared>> -> memref<10008x128xf32, #tpu.memory_space<vmem_shared>>
    tpu.wait_indirect_dma semaphore(%arg16 : memref<!tpu.dma_semaphore, #tpu.memory_space<semaphore_mem>>) src(%dma_wait3A_396 : memref<10008x128xf32, #tpu.memory_space<vmem_shared>>) dst(%arg12 : memref<80x128xf32, #tpu.memory_space<vmem>>)
    %dma_start3A_397 = arith.constant 7 : i32
    %dma_start3A_398 = arith.constant 0 : i32
    %dma_start3A_399 = tpu.memref_slice %arg10[%dma_start3A_397, %dma_start3A_398] : memref<8x80xi32, #tpu.memory_space<vmem>> -> memref<1x80xi32, #tpu.memory_space<vmem>>
    %dma_start3A_400 = tpu.memref_squeeze %dma_start3A_399 : memref<1x80xi32, #tpu.memory_space<vmem>> -> memref<80xi32, #tpu.memory_space<vmem>>
    %dma_start3A_401 = arith.constant 0 : i32
    %dma_start3A_402 = arith.constant 0 : i32
    %dma_start3A_403 = tpu.memref_slice %arg4[%dma_start3A_401, %dma_start3A_402] : memref<20000x128xf32, #tpu.memory_space<hbm>> -> memref<20000x128xf32, #tpu.memory_space<hbm>>
    tpu.enqueue_indirect_dma source(%arg12 : memref<80x128xf32, #tpu.memory_space<vmem>>) target(%dma_start3A_403 : memref<20000x128xf32, #tpu.memory_space<hbm>>) offsets(%dma_start3A_400 : memref<80xi32, #tpu.memory_space<vmem>>) semaphore(%arg19 : memref<!tpu.dma_semaphore, #tpu.memory_space<semaphore_mem>>)
    %scan3A_404 = arith.constant 0 : i32
    %scan3A_405 = arith.constant 0 : i32
    %scan3A_406 = arith.constant 65 : i32
    %scan3A_407 = arith.addi %scan3A_405, %scan3A_406 : i32
    %scan3A_408 = arith.constant 1 : i32
    %scan3A_409 = scf.for %scan3A_424 = %scan3A_405 to %scan3A_407 step %scan3A_408 iter_args(%scan3A_425 = %scan3A_404) -> (i32)  : i32 {
      %get3A = arith.index_cast %scan3A_424 : i32 to index
      %get3A_426 = arith.constant 0 : index
      %get3A_427 = tpu.vector_load %arg12[%get3A, %get3A_426] {strides = array<i32>} : memref<80x128xf32, #tpu.memory_space<vmem>>, vector<1x16xf32>,
      %get3A_428 = vector.shape_cast %get3A_427 : vector<1x16xf32> to vector<16xf32>
      %swap3A_429 = arith.constant 0 : index
      %swap3A_430 = tpu.vector_load %arg13[%swap3A_429] {strides = array<i32>} : memref<128xf32, #tpu.memory_space<vmem>>, vector<16xf32>,
      %swap3A_431 = vector.shape_cast %swap3A_430 : vector<16xf32> to vector<16xf32>
      %swap3A_432 = vector.shape_cast %get3A_428 : vector<16xf32> to vector<16xf32>
      tpu.vector_store %arg13[%swap3A_429], %swap3A_432 {add = true, strides = array<i32>} : memref<128xf32, #tpu.memory_space<vmem>>, vector<16xf32>,
      %mul3A_433 = arith.mulf %get3A_428, %get3A_428 : vector<16xf32>
      %swap3A_434 = arith.constant 0 : index
      %swap3A_435 = tpu.vector_load %arg14[%swap3A_434] {strides = array<i32>} : memref<128xf32, #tpu.memory_space<vmem>>, vector<16xf32>,
      %swap3A_436 = vector.shape_cast %swap3A_435 : vector<16xf32> to vector<16xf32>
      %swap3A_437 = vector.shape_cast %mul3A_433 : vector<16xf32> to vector<16xf32>
      tpu.vector_store %arg14[%swap3A_434], %swap3A_437 {add = true, strides = array<i32>} : memref<128xf32, #tpu.memory_space<vmem>>, vector<16xf32>,
      %get3A_438 = arith.index_cast %scan3A_424 : i32 to index
      %get3A_439 = arith.constant 16 : index
      %get3A_440 = tpu.vector_load %arg12[%get3A_438, %get3A_439] {strides = array<i32>} : memref<80x128xf32, #tpu.memory_space<vmem>>, vector<1x16xf32>,
      %get3A_441 = vector.shape_cast %get3A_440 : vector<1x16xf32> to vector<16xf32>
      %swap3A_442 = arith.constant 16 : index
      %swap3A_443 = tpu.vector_load %arg13[%swap3A_442] {strides = array<i32>} : memref<128xf32, #tpu.memory_space<vmem>>, vector<16xf32>,
      %swap3A_444 = vector.shape_cast %swap3A_443 : vector<16xf32> to vector<16xf32>
      %swap3A_445 = vector.shape_cast %get3A_441 : vector<16xf32> to vector<16xf32>
      tpu.vector_store %arg13[%swap3A_442], %swap3A_445 {add = true, strides = array<i32>} : memref<128xf32, #tpu.memory_space<vmem>>, vector<16xf32>,
      %mul3A_446 = arith.mulf %get3A_441, %get3A_441 : vector<16xf32>
      %swap3A_447 = arith.constant 16 : index
      %swap3A_448 = tpu.vector_load %arg14[%swap3A_447] {strides = array<i32>} : memref<128xf32, #tpu.memory_space<vmem>>, vector<16xf32>,
      %swap3A_449 = vector.shape_cast %swap3A_448 : vector<16xf32> to vector<16xf32>
      %swap3A_450 = vector.shape_cast %mul3A_446 : vector<16xf32> to vector<16xf32>
      tpu.vector_store %arg14[%swap3A_447], %swap3A_450 {add = true, strides = array<i32>} : memref<128xf32, #tpu.memory_space<vmem>>, vector<16xf32>,
      %get3A_451 = arith.index_cast %scan3A_424 : i32 to index
      %get3A_452 = arith.constant 32 : index
      %get3A_453 = tpu.vector_load %arg12[%get3A_451, %get3A_452] {strides = array<i32>} : memref<80x128xf32, #tpu.memory_space<vmem>>, vector<1x16xf32>,
      %get3A_454 = vector.shape_cast %get3A_453 : vector<1x16xf32> to vector<16xf32>
      %swap3A_455 = arith.constant 32 : index
      %swap3A_456 = tpu.vector_load %arg13[%swap3A_455] {strides = array<i32>} : memref<128xf32, #tpu.memory_space<vmem>>, vector<16xf32>,
      %swap3A_457 = vector.shape_cast %swap3A_456 : vector<16xf32> to vector<16xf32>
      %swap3A_458 = vector.shape_cast %get3A_454 : vector<16xf32> to vector<16xf32>
      tpu.vector_store %arg13[%swap3A_455], %swap3A_458 {add = true, strides = array<i32>} : memref<128xf32, #tpu.memory_space<vmem>>, vector<16xf32>,
      %mul3A_459 = arith.mulf %get3A_454, %get3A_454 : vector<16xf32>
      %swap3A_460 = arith.constant 32 : index
      %swap3A_461 = tpu.vector_load %arg14[%swap3A_460] {strides = array<i32>} : memref<128xf32, #tpu.memory_space<vmem>>, vector<16xf32>,
      %swap3A_462 = vector.shape_cast %swap3A_461 : vector<16xf32> to vector<16xf32>
      %swap3A_463 = vector.shape_cast %mul3A_459 : vector<16xf32> to vector<16xf32>
      tpu.vector_store %arg14[%swap3A_460], %swap3A_463 {add = true, strides = array<i32>} : memref<128xf32, #tpu.memory_space<vmem>>, vector<16xf32>,
      %get3A_464 = arith.index_cast %scan3A_424 : i32 to index
      %get3A_465 = arith.constant 48 : index
      %get3A_466 = tpu.vector_load %arg12[%get3A_464, %get3A_465] {strides = array<i32>} : memref<80x128xf32, #tpu.memory_space<vmem>>, vector<1x16xf32>,
      %get3A_467 = vector.shape_cast %get3A_466 : vector<1x16xf32> to vector<16xf32>
      %swap3A_468 = arith.constant 48 : index
      %swap3A_469 = tpu.vector_load %arg13[%swap3A_468] {strides = array<i32>} : memref<128xf32, #tpu.memory_space<vmem>>, vector<16xf32>,
      %swap3A_470 = vector.shape_cast %swap3A_469 : vector<16xf32> to vector<16xf32>
      %swap3A_471 = vector.shape_cast %get3A_467 : vector<16xf32> to vector<16xf32>
      tpu.vector_store %arg13[%swap3A_468], %swap3A_471 {add = true, strides = array<i32>} : memref<128xf32, #tpu.memory_space<vmem>>, vector<16xf32>,
      %mul3A_472 = arith.mulf %get3A_467, %get3A_467 : vector<16xf32>
      %swap3A_473 = arith.constant 48 : index
      %swap3A_474 = tpu.vector_load %arg14[%swap3A_473] {strides = array<i32>} : memref<128xf32, #tpu.memory_space<vmem>>, vector<16xf32>,
      %swap3A_475 = vector.shape_cast %swap3A_474 : vector<16xf32> to vector<16xf32>
      %swap3A_476 = vector.shape_cast %mul3A_472 : vector<16xf32> to vector<16xf32>
      tpu.vector_store %arg14[%swap3A_473], %swap3A_476 {add = true, strides = array<i32>} : memref<128xf32, #tpu.memory_space<vmem>>, vector<16xf32>,
      %get3A_477 = arith.index_cast %scan3A_424 : i32 to index
      %get3A_478 = arith.constant 64 : index
      %get3A_479 = tpu.vector_load %arg12[%get3A_477, %get3A_478] {strides = array<i32>} : memref<80x128xf32, #tpu.memory_space<vmem>>, vector<1x16xf32>,
      %get3A_480 = vector.shape_cast %get3A_479 : vector<1x16xf32> to vector<16xf32>
      %swap3A_481 = arith.constant 64 : index
      %swap3A_482 = tpu.vector_load %arg13[%swap3A_481] {strides = array<i32>} : memref<128xf32, #tpu.memory_space<vmem>>, vector<16xf32>,
      %swap3A_483 = vector.shape_cast %swap3A_482 : vector<16xf32> to vector<16xf32>
      %swap3A_484 = vector.shape_cast %get3A_480 : vector<16xf32> to vector<16xf32>
      tpu.vector_store %arg13[%swap3A_481], %swap3A_484 {add = true, strides = array<i32>} : memref<128xf32, #tpu.memory_space<vmem>>, vector<16xf32>,
      %mul3A_485 = arith.mulf %get3A_480, %get3A_480 : vector<16xf32>
      %swap3A_486 = arith.constant 64 : index
      %swap3A_487 = tpu.vector_load %arg14[%swap3A_486] {strides = array<i32>} : memref<128xf32, #tpu.memory_space<vmem>>, vector<16xf32>,
      %swap3A_488 = vector.shape_cast %swap3A_487 : vector<16xf32> to vector<16xf32>
      %swap3A_489 = vector.shape_cast %mul3A_485 : vector<16xf32> to vector<16xf32>
      tpu.vector_store %arg14[%swap3A_486], %swap3A_489 {add = true, strides = array<i32>} : memref<128xf32, #tpu.memory_space<vmem>>, vector<16xf32>,
      %get3A_490 = arith.index_cast %scan3A_424 : i32 to index
      %get3A_491 = arith.constant 80 : index
      %get3A_492 = tpu.vector_load %arg12[%get3A_490, %get3A_491] {strides = array<i32>} : memref<80x128xf32, #tpu.memory_space<vmem>>, vector<1x16xf32>,
      %get3A_493 = vector.shape_cast %get3A_492 : vector<1x16xf32> to vector<16xf32>
      %swap3A_494 = arith.constant 80 : index
      %swap3A_495 = tpu.vector_load %arg13[%swap3A_494] {strides = array<i32>} : memref<128xf32, #tpu.memory_space<vmem>>, vector<16xf32>,
      %swap3A_496 = vector.shape_cast %swap3A_495 : vector<16xf32> to vector<16xf32>
      %swap3A_497 = vector.shape_cast %get3A_493 : vector<16xf32> to vector<16xf32>
      tpu.vector_store %arg13[%swap3A_494], %swap3A_497 {add = true, strides = array<i32>} : memref<128xf32, #tpu.memory_space<vmem>>, vector<16xf32>,
      %mul3A_498 = arith.mulf %get3A_493, %get3A_493 : vector<16xf32>
      %swap3A_499 = arith.constant 80 : index
      %swap3A_500 = tpu.vector_load %arg14[%swap3A_499] {strides = array<i32>} : memref<128xf32, #tpu.memory_space<vmem>>, vector<16xf32>,
      %swap3A_501 = vector.shape_cast %swap3A_500 : vector<16xf32> to vector<16xf32>
      %swap3A_502 = vector.shape_cast %mul3A_498 : vector<16xf32> to vector<16xf32>
      tpu.vector_store %arg14[%swap3A_499], %swap3A_502 {add = true, strides = array<i32>} : memref<128xf32, #tpu.memory_space<vmem>>, vector<16xf32>,
      %get3A_503 = arith.index_cast %scan3A_424 : i32 to index
      %get3A_504 = arith.constant 96 : index
      %get3A_505 = tpu.vector_load %arg12[%get3A_503, %get3A_504] {strides = array<i32>} : memref<80x128xf32, #tpu.memory_space<vmem>>, vector<1x16xf32>,
      %get3A_506 = vector.shape_cast %get3A_505 : vector<1x16xf32> to vector<16xf32>
      %swap3A_507 = arith.constant 96 : index
      %swap3A_508 = tpu.vector_load %arg13[%swap3A_507] {strides = array<i32>} : memref<128xf32, #tpu.memory_space<vmem>>, vector<16xf32>,
      %swap3A_509 = vector.shape_cast %swap3A_508 : vector<16xf32> to vector<16xf32>
      %swap3A_510 = vector.shape_cast %get3A_506 : vector<16xf32> to vector<16xf32>
      tpu.vector_store %arg13[%swap3A_507], %swap3A_510 {add = true, strides = array<i32>} : memref<128xf32, #tpu.memory_space<vmem>>, vector<16xf32>,
      %mul3A_511 = arith.mulf %get3A_506, %get3A_506 : vector<16xf32>
      %swap3A_512 = arith.constant 96 : index
      %swap3A_513 = tpu.vector_load %arg14[%swap3A_512] {strides = array<i32>} : memref<128xf32, #tpu.memory_space<vmem>>, vector<16xf32>,
      %swap3A_514 = vector.shape_cast %swap3A_513 : vector<16xf32> to vector<16xf32>
      %swap3A_515 = vector.shape_cast %mul3A_511 : vector<16xf32> to vector<16xf32>
      tpu.vector_store %arg14[%swap3A_512], %swap3A_515 {add = true, strides = array<i32>} : memref<128xf32, #tpu.memory_space<vmem>>, vector<16xf32>,
      %get3A_516 = arith.index_cast %scan3A_424 : i32 to index
      %get3A_517 = arith.constant 112 : index
      %get3A_518 = tpu.vector_load %arg12[%get3A_516, %get3A_517] {strides = array<i32>} : memref<80x128xf32, #tpu.memory_space<vmem>>, vector<1x16xf32>,
      %get3A_519 = vector.shape_cast %get3A_518 : vector<1x16xf32> to vector<16xf32>
      %swap3A_520 = arith.constant 112 : index
      %swap3A_521 = tpu.vector_load %arg13[%swap3A_520] {strides = array<i32>} : memref<128xf32, #tpu.memory_space<vmem>>, vector<16xf32>,
      %swap3A_522 = vector.shape_cast %swap3A_521 : vector<16xf32> to vector<16xf32>
      %swap3A_523 = vector.shape_cast %get3A_519 : vector<16xf32> to vector<16xf32>
      tpu.vector_store %arg13[%swap3A_520], %swap3A_523 {add = true, strides = array<i32>} : memref<128xf32, #tpu.memory_space<vmem>>, vector<16xf32>,
      %mul3A_524 = arith.mulf %get3A_519, %get3A_519 : vector<16xf32>
      %swap3A_525 = arith.constant 112 : index
      %swap3A_526 = tpu.vector_load %arg14[%swap3A_525] {strides = array<i32>} : memref<128xf32, #tpu.memory_space<vmem>>, vector<16xf32>,
      %swap3A_527 = vector.shape_cast %swap3A_526 : vector<16xf32> to vector<16xf32>
      %swap3A_528 = vector.shape_cast %mul3A_524 : vector<16xf32> to vector<16xf32>
      tpu.vector_store %arg14[%swap3A_525], %swap3A_528 {add = true, strides = array<i32>} : memref<128xf32, #tpu.memory_space<vmem>>, vector<16xf32>,
      %scan3A_529 = arith.constant 0 : i32
      scf.yield %scan3A_529 : i32
    }
    %scan3A_410 = arith.constant 65 : i32
    %dma_wait3A_411 = arith.constant 7 : i32
    %dma_wait3A_412 = arith.constant 0 : i32
    %dma_wait3A_413 = tpu.memref_slice %arg10[%dma_wait3A_411, %dma_wait3A_412] : memref<8x80xi32, #tpu.memory_space<vmem>> -> memref<1x80xi32, #tpu.memory_space<vmem>>
    %dma_wait3A_414 = tpu.memref_squeeze %dma_wait3A_413 : memref<1x80xi32, #tpu.memory_space<vmem>> -> memref<80xi32, #tpu.memory_space<vmem>>
    %dma_wait3A_415 = arith.constant 0 : i32
    %dma_wait3A_416 = arith.constant 0 : i32
    %dma_wait3A_417 = tpu.memref_slice %arg4[%dma_wait3A_415, %dma_wait3A_416] : memref<20000x128xf32, #tpu.memory_space<hbm>> -> memref<20000x128xf32, #tpu.memory_space<hbm>>
    tpu.wait_indirect_dma semaphore(%arg19 : memref<!tpu.dma_semaphore, #tpu.memory_space<semaphore_mem>>) src(%arg12 : memref<80x128xf32, #tpu.memory_space<vmem>>) dst(%dma_wait3A_417 : memref<20000x128xf32, #tpu.memory_space<hbm>>)
    %mul3A_418 = arith.constant 128 : i32
    %mul3A_419 = arith.muli %add3A, %mul3A_418 : i32
    "tpu.region"() ({
      %run_scoped3A = tpu.sem_alloc : memref<!tpu.dma_semaphore, #tpu.memory_space<semaphore_mem>>
      %dma_start3A_424 = tpu.memref_slice %arg5[%mul3A_419] : memref<8192xf32, #tpu.memory_space<hbm>> -> memref<128xf32, #tpu.memory_space<hbm>>
      %dma_start3A_425 = tpu.memref_slice %arg5[%mul3A_419] : memref<8192xf32, #tpu.memory_space<hbm>> -> memref<128xf32, #tpu.memory_space<hbm>>
      tpu.enqueue_dma source(%arg13 : memref<128xf32, #tpu.memory_space<vmem>>) target(%dma_start3A_425 : memref<128xf32, #tpu.memory_space<hbm>>) target_semaphore(%run_scoped3A : memref<!tpu.dma_semaphore, #tpu.memory_space<semaphore_mem>>)
      %dma_wait3A_426 = tpu.memref_slice %arg5[%mul3A_419] : memref<8192xf32, #tpu.memory_space<hbm>> -> memref<128xf32, #tpu.memory_space<hbm>>
      %dma_wait3A_427 = tpu.memref_slice %arg5[%mul3A_419] : memref<8192xf32, #tpu.memory_space<hbm>> -> memref<128xf32, #tpu.memory_space<hbm>>
      tpu.wait_dma2 semaphore(%run_scoped3A : memref<!tpu.dma_semaphore, #tpu.memory_space<semaphore_mem>>) src(%arg13 : memref<128xf32, #tpu.memory_space<vmem>>) dst(%dma_wait3A_427 : memref<128xf32, #tpu.memory_space<hbm>>)
      tpu.yield
    }) : () -> ()
    %add3A_420 = arith.constant 32 : i32
    %add3A_421 = arith.addi %add3A_420, %add3A : i32
    %mul3A_422 = arith.constant 128 : i32
    %mul3A_423 = arith.muli %add3A_421, %mul3A_422 : i32
    "tpu.region"() ({
      %run_scoped3A = tpu.sem_alloc : memref<!tpu.dma_semaphore, #tpu.memory_space<semaphore_mem>>
      %dma_start3A_424 = tpu.memref_slice %arg5[%mul3A_423] : memref<8192xf32, #tpu.memory_space<hbm>> -> memref<128xf32, #tpu.memory_space<hbm>>
      %dma_start3A_425 = tpu.memref_slice %arg5[%mul3A_423] : memref<8192xf32, #tpu.memory_space<hbm>> -> memref<128xf32, #tpu.memory_space<hbm>>
      tpu.enqueue_dma source(%arg14 : memref<128xf32, #tpu.memory_space<vmem>>) target(%dma_start3A_425 : memref<128xf32, #tpu.memory_space<hbm>>) target_semaphore(%run_scoped3A : memref<!tpu.dma_semaphore, #tpu.memory_space<semaphore_mem>>)
      %dma_wait3A_426 = tpu.memref_slice %arg5[%mul3A_423] : memref<8192xf32, #tpu.memory_space<hbm>> -> memref<128xf32, #tpu.memory_space<hbm>>
      %dma_wait3A_427 = tpu.memref_slice %arg5[%mul3A_423] : memref<8192xf32, #tpu.memory_space<hbm>> -> memref<128xf32, #tpu.memory_space<hbm>>
      tpu.wait_dma2 semaphore(%run_scoped3A : memref<!tpu.dma_semaphore, #tpu.memory_space<semaphore_mem>>) src(%arg14 : memref<128xf32, #tpu.memory_space<vmem>>) dst(%dma_wait3A_427 : memref<128xf32, #tpu.memory_space<hbm>>)
      tpu.yield
    }) : () -> ()
    return
  }
}

module attributes {stable_mosaic.version = 14 : i64} {
  func.func @_bn_body(%arg0: i32, %arg1: memref<1000x128xf32, #tpu.memory_space<vmem>>, %arg2: memref<64x128xf32, #tpu.memory_space<vmem>>, %arg3: memref<1x128xf32, #tpu.memory_space<vmem>>, %arg4: memref<1x128xf32, #tpu.memory_space<vmem>>, %arg5: memref<1000x128xf32, #tpu.memory_space<vmem>>) attributes {dimension_semantics = [#tpu.dimension_semantics<arbitrary>], iteration_bounds = array<i64: 20>, scalar_prefetch = 0 : i64, scratch_operands = 0 : i64, tpu.core_type = #tpu.core_type<tc>, window_params = [{transform_indices = @transform_0, window_bounds = array<i64: 1000, 128>}, {pipeline_mode = #tpu.pipeline_mode<synchronous>, transform_indices = @transform_1, window_bounds = array<i64: 64, 128>}, {pipeline_mode = #tpu.pipeline_mode<synchronous>, transform_indices = @transform_2, window_bounds = array<i64: 1, 128>}, {pipeline_mode = #tpu.pipeline_mode<synchronous>, transform_indices = @transform_3, window_bounds = array<i64: 1, 128>}, {transform_indices = @transform_4, window_bounds = array<i64: 1000, 128>}]} {
    %get3A = arith.constant 0 : index
    %get3A_0 = arith.constant 0 : index
    %get3A_1 = vector.load %arg2[%get3A, %get3A_0] : memref<64x128xf32, #tpu.memory_space<vmem>>, vector<64x128xf32>
    %slice3A = vector.extract_strided_slice %get3A_1 {offsets = [0, 0], sizes = [32, 128], strides = [1, 1]} : vector<64x128xf32> to vector<32x128xf32>
    %reduce_sum3A = arith.constant dense<0.000000e+00> : vector<128xf32>
    %reduce_sum3A_2 = vector.multi_reduction <add>, %slice3A, %reduce_sum3A [0] : vector<32x128xf32> to vector<128xf32>
    %broadcast_in_dim3A = vector.shape_cast %reduce_sum3A_2 : vector<128xf32> to vector<1x128xf32>
    %slice3A_3 = vector.extract_strided_slice %get3A_1 {offsets = [32, 0], sizes = [32, 128], strides = [1, 1]} : vector<64x128xf32> to vector<32x128xf32>
    %reduce_sum3A_4 = arith.constant dense<0.000000e+00> : vector<128xf32>
    %reduce_sum3A_5 = vector.multi_reduction <add>, %slice3A_3, %reduce_sum3A_4 [0] : vector<32x128xf32> to vector<128xf32>
    %broadcast_in_dim3A_6 = vector.shape_cast %reduce_sum3A_5 : vector<128xf32> to vector<1x128xf32>
    %div3A = arith.constant 2.000000e+04 : f32
    %div3A_7 = vector.broadcast %div3A : f32 to vector<1x128xf32>
    %div3A_8 = arith.divf %broadcast_in_dim3A, %div3A_7 : vector<1x128xf32>
    %div3A_9 = arith.constant 2.000000e+04 : f32
    %div3A_10 = vector.broadcast %div3A_9 : f32 to vector<1x128xf32>
    %div3A_11 = arith.divf %broadcast_in_dim3A_6, %div3A_10 : vector<1x128xf32>
    %mul3A = arith.mulf %div3A_8, %div3A_8 : vector<1x128xf32>
    %sub3A = arith.subf %div3A_11, %mul3A : vector<1x128xf32>
    %get3A_12 = arith.constant 0 : index
    %get3A_13 = arith.constant 0 : index
    %get3A_14 = vector.load %arg3[%get3A_12, %get3A_13] : memref<1x128xf32, #tpu.memory_space<vmem>>, vector<1x128xf32>
    %add3A = arith.constant 2.560000e-03 : f32
    %add3A_15 = vector.broadcast %add3A : f32 to vector<1x128xf32>
    %add3A_16 = arith.addf %sub3A, %add3A_15 : vector<1x128xf32>
    %rsqrt3A = math.rsqrt %add3A_16 : vector<1x128xf32>
    %mul3A_17 = arith.mulf %get3A_14, %rsqrt3A : vector<1x128xf32>
    %get3A_18 = arith.constant 0 : index
    %get3A_19 = arith.constant 0 : index
    %get3A_20 = vector.load %arg4[%get3A_18, %get3A_19] : memref<1x128xf32, #tpu.memory_space<vmem>>, vector<1x128xf32>
    %mul3A_21 = arith.mulf %div3A_8, %mul3A_17 : vector<1x128xf32>
    %sub3A_22 = arith.subf %get3A_20, %mul3A_21 : vector<1x128xf32>
    %get3A_23 = arith.constant 0 : index
    %get3A_24 = arith.constant 0 : index
    %get3A_25 = vector.load %arg1[%get3A_23, %get3A_24] : memref<1000x128xf32, #tpu.memory_space<vmem>>, vector<1000x128xf32>
    %mul3A_26 = vector.broadcast %mul3A_17 : vector<1x128xf32> to vector<1000x128xf32>
    %mul3A_27 = arith.mulf %get3A_25, %mul3A_26 : vector<1000x128xf32>
    %add3A_28 = vector.broadcast %sub3A_22 : vector<1x128xf32> to vector<1000x128xf32>
    %add3A_29 = arith.addf %mul3A_27, %add3A_28 : vector<1000x128xf32>
    %swap3A = arith.constant 0 : index
    %swap3A_30 = arith.constant 0 : index
    %swap3A_31 = vector.load %arg5[%swap3A, %swap3A_30] : memref<1000x128xf32, #tpu.memory_space<vmem>>, vector<1000x128xf32>
    tpu.vector_store %arg5[%swap3A, %swap3A_30], %add3A_29 {strides = array<i32>} : memref<1000x128xf32, #tpu.memory_space<vmem>>, vector<1000x128xf32>,
    return
  }
  func.func @transform_0(%arg0: i32) -> (i32, i32) {
    %c0_i32 = arith.constant 0 : i32
    %c0_i32_0 = arith.constant 0 : i32
    return %arg0, %c0_i32 : i32, i32
  }
  func.func @transform_1(%arg0: i32) -> (i32, i32) {
    %c0_i32 = arith.constant 0 : i32
    %c0_i32_0 = arith.constant 0 : i32
    %c0_i32_1 = arith.constant 0 : i32
    return %c0_i32, %c0_i32_0 : i32, i32
  }
  func.func @transform_2(%arg0: i32) -> (i32, i32) {
    %c0_i32 = arith.constant 0 : i32
    %c0_i32_0 = arith.constant 0 : i32
    %c0_i32_1 = arith.constant 0 : i32
    return %c0_i32, %c0_i32_0 : i32, i32
  }
  func.func @transform_3(%arg0: i32) -> (i32, i32) {
    %c0_i32 = arith.constant 0 : i32
    %c0_i32_0 = arith.constant 0 : i32
    %c0_i32_1 = arith.constant 0 : i32
    return %c0_i32, %c0_i32_0 : i32, i32
  }
  func.func @transform_4(%arg0: i32) -> (i32, i32) {
    %c0_i32 = arith.constant 0 : i32
    %c0_i32_0 = arith.constant 0 : i32
    return %arg0, %c0_i32 : i32, i32
  }
}

module attributes {stable_mosaic.version = 14 : i64} {
  func.func @_mm_body(%arg0: i32, %arg1: memref<1000x128xf32, #tpu.memory_space<vmem>>, %arg2: memref<128x128xf32, #tpu.memory_space<vmem>>, %arg3: memref<1000x128xf32, #tpu.memory_space<vmem>>) attributes {dimension_semantics = [#tpu.dimension_semantics<arbitrary>], iteration_bounds = array<i64: 20>, scalar_prefetch = 0 : i64, scratch_operands = 0 : i64, tpu.core_type = #tpu.core_type<tc>, window_params = [{transform_indices = @transform_0, window_bounds = array<i64: 1000, 128>}, {pipeline_mode = #tpu.pipeline_mode<synchronous>, transform_indices = @transform_1, window_bounds = array<i64: 128, 128>}, {transform_indices = @transform_2, window_bounds = array<i64: 1000, 128>}]} {
    %get3A = arith.constant 0 : index
    %get3A_0 = arith.constant 0 : index
    %get3A_1 = vector.load %arg1[%get3A, %get3A_0] : memref<1000x128xf32, #tpu.memory_space<vmem>>, vector<1000x128xf32>
    %get3A_2 = arith.constant 0 : index
    %get3A_3 = arith.constant 0 : index
    %get3A_4 = vector.load %arg2[%get3A_2, %get3A_3] : memref<128x128xf32, #tpu.memory_space<vmem>>, vector<128x128xf32>
    %dot_general3A = arith.constant dense<0.000000e+00> : vector<1000x128xf32>
    %dot_general3A_5 = tpu.matmul %get3A_1, %get3A_4, %dot_general3A {dimension_numbers = #tpu.dot_dimension_numbers<[1], [1], [0], [0], [0, 0, 1, 0], [], []>, transpose_lhs_hint = false} : vector<1000x128xf32>, vector<128x128xf32>, vector<1000x128xf32> -> vector<1000x128xf32>
    %swap3A = arith.constant 0 : index
    %swap3A_6 = arith.constant 0 : index
    %swap3A_7 = vector.load %arg3[%swap3A, %swap3A_6] : memref<1000x128xf32, #tpu.memory_space<vmem>>, vector<1000x128xf32>
    tpu.vector_store %arg3[%swap3A, %swap3A_6], %dot_general3A_5 {strides = array<i32>} : memref<1000x128xf32, #tpu.memory_space<vmem>>, vector<1000x128xf32>,
    return
  }
  func.func @transform_0(%arg0: i32) -> (i32, i32) {
    %c0_i32 = arith.constant 0 : i32
    %c0_i32_0 = arith.constant 0 : i32
    return %arg0, %c0_i32 : i32, i32
  }
  func.func @transform_1(%arg0: i32) -> (i32, i32) {
    %c0_i32 = arith.constant 0 : i32
    %c0_i32_0 = arith.constant 0 : i32
    %c0_i32_1 = arith.constant 0 : i32
    return %c0_i32, %c0_i32_0 : i32, i32
  }
  func.func @transform_2(%arg0: i32) -> (i32, i32) {
    %c0_i32 = arith.constant 0 : i32
    %c0_i32_0 = arith.constant 0 : i32
    return %arg0, %c0_i32 : i32, i32
  }
}

</mosaic_0001>

<sc_bundles>
// kernel: kernel.5.cloned.1.call-start
scs
__scs_entry_jumppad:
0x0: {  	(pc) =	sbr.rel $0x88, $3  }
0x1: {  	(tag) =	ssettag $0x0;
	lr =	simm.s32 $0x1  }
0x2: {  	[smem:$0x3F9C] =	sst lr;
	_ =	strace $0xD0000000  }
0x3: {  	_ = 	snop  }
0x4: {  	_ = 	snop  }
0x5: {  	_ = 	snop  }
0x6: {  	_ = 	snop  }
0x7: {  	_ = 	snop  }
__scs_overlays_trampoline_lowered:
0x8: {  	[smem:$0x3FAB] =	sst s0  }
0x9: {  	[smem:$0x3FAC] =	sst s1  }
0xa: {  	[smem:$0x3FAD] =	sst s2  }
0xb: {  	[smem:$0x3FAE] =	sst s3  }
0xc: {  	[smem:$0x3FAF] =	sst s4  }
0xd: {  	[smem:$0x3FB0] =	sst s5  }
0xe: {  	[smem:$0x3FB1] =	sst s6  }
0xf: {  	[smem:$0x3FB2] =	sst s7  }
0x10: {  	[smem:$0x3FB3] =	sst s8  }
0x11: {  	[smem:$0x3FB4] =	sst s9;
	s0 =	simm.s32 @!p0 $0x0  }
0x12: {  	s1 =	sld [smem:$0x3F9A];
	s0 =	simm.s32 @p0 $0x1  }
0x13: {  	[smem:$0x3FB5] =	sst s0;
	s0 =	simm.s32 @!p1 $0x0  }
0x14: {  	s2 =	sld [smem:$0x3F99];
	s0 =	simm.s32 @p1 $0x1  }
0x15: {  	[smem:$0x3FB6] =	sst s0;
	s0 =	simm.s32 @!p2 $0x0  }
0x16: {  	s3 =	sld [smem:$0x3FDB];
	s0 =	simm.s32 @p2 $0x1  }
0x17: {  	s4 =	simm.s32 $0x1BF5;
	[smem:$0x3FB8] =	sst s0  }
0x18: {  	s0 =	sld [smem:$0x3F9B];
	_ =	swait.ge [sflag:s4], $0x0  }
0x19: {  	s7 =	sld [smem:$0x3F9C]  }
0x1a: {  	s8 =	sadd.s32 $0xFFFFE003, lr  }
0x1b: {  	s9 =	sadd.s32 $0xFFFFFEF7, lr;
	s5 =	simm.s32 $0xFFFFFFFF;
	p2 =	slt.u32 s8, $0xFFFFF086  }
0x1c: {  	p1 =	slt.u32 s9, $0xF7A;
	s5 =	simm.s32 @!p2 $0x0  }
0x1d: {  	s5 =	simm.s32 @p1 $0x1;
	p0 =	seq.s32 s7, s2  }
0x1e: {  	s7 =	smul.u32 @!p0 $0xF7A, s2;
	p2 =	seq.s32 @!p0 s5, $0x0  }
0x1f: {  	s9 =	smul.u32 $0xF7A, s1;
	s8 =	simm.s32 @!p0 $0x1BF5;
	p2 =	por !p2, p0  }
0x20: {  	[sflag:s8] =	ssyncset.s32 @!p0 $0xFFFFF086;
	s6 =	sadd.s32 @!p0 s3, s7;
	s7 =	simm.s32 @!p0 $0x108  }
0x21: {  	s3 =	sadd.s32 s3, s9;
	s6 =	sadd.s32 @!p0 $0x88, s6;
	s7 =	simm.s32 @p2 $0x1082  }
0x22: {  	[simem:s7], [sflag:s8] =	dma.local @!p0 [hbm:s6], $0xF7A  }
0x23: {  	s9 =	sor.u32 $0xD0000000, s2;
	s6 =	simm.s32 $0x108;
	_ =	swait.ge @!p0 [sflag:s8], $0x0  }
0x24: {  	s3 =	sadd.s32 $0x88, s3;
	s6 =	simm.s32 @!p1 $0x1082;
	[sflag:s4] =	ssyncset.s32 $0xFFFFF086  }
0x25: {  	[simem:s6], [sflag:s4] =	dma.local [hbm:s3], $0xF7A  }
0x26: {  	[smem:$0x3F9C] =	sst s1;
	(tag) =	ssettag s2;
	_ =	strace s9  }
0x27: {  	s1 =	sld [smem:$0x3FAC]  }
0x28: {  	s2 =	sld [smem:$0x3FAD]  }
0x29: {  	s4 =	sld [smem:$0x3FAF]  }
0x2a: {  	p0 =	seq.s32 s5, $0x0;
	s5 =	sld [smem:$0x3FB0]  }
0x2b: {  	s6 =	sld [smem:$0x3FB1]  }
0x2c: {  	s7 =	sld [smem:$0x3FB2]  }
0x2d: {  	s3 =	simm.s32 $0x108;
	s8 =	sld [smem:$0x3FB3]  }
0x2e: {  	s3 =	simm.s32 @!p0 $0x1082;
	s9 =	sld [smem:$0x3FB4]  }
0x2f: {  	lr =	sadd.s32 s0, s3;
	s0 =	sld [smem:$0x3FAB]  }
0x30: {  	s3 =	sld [smem:$0x3FAE]  }
0x31: {  	[smem:$0x3FB7] =	sst s10  }
0x32: {  	s10 =	sld [smem:$0x3FB5];
	_ =	sdelay $0x3  }
0x33: {  	p0 =	seq.s32 s10, $0x1;
	s10 =	sld [smem:$0x3FB7];
	_ =	sdelay $0x3  }
0x34: {  	[smem:$0x3FB7] =	sst s10  }
0x35: {  	s10 =	sld [smem:$0x3FB6];
	_ =	sdelay $0x3  }
0x36: {  	p1 =	seq.s32 s10, $0x1;
	s10 =	sld [smem:$0x3FB7];
	_ =	sdelay $0x3  }
0x37: {  	[smem:$0x3FB7] =	sst s10  }
0x38: {  	s10 =	sld [smem:$0x3FB8]  }
0x39: {  	_ = 	snop;
	(pc) =	sbr.ind lr, $3  }
0x3a: {  	_ = 	snop  }
0x3b: {  	_ = 	snop  }
0x3c: {  	p2 =	seq.s32 s10, $0x1;
	s10 =	sld [smem:$0x3FB7]  }
0x3d: {  	_ =	shalt  }
0x3e: {  	_ =	shalt  }
0x3f: {  	_ =	shalt  }
0x40: {  	_ =	shalt  }
0x41: {  	_ =	shalt  }
0x42: {  	_ =	shalt  }
0x43: {  	_ =	shalt  }
0x44: {  	_ =	shalt  }
0x45: {  	_ =	shalt  }
0x46: {  	_ =	shalt  }
0x47: {  	_ =	shalt  }
0x48: {  	_ =	shalt  }
0x49: {  	_ =	shalt  }
0x4a: {  	_ =	shalt  }
0x4b: {  	_ =	shalt  }
0x4c: {  	_ =	shalt  }
0x4d: {  	_ =	shalt  }
0x4e: {  	_ =	shalt  }
0x4f: {  	_ =	shalt  }
0x50: {  	_ =	shalt  }
0x51: {  	_ =	shalt  }
0x52: {  	_ =	shalt  }
0x53: {  	_ =	shalt  }
0x54: {  	_ =	shalt  }
0x55: {  	_ =	shalt  }
0x56: {  	_ =	shalt  }
0x57: {  	_ =	shalt  }
0x58: {  	_ =	shalt  }
0x59: {  	_ =	shalt  }
0x5a: {  	_ =	shalt  }
0x5b: {  	_ =	shalt  }
0x5c: {  	_ =	shalt  }
0x5d: {  	_ =	shalt  }
0x5e: {  	_ =	shalt  }
0x5f: {  	_ =	shalt  }
0x60: {  	_ =	shalt  }
0x61: {  	_ =	shalt  }
0x62: {  	_ =	shalt  }
0x63: {  	_ =	shalt  }
0x64: {  	_ =	shalt  }
0x65: {  	_ =	shalt  }
0x66: {  	_ =	shalt  }
0x67: {  	_ =	shalt  }
0x68: {  	_ =	shalt  }
0x69: {  	_ =	shalt  }
0x6a: {  	_ =	shalt  }
0x6b: {  	_ =	shalt  }
0x6c: {  	_ =	shalt  }
0x6d: {  	_ =	shalt  }
0x6e: {  	_ =	shalt  }
0x6f: {  	_ =	shalt  }
0x70: {  	_ =	shalt  }
0x71: {  	_ =	shalt  }
0x72: {  	_ =	shalt  }
0x73: {  	_ =	shalt  }
0x74: {  	_ =	shalt  }
0x75: {  	_ =	shalt  }
0x76: {  	_ =	shalt  }
0x77: {  	_ =	shalt  }
0x78: {  	_ =	shalt  }
0x79: {  	_ =	shalt  }
0x7a: {  	_ =	shalt  }
0x7b: {  	_ =	shalt  }
0x7c: {  	_ =	shalt  }
0x7d: {  	_ =	shalt  }
0x7e: {  	_ =	shalt  }
0x7f: {  	_ =	shalt  }
0x80: {  	_ =	shalt  }
0x81: {  	_ =	shalt  }
0x82: {  	_ =	shalt  }
0x83: {  	_ =	shalt  }
0x84: {  	_ =	shalt  }
0x85: {  	_ =	shalt  }
0x86: {  	_ =	shalt  }
0x87: {  	_ =	shalt  }
.Lfunc_end0:
.L_simem_size_0:
called_computation_lowered:
.L_overlay_start_0:
0x88: {  	s2 =	sld [smem:$0x3FD9]  }
0x89: {  	s3 =	sld [smem:$0x3FFE];
	_ =	sdelay $0x1  }
0x8a: {  	s1 =	srdreg.scid  }
0x8b: {  	s0 =	sand.u32 $0x1, s1  }
0x8c: {  	s17 =	sshll.u32 s0, $0xA;
	s2 =	sadd.s32 s3, s2  }
0x8d: {  	s2 =	sadd.s32 s2, s17  }
0x8e: {  	[smem:$0x3FC3] =	sst s2  }
0x8f: {  	_ = 	snop  }
0x90: {  	s2 =	sld [smem:$0x3FD0];
	(tm) =	ssettm $0x1  }
0x91: {  	s18 =	sld [smem:$0x3FFB];
	_ =	sdelay $0x3  }
0x92: {  	_ =	strace s18  }
0x93: {  	s3 =	sld [smem:$0x3FFC];
	_ =	sdelay $0x3  }
0x94: {  	_ =	strace s3  }
0x95: {  	s3 =	sld [smem:$0x3FFD];
	_ =	sdelay $0x3  }
0x96: {  	_ =	strace s3  }
0x97: {  	_ =	strace $0x8FFFFFFF  }
0x98: {  	s19 =	sld [smem:$0x3FDB];
	_ =	sdelay $0x1  }
0x99: {  	s4 =	simm.s32 $_scs_section_size  }
0x9a: {  	s5 =	simm.s32 $_size__tile_overlayer_lowered;
	s6 =	simm.s32 $_tile_overlayer_lowered  }
0x9b: {  	s22 =	simm.s32 $0x1BFF;
	s21 =	sshll.u32 s6, $0x1;
	s3 =	sadd.s32 s4, s19  }
0x9c: {  	s7 =	simm.s32 $0x0;
	s20 =	sshll.u32 s5, $0x1;
	s5 =	sadd.s32 s21, s3  }
0x9d: {  	[timem:s7], [sflag:s22] =	dma.local [hbm:s5], s20  }
0x9e: {  	_ =	swait.ge [sflag:s22], s20  }
0x9f: {  	s4 =	ssub.s32 $0x0, s20;
	[sflag:s22] =	ssyncset.done $0x0  }
0xa0: {  	[sflag:s22] =	ssyncadd.s32 s4;
	_ =	sdelay $0x1  }
0xa1: {  	s23 =	simm.s32 $0x1B8B  }
0xa2: {  	_ =	swait.ge [sflag:s23], $0x1  }
0xa3: {  	[sflag:s23] =	ssyncset.done $0x0  }
0xa4: {  	s25 =	simm.s32 $0x1B8E;
	s24 =	sld [smem:$0x3FFE];
	[sflag:s23] =	ssyncadd.s32 $0xFFFFFFFF  }
0xa5: {  	s26 =	simm.s32 $execute0_lowered;
	[smem:$0x3FD2] =	sst s25  }
0xa6: {  	s5 =	sshll.u32 s26, $0x1;
	_ =	strace $0x80000046;
	[dreg:$0x1] =	wrdreg $0xFFFFFFFF  }
0xa7: {  	s28 =	simm.s32 $_size_execute0_lowered;
	s3 =	sadd.s32 s3, s5;
	[dreg:$0x0] =	wrdreg $0x0  }
0xa8: {  	s5 =	sshll.u32 s28, $0x1;
	[dreg:$0x2] =	wrdreg s3  }
0xa9: {  	[dreg:$0x3] =	wrdreg s5  }
0xaa: {  	[dreg:$0x4] =	wrdreg $0xC0  }
0xab: {  	_ =	task [dreg:s7], $0x5FFFF  }
0xac: {  	[dreg:$0x1] =	wrdreg $0xFFFFFFFF  }
0xad: {  	[dreg:$0x0] =	wrdreg $0x60  }
0xae: {  	[dreg:$0x2] =	wrdreg s2  }
0xaf: {  	[dreg:$0x3] =	wrdreg s24  }
0xb0: {  	[dreg:$0x4] =	wrdreg $0x0  }
0xb1: {  	[dreg:$0x5] =	wrdreg $0x9  }
0xb2: {  	_ =	task.clear_ibuf [dreg:s7], $0x6FFFF;
	_ =	strace $0x90000046  }
0xb3: {  	s29 =	simm.s32 $0x9;
	_ =	strace $0x80000048  }
0xb4: {  	_ =	swait.ge [sflag:s29], $0x1  }
0xb5: {  	[sflag:s29] =	ssyncadd.s32 $0xFFFFFFFF  }
0xb6: {  	_ =	strace $0x90000048  }
0xb7: {  	_ =	sfence  }
0xb8: {  	s30 =	sld [smem:$0x0];
	_ =	sdelay $0x2  }
0xb9: {  	s31 =	sshll.u32 s1, $0xD;
	s1 =	sshrl.u32 s1, $0x2  }
0xba: {  	s3 =	sand.u32 $0x4000, s31;
	s1 =	sadd.s32 s1, s30  }
0xbb: {  	s0 =	sor.u32 s3, s0;
	s1 =	sshll.u32 s1, $0x11  }
0xbc: {  	s0 =	sor.u32 s1, s0  }
0xbd: {  	s0 =	sadd.s32 $0x8F2B, s0  }
0xbe: {  	[sflag:s0] =	ssyncadd.remote.s32 $0x1  }
0xbf: {  	_ =	sfence.sel $0xFFFF  }
0xc0: {  	[dreg:$0x0] =	wrdreg $0xFFFFFFFF;
	(pc) =	sbr.abs _section_cstart, $3  }
0xc1: {  	[dreg:$0x1] =	wrdreg $0xFFFFFFFF  }
0xc2: {  	_ =	task.clear_ibuf [dreg:s7], $0x2FFFF;
	_ =	strace $0x9FFFFFFF  }
0xc3: {  	(tm) =	ssettm $0x7FFFFFFF  }
tec
execute0_lowered:
.L_overlay_start_1:
0x0: {  	(tag) =	ssettag $0x1  }
0x1: {  	s0 =	srdreg.scid;
	s2 =	rddreg [dreg:$0x1]  }
0x2: {  	s1 =	stileid.u32;
	s3 =	rddreg [dreg:$0x2]  }
0x3: {  	s13 =	simm.s32 $0x0;
	s15 =	simm.s32 $0x6;
	s16 =	simm.s32 $0x18BE0  }
0x4: {  	s17 =	simm.s32 $0x50;
	s19 =	simm.s32 $0x1B3E0;
	s20 =	simm.s32 $0x1  }
0x5: {  	s18 =	simm.s32 $0x1DBF0;
	s28 =	simm.s32 $0x1DC10;
	s29 =	simm.s32 $0x1DC90  }
0x6: {  	s30 =	simm.s32 $0x1DC20;
	s31 =	simm.s32 $0x1DCA0;
	s14 =	simm.s32 $0x1DC30  }
0x7: {  	s10 =	simm.s32 $0x1DC40;
	s11 =	simm.s32 $0x1DCC0;
	s12 =	simm.s32 $0x1DC50  }
0x8: {  	s0 =	sand.u32 $0x1, s0;
	[smem:$0x7FF] =	sst s13;
	s7 =	sadd.s32 $0xBE00, s2  }
0x9: {  	p0 =	seq.s32 s1, $0xF;
	s26 =	smul.u32 $0x50000, s1;
	s4 =	sshll.u32 s0, $0x4  }
0xa: {  	_ =	strace $0x80000047;
	s6 =	ssub.s32 $0x2, s0;
	s4 =	sor.u32 s1, s4  }
0xb: {  	[dreg:$0x4] =	wrdreg s7;
	s7 =	simm.s32 $0x1DCB0;
	s5 =	smul.u32 $0x4E2, s4  }
0xc: {  	s8 =	sshrl.u32 s6, $0x1;
	s26 =	sshrl.u32 s26, $0x2;
	s9 =	smul.u32 $0x271, s4  }
0xd: {  	s21 =	sshll.u32 s4, $0x4;
	s22 =	ssub.s32 s6, s8;
	s6 =	smul.u32 $0x271, s1  }
0xe: {  	s8 =	simm.s32 $0x5;
	s1 =	smul.u32 $0x2710, s0;
	s0 =	sadd.s32 s26, s3  }
0xf: {  	s26 =	simm.s32 $0x1DC80;
	s4 =	simm.s32 $0x1DCD0;
	s3 =	simm.s32 $0x0  }
0x10: {  	[dreg:$0xa] =	wrdreg s0;
	s0 =	simm.s32 $0x1DC60;
	s5 =	sadd.s32 s5, s2  }
0x11: {  	s2 =	sadd.s32 s21, s2;
	s21 =	simm.s32 $0x3;
	s25 =	sadd.s32 $0x2000, s5  }
0x12: {  	s5 =	simm.s32 $0x5;
	s23 =	sadd.s32 $0x5A000, s2;
	[dreg:$0x5] =	wrdreg s25  }
0x13: {  	s24 =	sadd.s32 $0x5A200, s2;
	s2 =	simm.s32 $0x1DBE0;
	[dreg:$0x7] =	wrdreg s23  }
0x14: {  	s5 =	simm.s32 @!p0 $0x8;
	[dreg:$0x8] =	wrdreg s24;
	s25 =	smax.u32 s22, $0x1  }
0x15: {  	v3 =	vimm.f32 $0.0e+00;
	v4 =	vlaneseq.u32;
	s22 =	simm.s32 $0x2;
	s23 =	simm.s32 $0x4;
	[dreg:$0x6] =	wrdreg s5  }
0x16: {  	v0 =	vmov s1;
	v1 =	vmov s9;
	v2 =	vmov s6;
	s24 =	simm.s32 $0x1DC70;
	[dreg:$0x9] =	wrdreg s25;
	s25 =	simm.s32 $0x1DC00  }
.LBB2_1:
0x17: {  	[dreg:$0xb] =	wrdreg s3  }
0x18: {  	s1 =	rddreg [dreg:$0x5];
	s9 =	simm.s32 $0x138C0  }
0x19: {  	[tilespmem:s9], [sflag:$0x6] =	stream.linear.gather [hbm4b:s1+s13], $0x2710, $0x38;
	[tilespmem:$0x1DCE0] =	vst v63  }
0x1a: {  	_ =	swait.ge [sflag:s15], $0x2710  }
0x1b: {  	[sflag:s15] =	ssyncset.done $0x0  }
0x1c: {  	s9 =	simm.s32 $0x0;
	s13 =	simm.s32 $0x200;
	[sflag:s15] =	ssyncadd.s32 $0xFFFFD8F0  }
.LBB2_2:
0x1d: {  	p0 =	sne.s32 s13, $0x9E00;
	[tilespmem:s9+$0x18C50] =	vst v3  }
0x1e: {  	[tilespmem:s9+$0x18BE0] =	vst v3  }
0x1f: {  	[tilespmem:s9+$0x18BF0] =	vst v3  }
.Ltmp0:
0x20: {  	[tilespmem:s9+$0x18C00] =	vst v3;
	(pc) =	sbr.rel @p0 .LBB2_2-.Ltmp0, $4  }
0x21: {  	[tilespmem:s9+$0x18C10] =	vst v3  }
0x22: {  	[tilespmem:s9+$0x18C20] =	vst v3  }
0x23: {  	[tilespmem:s9+$0x18C30] =	vst v3  }
0x24: {  	[tilespmem:s9+$0x18C40] =	vst v3;
	s9 =	sshra.s32 s13, $0x2;
	s13 =	sadd.s32 $0x200, s13  }
0x25: {  	[tilespmem:s9+$0x18C50] =	vst v3  }
0x26: {  	[tilespmem:s9+$0x18BE0] =	vst v3  }
0x27: {  	[tilespmem:s9+$0x18BF0] =	vst v3  }
0x28: {  	[tilespmem:s9+$0x18C00] =	vst v3;
	s1 =	rddreg [dreg:$0x6]  }
0x29: {  	[tilespmem:s9+$0x18C10] =	vst v3;
	p0 =	sne.s32 s1, $0x1  }
.Ltmp1:
0x2a: {  	[tilespmem:s9+$0x18C20] =	vst v3;
	(pc) =	sbr.rel @!p0 .LBB2_5-.Ltmp1, $4  }
0x2b: {  	[tilespmem:s9+$0x18C30] =	vst v3  }
0x2c: {  	[tilespmem:s9+$0x18C40] =	vst v3;
	s9 =	rddreg [dreg:$0xa]  }
0x2d: {  	[spmem:s9] =	stream.linear.scatter [tilespmem:s16], [sflag:$0x5], $0x2800, $0x38;
	[tilespmem:$0x1DCE0] =	vst v63  }
0x2e: {  	s5 =	sadd.s32 $0xFFFFFFFF, s1  }
.LBB2_4:
0x2f: {  	p1 =	sne.s32 s5, $0x1  }
.Ltmp2:
0x30: {  	_ = 	snop;
	(pc) =	sbr.rel @p1 .LBB2_4-.Ltmp2, $3  }
0x31: {  	_ = 	snop  }
0x32: {  	s5 =	sadd.s32 $0xFFFFFFFF, s5;
	s9 =	sadd.s32 $0x2800, s9;
	_ =	sdelay $0x1  }
0x33: {  	[spmem:s9] =	stream.linear.scatter [tilespmem:s16], [sflag:$0x5], $0x2800, $0x38;
	[tilespmem:$0x1DCE0] =	vst v63  }
.LBB2_5:
0x34: {  	[tilespmem:$0x1DBE0] =	vst v3  }
0x35: {  	[tilespmem:$0x1DC60] =	vst v3  }
0x36: {  	[tilespmem:$0x1DBF0] =	vst v3  }
0x37: {  	[tilespmem:$0x1DC70] =	vst v3  }
0x38: {  	[tilespmem:$0x1DC00] =	vst v3  }
0x39: {  	[tilespmem:$0x1DC80] =	vst v3  }
0x3a: {  	[tilespmem:$0x1DC10] =	vst v3  }
0x3b: {  	[tilespmem:$0x1DC90] =	vst v3  }
0x3c: {  	[tilespmem:$0x1DC20] =	vst v3  }
0x3d: {  	[tilespmem:$0x1DCA0] =	vst v3  }
0x3e: {  	[tilespmem:$0x1DC30] =	vst v3  }
0x3f: {  	[tilespmem:$0x1DCB0] =	vst v3  }
0x40: {  	[tilespmem:$0x1DC40] =	vst v3  }
0x41: {  	[tilespmem:$0x1DCC0] =	vst v3  }
0x42: {  	[tilespmem:$0x1DC50] =	vst v3  }
0x43: {  	[tilespmem:$0x1DCD0] =	vst v3;
	s9 =	simm.s32 $0x0;
	s5 =	simm.s32 $0x40  }
.LBB2_6:
0x44: {  	p1 =	sne.s32 s5, $0x9C00;
	v5 =	vld [tilespmem:s9+$0x138C0];
	_ =	sdelay $0x1  }
.Ltmp3:
0x45: {  	(pc) =	sbr.rel @p1 .LBB2_6-.Ltmp3, $3  }
0x46: {  	_ =	sdelay $0x1  }
0x47: {  	v5 =	vadd.s32 v0, v5  }
0x48: {  	[tilespmem:s9+$0x138C0] =	vst v5;
	s9 =	sshra.s32 s5, $0x2;
	s5 =	sadd.s32 $0x40, s5  }
0x49: {  	v5 =	vld [tilespmem:s9+$0x138C0];
	_ =	sdelay $0x3  }
0x4a: {  	s5 =	sadd.s32 $0x0, s6  }
0x4b: {  	s13 =	sadd.s32 $0x4, s5;
	v5 =	vadd.s32 v0, v5  }
0x4c: {  	s15 =	sadd.s32 $0x1, s5;
	[tilespmem:s9+$0x138C0] =	vst v5;
	s9 =	simm.s32 $0x15FF0;
	v5 =	vmov s13  }
0x4d: {  	s1 =	sadd.s32 $0x2, s5;
	v6 =	vmov s15;
	[tilespmem:s9+$0x20] =	vst v5  }
0x4e: {  	s3 =	sadd.s32 $0x3, s5;
	v7 =	vmov s1;
	[tilespmem:s9+$0xFFFFFFF0] =	vst v6  }
0x4f: {  	s13 =	simm.s32 $0x5;
	v5 =	vmov s5;
	v6 =	vmov s3;
	[tilespmem:s9+$0x0] =	vst v7  }
.LBB2_8:
0x50: {  	s5 =	sadd.s32 s13, s6  }
0x51: {  	p1 =	sne.s32 s13, $0x26C;
	s13 =	sadd.s32 $0x5, s13;
	[tilespmem:s9+$0x10] =	vst v6;
	s15 =	sadd.s32 $0x1, s5  }
.Ltmp4:
0x52: {  	s1 =	sadd.s32 $0x2, s5;
	s3 =	sadd.s32 $0x4, s5;
	[tilespmem:s9+$0xFFFFFFE0] =	vst v5;
	v5 =	vmov s5;
	(pc) =	sbr.rel @p1 .LBB2_8-.Ltmp4, $4  }
0x53: {  	s9 =	sadd.s32 $0x50, s9;
	v7 =	vmov s15;
	v8 =	vmov s1;
	s1 =	sadd.s32 $0x3, s5;
	v9 =	vmov s3  }
0x54: {  	v6 =	vmov s1;
	[tilespmem:s9+$0x20] =	vst v9  }
0x55: {  	[tilespmem:s9+$0xFFFFFFF0] =	vst v7  }
0x56: {  	[tilespmem:s9+$0x0] =	vst v8  }
0x57: {  	[tilespmem:s9+$0x10] =	vst v6  }
0x58: {  	[tilespmem:s9+$0xFFFFFFE0] =	vst v5;
	s5 =	simm.s32 $0x0;
	s9 =	simm.s32 $0x186E0  }
.LBB2_10:
0x59: {  	p1 =	sne.s32 s5, $0x270  }
.Ltmp5:
0x5a: {  	v5 =	vor.u32 s5, v4;
	(pc) =	sbr.rel @p1 .LBB2_10-.Ltmp5, $4  }
0x5b: {  	vm0 =	vlt.s32 v5, $0x270  }
0x5c: {  	v5 =	vnsel vm0, $0x270, v5  }
0x5d: {  	v5 =	vadd.s32 v2, v5  }
0x5e: {  	s5 =	sadd.s32 $0x10, s5;
	[tilespmem:s9+$0x0] =	vst v5;
	s9 =	sadd.s32 $0x10, s9  }
0x5f: {  	s1 =	simm.s32 $0x40;
	s3 =	simm.s32 $0x30  }
0x60: {  	s5 =	simm.s32 $0x0;
	s9 =	simm.s32 $0x10;
	v5 =	vor.u32 s3, v4;
	v6 =	vor.u32 s1, v4  }
0x61: {  	s15 =	simm.s32 $0x20;
	v7 =	vor.u32 s5, v4;
	v8 =	vor.u32 s9, v4;
	vm0 =	vlt.s32 v5, $0x270  }
0x62: {  	v9 =	vor.u32 s15, v4;
	vm1 =	vlt.s32 v7, $0x270;
	v5 =	vnsel vm0, $0x270, v5  }
0x63: {  	s9 =	simm.s32 $0x18980;
	vm13 =	vlt.s32 v8, $0x270;
	v7 =	vnsel vm1, $0x270, v7;
	v5 =	vadd.s32 v1, v5  }
0x64: {  	vm14 =	vlt.s32 v9, $0x270;
	v8 =	vnsel vm13, $0x270, v8;
	v7 =	vadd.s32 v1, v7;
	[tilespmem:s9+$0x10] =	vst v5  }
0x65: {  	vm15 =	vlt.s32 v6, $0x270;
	[tilespmem:s9+$0xFFFFFFE0] =	vst v7;
	v5 =	vadd.s32 v1, v8;
	v7 =	vnsel vm14, $0x270, v9  }
0x66: {  	s13 =	simm.s32 $0x90;
	s5 =	simm.s32 $0x80;
	s15 =	simm.s32 $0xE0;
	v6 =	vnsel vm15, $0x270, v6;
	[tilespmem:s9+$0xFFFFFFF0] =	vst v5;
	v5 =	vadd.s32 v1, v7  }
.LBB2_12:
0x67: {  	p1 =	sne.s32 s15, $0x270;
	s1 =	sadd.s32 $0xFFFFFFC0, s13;
	s3 =	sadd.s32 $0xFFFFFFD0, s13;
	v7 =	vor.u32 s5, v4;
	v8 =	vor.u32 s13, v4;
	[tilespmem:s9+$0x0] =	vst v5;
	v5 =	vadd.s32 v1, v6  }
0x68: {  	v6 =	vor.u32 s1, v4;
	v9 =	vor.u32 s3, v4;
	s1 =	sadd.s32 $0xFFFFFFE0, s13;
	vm0 =	vlt.s32 v7, $0x270;
	[tilespmem:s9+$0x20] =	vst v5;
	s13 =	smov.u32 s15  }
.Ltmp6:
0x69: {  	vm1 =	vlt.s32 v6, $0x270;
	v5 =	vor.u32 s1, v4;
	v7 =	vnsel vm0, $0x270, v7;
	(pc) =	sbr.rel @p1 .LBB2_12-.Ltmp6, $4  }
0x6a: {  	s9 =	sadd.s32 $0x50, s9;
	vm0 =	vlt.s32 v9, $0x270;
	v6 =	vnsel vm1, $0x270, v6;
	v7 =	vadd.s32 v1, v7  }
0x6b: {  	v9 =	vnsel vm0, $0x270, v9;
	vm0 =	vlt.s32 v5, $0x270;
	v6 =	vadd.s32 v1, v6;
	[tilespmem:s9+$0x10] =	vst v7  }
0x6c: {  	v5 =	vnsel vm0, $0x270, v5;
	vm0 =	vlt.s32 v8, $0x270;
	[tilespmem:s9+$0xFFFFFFE0] =	vst v6;
	v6 =	vadd.s32 v1, v9  }
0x6d: {  	s15 =	sadd.s32 $0x50, s15;
	s5 =	sadd.s32 $0xFFFFFFF0, s13;
	v5 =	vadd.s32 v1, v5;
	[tilespmem:s9+$0xFFFFFFF0] =	vst v6;
	v6 =	vnsel vm0, $0x270, v8  }
0x6e: {  	s1 =	sadd.s32 $0xFFFFFFC0, s13;
	s3 =	sadd.s32 $0xFFFFFFD0, s13;
	v7 =	vor.u32 s5, v4;
	v8 =	vor.u32 s13, v4;
	v6 =	vadd.s32 v1, v6  }
0x6f: {  	s5 =	sadd.s32 $0xFFFFFFE0, s13;
	v9 =	vor.u32 s1, v4;
	v10 =	vor.u32 s3, v4;
	vm0 =	vlt.s32 v7, $0x270  }
0x70: {  	[tilespmem:s9+$0x0] =	vst v5;
	vm1 =	vlt.s32 v9, $0x270;
	v5 =	vnsel vm0, $0x270, v7;
	v7 =	vor.u32 s5, v4  }
0x71: {  	s13 =	sadd.s32 $0x50, s9;
	[tilespmem:s9+$0x20] =	vst v6;
	vm13 =	vlt.s32 v10, $0x270;
	v6 =	vnsel vm1, $0x270, v9;
	v5 =	vadd.s32 v1, v5  }
0x72: {  	v63 =	vnsel vm13, $0x270, v10;
	vm14 =	vlt.s32 v7, $0x270;
	v6 =	vadd.s32 v1, v6;
	[tilespmem:s13+$0x10] =	vst v5  }
0x73: {  	vm15 =	vlt.s32 v8, $0x270;
	v5 =	vadd.s32 v1, v63;
	[tilespmem:s13+$0xFFFFFFE0] =	vst v6;
	v6 =	vnsel vm14, $0x270, v7  }
0x74: {  	[tilespmem:s13+$0xFFFFFFF0] =	vst v5;
	v5 =	vadd.s32 v1, v6;
	v6 =	vnsel vm15, $0x270, v8  }
.Ltmp7:
0x75: {  	[tilespmem:s13+$0x0] =	vst v5;
	v5 =	vadd.s32 v1, v6;
	(pc) =	sbr.rel @!p0 .LBB2_15-.Ltmp7, $4  }
0x76: {  	[tilespmem:s13+$0x20] =	vst v5  }
0x77: {  	_ =	swait.ge [sflag:s8], $0x2800  }
0x78: {  	s15 =	rddreg [dreg:$0x6]  }
0x79: {  	[sflag:s8] =	ssyncset.done $0x0;
	s5 =	sadd.s32 $0xFFFFFFFF, s15  }
.LBB2_14:
0x7a: {  	p0 =	sne.s32 s5, $0x1;
	s5 =	sadd.s32 $0xFFFFFFFF, s5;
	[sflag:s8] =	ssyncadd.s32 $0xFFFFD800  }
.Ltmp8:
0x7b: {  	(pc) =	sbr.rel @p0 .LBB2_14-.Ltmp8, $3  }
0x7c: {  	_ =	sdelay $0x1  }
0x7d: {  	_ =	swait.ge [sflag:s8], $0x2800  }
0x7e: {  	[sflag:s8] =	ssyncset.done $0x0  }
.LBB2_15:
0x7f: {  	[sflag:s8] =	ssyncadd.s32 $0xFFFFD800  }
0x80: {  	[bflag:$0x0] =	sbarrier.arrive $0xFFFF  }
0x81: {  	s1 =	simm.s32 $0x138C0;
	s13 =	rddreg [dreg:$0x0]  }
0x82: {  	[tilespmem:s16], [sflag:$0x1] =	stream.indirect.gather [hbm4b:s13+s17], $0x80, s1, s17, $0xb8;
	[tilespmem:$0x1DCE0] =	vst v63  }
0x83: {  	s15 =	simm.s32 $0x13910  }
0x84: {  	[tilespmem:s19], [sflag:$0x2] =	stream.indirect.gather [hbm4b:s13+s17], $0x80, s15, s17, $0xb8;
	[tilespmem:$0x1DCE0] =	vst v63  }
0x85: {  	_ =	swait.ge [sflag:s20], $0x2800  }
0x86: {  	[sflag:s20] =	ssyncset.done $0x0  }
0x87: {  	[sflag:s20] =	ssyncadd.s32 $0xFFFFD800  }
0x88: {  	s3 =	simm.s32 $0x15FD0;
	s15 =	rddreg [dreg:$0x2]  }
0x89: {  	[spmem:s15] =	stream.indirect.scatter.add.f32 [tilespmem:s16], [sflag:$0x3], $0x80, s3, s17, $0xb8;
	[tilespmem:$0x1DCE0] =	vst v63  }
0x8a: {  	_ =	swait.ge [sflag:s21], $0x2800  }
0x8b: {  	[sflag:s21] =	ssyncset.done $0x0  }
0x8c: {  	s5 =	simm.s32 $0x13960;
	[sflag:s21] =	ssyncadd.s32 $0xFFFFD800  }
0x8d: {  	[tilespmem:s16], [sflag:$0x1] =	stream.indirect.gather [hbm4b:s13+s17], $0x80, s5, s17, $0xb8;
	[tilespmem:$0x1DCE0] =	vst v63  }
0x8e: {  	_ =	swait.ge [sflag:s22], $0x2800  }
0x8f: {  	[sflag:s22] =	ssyncset.done $0x0  }
0x90: {  	s9 =	simm.s32 $0x16020;
	[sflag:s22] =	ssyncadd.s32 $0xFFFFD800  }
0x91: {  	[spmem:s15] =	stream.indirect.scatter.add.f32 [tilespmem:s19], [sflag:$0x4], $0x80, s9, s17, $0xb8;
	[tilespmem:$0x1DCE0] =	vst v63  }
0x92: {  	_ =	swait.ge [sflag:s23], $0x2800  }
0x93: {  	[sflag:s23] =	ssyncset.done $0x0  }
0x94: {  	s5 =	simm.s32 $0x139B0;
	s9 =	simm.s32 $0x280;
	[sflag:s23] =	ssyncadd.s32 $0xFFFFD800  }
.LBB2_16:
0x95: {  	[tilespmem:s19], [sflag:$0x2] =	stream.indirect.gather [hbm4b:s13+s17], $0x80, s5, s17, $0xb8;
	[tilespmem:$0x1DCE0] =	vst v63  }
0x96: {  	s1 =	smov.u32 s9  }
0x97: {  	p0 =	sne.s32 s9, $0x9600;
	s9 =	sadd.s32 $0x280, s9;
	_ =	swait.ge [sflag:s20], $0x2800  }
0x98: {  	s1 =	sshra.s32 s1, $0x2;
	[sflag:s20] =	ssyncset.done $0x0  }
0x99: {  	s3 =	sadd.s32 $0x15FD0, s1;
	[sflag:s20] =	ssyncadd.s32 $0xFFFFD800  }
0x9a: {  	[spmem:s15] =	stream.indirect.scatter.add.f32 [tilespmem:s16], [sflag:$0x3], $0x80, s3, s17, $0xb8;
	[tilespmem:$0x1DCE0] =	vst v63  }
0x9b: {  	_ =	swait.ge [sflag:s21], $0x2800  }
0x9c: {  	[sflag:s21] =	ssyncset.done $0x0  }
0x9d: {  	s3 =	sadd.s32 $0x13960, s1;
	[sflag:s21] =	ssyncadd.s32 $0xFFFFD800  }
0x9e: {  	[tilespmem:s16], [sflag:$0x1] =	stream.indirect.gather [hbm4b:s13+s17], $0x80, s3, s17, $0xb8;
	[tilespmem:$0x1DCE0] =	vst v63  }
0x9f: {  	_ =	swait.ge [sflag:s22], $0x2800  }
0xa0: {  	[sflag:s22] =	ssyncset.done $0x0  }
.Ltmp9:
0xa1: {  	s3 =	sadd.s32 $0x16020, s1;
	[sflag:s22] =	ssyncadd.s32 $0xFFFFD800;
	(pc) =	sbr.rel @p0 .LBB2_16-.Ltmp9, $4  }
0xa2: {  	[spmem:s15] =	stream.indirect.scatter.add.f32 [tilespmem:s19], [sflag:$0x4], $0x80, s3, s17, $0xb8;
	[tilespmem:$0x1DCE0] =	vst v63  }
0xa3: {  	_ =	swait.ge [sflag:s23], $0x2800  }
0xa4: {  	[sflag:s23] =	ssyncset.done $0x0  }
0xa5: {  	s5 =	sadd.s32 $0x139B0, s1;
	[sflag:s23] =	ssyncadd.s32 $0xFFFFD800  }
0xa6: {  	[tilespmem:s19], [sflag:$0x2] =	stream.indirect.gather [hbm4b:s13+s17], $0x80, s5, s17, $0xb8;
	[tilespmem:$0x1DCE0] =	vst v63  }
0xa7: {  	_ =	swait.ge [sflag:s20], $0x2800  }
0xa8: {  	[sflag:s20] =	ssyncset.done $0x0  }
0xa9: {  	s1 =	simm.s32 $0x185F0;
	[sflag:s20] =	ssyncadd.s32 $0xFFFFD800  }
0xaa: {  	[spmem:s15] =	stream.indirect.scatter.add.f32 [tilespmem:s16], [sflag:$0x3], $0x80, s1, s17, $0xb8;
	[tilespmem:$0x1DCE0] =	vst v63  }
0xab: {  	_ =	swait.ge [sflag:s21], $0x2800  }
0xac: {  	[sflag:s21] =	ssyncset.done $0x0  }
0xad: {  	s9 =	simm.s32 $0x15F80;
	[sflag:s21] =	ssyncadd.s32 $0xFFFFD800  }
0xae: {  	[tilespmem:s16], [sflag:$0x1] =	stream.indirect.gather [hbm4b:s13+s17], $0x80, s9, s17, $0xb8;
	[tilespmem:$0x1DCE0] =	vst v63  }
0xaf: {  	_ =	swait.ge [sflag:s22], $0x2800  }
0xb0: {  	[sflag:s22] =	ssyncset.done $0x0  }
0xb1: {  	s13 =	simm.s32 $0x18640;
	[sflag:s22] =	ssyncadd.s32 $0xFFFFD800  }
0xb2: {  	[spmem:s15] =	stream.indirect.scatter.add.f32 [tilespmem:s19], [sflag:$0x4], $0x80, s13, s17, $0xb8;
	[tilespmem:$0x1DCE0] =	vst v63  }
0xb3: {  	_ =	swait.ge [sflag:s23], $0x2800  }
0xb4: {  	[sflag:s23] =	ssyncset.done $0x0  }
0xb5: {  	[sflag:s23] =	ssyncadd.s32 $0xFFFFD800  }
0xb6: {  	_ =	swait.ge [sflag:s20], $0x2800  }
0xb7: {  	[sflag:s20] =	ssyncset.done $0x0  }
0xb8: {  	s3 =	simm.s32 $0x18690;
	[sflag:s20] =	ssyncadd.s32 $0xFFFFD800  }
0xb9: {  	[spmem:s15] =	stream.indirect.scatter.add.f32 [tilespmem:s16], [sflag:$0x3], $0x80, s3, s17, $0xb8;
	[tilespmem:$0x1DCE0] =	vst v63  }
0xba: {  	_ =	swait.ge [sflag:s21], $0x2800  }
0xbb: {  	[sflag:s21] =	ssyncset.done $0x0  }
0xbc: {  	s5 =	simm.s32 $0x186E0;
	[sflag:s21] =	ssyncadd.s32 $0xFFFFD800  }
0xbd: {  	[tilespmem:s16], [sflag:$0x1] =	stream.indirect.gather [spmem:s15], $0x80, s5, s17, $0xb8;
	[tilespmem:$0x1DCE0] =	vst v63  }
0xbe: {  	s9 =	simm.s32 $0x18730  }
0xbf: {  	[tilespmem:s19], [sflag:$0x2] =	stream.indirect.gather [spmem:s15], $0x80, s9, s17, $0xb8;
	[tilespmem:$0x1DCE0] =	vst v63  }
0xc0: {  	_ =	swait.ge [sflag:s20], $0x2800  }
0xc1: {  	s13 =	simm.s32 $0x18960;
	[sflag:s20] =	ssyncset.done $0x0  }
0xc2: {  	s15 =	simm.s32 $0x0;
	s3 =	rddreg [dreg:$0x4];
	[sflag:s20] =	ssyncadd.s32 $0xFFFFD800  }
0xc3: {  	[hbm4b:s3+s17] =	stream.indirect.scatter [tilespmem:s16], [sflag:$0x5], $0x80, s13, s17, $0xb8;
	[tilespmem:$0x1DCE0] =	vst v63  }
0xc4: {  	v5 =	vld [tilespmem:s15+$0x18BE0];
	_ =	sdelay $0x4  }
0xc5: {  	v6 =	vmul.f32 v5, v5  }
0xc6: {  	[tilespmem:s2+$0x0] =	vst.add.f32.msk $0xffff, v5  }
0xc7: {  	[tilespmem:s0+$0x0] =	vst.add.f32.msk $0xffff, v6  }
0xc8: {  	v5 =	vld [tilespmem:s15+$0x18BF0];
	_ =	sdelay $0x4  }
0xc9: {  	v6 =	vmul.f32 v5, v5  }
0xca: {  	[tilespmem:s18+$0x0] =	vst.add.f32.msk $0xffff, v5  }
0xcb: {  	[tilespmem:s24+$0x0] =	vst.add.f32.msk $0xffff, v6  }
0xcc: {  	v5 =	vld [tilespmem:s15+$0x18C00];
	_ =	sdelay $0x4  }
0xcd: {  	v6 =	vmul.f32 v5, v5  }
0xce: {  	[tilespmem:s25+$0x0] =	vst.add.f32.msk $0xffff, v5  }
0xcf: {  	[tilespmem:s26+$0x0] =	vst.add.f32.msk $0xffff, v6  }
0xd0: {  	v5 =	vld [tilespmem:s15+$0x18C10];
	_ =	sdelay $0x4  }
0xd1: {  	v6 =	vmul.f32 v5, v5  }
0xd2: {  	[tilespmem:s28+$0x0] =	vst.add.f32.msk $0xffff, v5  }
0xd3: {  	[tilespmem:s29+$0x0] =	vst.add.f32.msk $0xffff, v6  }
0xd4: {  	v5 =	vld [tilespmem:s15+$0x18C20];
	_ =	sdelay $0x4  }
0xd5: {  	v6 =	vmul.f32 v5, v5  }
0xd6: {  	[tilespmem:s30+$0x0] =	vst.add.f32.msk $0xffff, v5  }
0xd7: {  	[tilespmem:s31+$0x0] =	vst.add.f32.msk $0xffff, v6  }
0xd8: {  	v5 =	vld [tilespmem:s15+$0x18C30];
	_ =	sdelay $0x4  }
0xd9: {  	v6 =	vmul.f32 v5, v5  }
0xda: {  	[tilespmem:s14+$0x0] =	vst.add.f32.msk $0xffff, v5  }
0xdb: {  	[tilespmem:s7+$0x0] =	vst.add.f32.msk $0xffff, v6  }
0xdc: {  	v5 =	vld [tilespmem:s15+$0x18C40];
	_ =	sdelay $0x4  }
0xdd: {  	v6 =	vmul.f32 v5, v5  }
0xde: {  	[tilespmem:s10+$0x0] =	vst.add.f32.msk $0xffff, v5  }
0xdf: {  	[tilespmem:s11+$0x0] =	vst.add.f32.msk $0xffff, v6  }
0xe0: {  	v5 =	vld [tilespmem:s15+$0x18C50];
	_ =	sdelay $0x4  }
0xe1: {  	s9 =	simm.s32 $0x200;
	s15 =	simm.s32 $0x400;
	[tilespmem:s12+$0x0] =	vst.add.f32.msk $0xffff, v5;
	v5 =	vmul.f32 v5, v5  }
.LBB2_18:
0xe2: {  	p0 =	sne.s32 s15, $0x9E00  }
0xe3: {  	s13 =	sshra.s32 s9, $0x2;
	s9 =	smov.u32 s15;
	s15 =	sadd.s32 $0x200, s15;
	[tilespmem:s4+$0x0] =	vst.add.f32.msk $0xffff, v5  }
0xe4: {  	v5 =	vld [tilespmem:s13+$0x18BE0];
	_ =	sdelay $0x4  }
0xe5: {  	v6 =	vmul.f32 v5, v5  }
0xe6: {  	[tilespmem:s2+$0x0] =	vst.add.f32.msk $0xffff, v5  }
0xe7: {  	[tilespmem:s0+$0x0] =	vst.add.f32.msk $0xffff, v6  }
0xe8: {  	v5 =	vld [tilespmem:s13+$0x18BF0];
	_ =	sdelay $0x4  }
0xe9: {  	v6 =	vmul.f32 v5, v5  }
0xea: {  	[tilespmem:s18+$0x0] =	vst.add.f32.msk $0xffff, v5  }
0xeb: {  	[tilespmem:s24+$0x0] =	vst.add.f32.msk $0xffff, v6  }
0xec: {  	v5 =	vld [tilespmem:s13+$0x18C00];
	_ =	sdelay $0x4  }
0xed: {  	v6 =	vmul.f32 v5, v5  }
0xee: {  	[tilespmem:s25+$0x0] =	vst.add.f32.msk $0xffff, v5  }
0xef: {  	[tilespmem:s26+$0x0] =	vst.add.f32.msk $0xffff, v6  }
0xf0: {  	v5 =	vld [tilespmem:s13+$0x18C10];
	_ =	sdelay $0x4  }
0xf1: {  	[tilespmem:s28+$0x0] =	vst.add.f32.msk $0xffff, v5;
	v5 =	vmul.f32 v5, v5;
	_ =	sdelay $0x1  }
0xf2: {  	[tilespmem:s29+$0x0] =	vst.add.f32.msk $0xffff, v5  }
0xf3: {  	v5 =	vld [tilespmem:s13+$0x18C20];
	_ =	sdelay $0x4  }
0xf4: {  	[tilespmem:s30+$0x0] =	vst.add.f32.msk $0xffff, v5;
	v5 =	vmul.f32 v5, v5;
	_ =	sdelay $0x1  }
0xf5: {  	[tilespmem:s31+$0x0] =	vst.add.f32.msk $0xffff, v5  }
0xf6: {  	v5 =	vld [tilespmem:s13+$0x18C30];
	_ =	sdelay $0x4  }
0xf7: {  	[tilespmem:s14+$0x0] =	vst.add.f32.msk $0xffff, v5;
	v5 =	vmul.f32 v5, v5;
	_ =	sdelay $0x1  }
0xf8: {  	[tilespmem:s7+$0x0] =	vst.add.f32.msk $0xffff, v5  }
0xf9: {  	v5 =	vld [tilespmem:s13+$0x18C40];
	_ =	sdelay $0x4  }
0xfa: {  	[tilespmem:s10+$0x0] =	vst.add.f32.msk $0xffff, v5;
	v5 =	vmul.f32 v5, v5;
	_ =	sdelay $0x1  }
0xfb: {  	[tilespmem:s11+$0x0] =	vst.add.f32.msk $0xffff, v5  }
0xfc: {  	v5 =	vld [tilespmem:s13+$0x18C50]  }
.Ltmp10:
0xfd: {  	(pc) =	sbr.rel @p0 .LBB2_18-.Ltmp10, $2  }
0xfe: {  	_ =	sdelay $0x2  }
0xff: {  	[tilespmem:s12+$0x0] =	vst.add.f32.msk $0xffff, v5;
	v5 =	vmul.f32 v5, v5  }
0x100: {  	_ = 	snop  }
0x101: {  	s1 =	sshra.s32 s9, $0x2;
	[tilespmem:s4+$0x0] =	vst.add.f32.msk $0xffff, v5  }
0x102: {  	v5 =	vld [tilespmem:s1+$0x18BE0];
	_ =	sdelay $0x4  }
0x103: {  	v6 =	vmul.f32 v5, v5  }
0x104: {  	[tilespmem:s2+$0x0] =	vst.add.f32.msk $0xffff, v5  }
0x105: {  	[tilespmem:s0+$0x0] =	vst.add.f32.msk $0xffff, v6  }
0x106: {  	v5 =	vld [tilespmem:s1+$0x18BF0];
	_ =	sdelay $0x4  }
0x107: {  	v6 =	vmul.f32 v5, v5  }
0x108: {  	[tilespmem:s18+$0x0] =	vst.add.f32.msk $0xffff, v5  }
0x109: {  	[tilespmem:s24+$0x0] =	vst.add.f32.msk $0xffff, v6  }
0x10a: {  	v5 =	vld [tilespmem:s1+$0x18C00];
	_ =	sdelay $0x4  }
0x10b: {  	v6 =	vmul.f32 v5, v5  }
0x10c: {  	[tilespmem:s25+$0x0] =	vst.add.f32.msk $0xffff, v5  }
0x10d: {  	[tilespmem:s26+$0x0] =	vst.add.f32.msk $0xffff, v6  }
0x10e: {  	v5 =	vld [tilespmem:s1+$0x18C10];
	_ =	sdelay $0x4  }
0x10f: {  	v6 =	vmul.f32 v5, v5  }
0x110: {  	[tilespmem:s28+$0x0] =	vst.add.f32.msk $0xffff, v5  }
0x111: {  	[tilespmem:s29+$0x0] =	vst.add.f32.msk $0xffff, v6  }
0x112: {  	v5 =	vld [tilespmem:s1+$0x18C20];
	_ =	sdelay $0x4  }
0x113: {  	v6 =	vmul.f32 v5, v5  }
0x114: {  	[tilespmem:s30+$0x0] =	vst.add.f32.msk $0xffff, v5  }
0x115: {  	[tilespmem:s31+$0x0] =	vst.add.f32.msk $0xffff, v6  }
0x116: {  	v5 =	vld [tilespmem:s1+$0x18C30];
	_ =	sdelay $0x4  }
0x117: {  	v6 =	vmul.f32 v5, v5  }
0x118: {  	[tilespmem:s14+$0x0] =	vst.add.f32.msk $0xffff, v5  }
0x119: {  	[tilespmem:s7+$0x0] =	vst.add.f32.msk $0xffff, v6  }
0x11a: {  	v5 =	vld [tilespmem:s1+$0x18C40];
	_ =	sdelay $0x4  }
0x11b: {  	v6 =	vmul.f32 v5, v5  }
0x11c: {  	[tilespmem:s10+$0x0] =	vst.add.f32.msk $0xffff, v5  }
0x11d: {  	[tilespmem:s11+$0x0] =	vst.add.f32.msk $0xffff, v6  }
0x11e: {  	v5 =	vld [tilespmem:s1+$0x18C50];
	_ =	sdelay $0x4  }
0x11f: {  	v6 =	vmul.f32 v5, v5  }
0x120: {  	[tilespmem:s12+$0x0] =	vst.add.f32.msk $0xffff, v5  }
0x121: {  	[tilespmem:s4+$0x0] =	vst.add.f32.msk $0xffff, v6  }
0x122: {  	_ =	swait.ge [sflag:s8], $0x2800  }
0x123: {  	[sflag:s8] =	ssyncset.done $0x0  }
0x124: {  	[sflag:s8] =	ssyncadd.s32 $0xFFFFD800  }
0x125: {  	s5 =	simm.s32 $0x18780;
	s9 =	rddreg [dreg:$0x2]  }
0x126: {  	[tilespmem:s16], [sflag:$0x1] =	stream.indirect.gather [spmem:s9], $0x80, s5, s17, $0xb8;
	[tilespmem:$0x1DCE0] =	vst v63  }
0x127: {  	_ =	swait.ge [sflag:s22], $0x2800  }
0x128: {  	[sflag:s22] =	ssyncset.done $0x0  }
0x129: {  	s13 =	simm.s32 $0x189B0;
	s15 =	simm.s32 $0x0;
	[sflag:s22] =	ssyncadd.s32 $0xFFFFD800  }
0x12a: {  	[hbm4b:s3+s17] =	stream.indirect.scatter [tilespmem:s19], [sflag:$0x5], $0x80, s13, s17, $0xb8;
	[tilespmem:$0x1DCE0] =	vst v63  }
0x12b: {  	v5 =	vld [tilespmem:s15+$0x1B3E0];
	_ =	sdelay $0x4  }
0x12c: {  	v6 =	vmul.f32 v5, v5  }
0x12d: {  	[tilespmem:s2+$0x0] =	vst.add.f32.msk $0xffff, v5  }
0x12e: {  	[tilespmem:s0+$0x0] =	vst.add.f32.msk $0xffff, v6  }
0x12f: {  	v5 =	vld [tilespmem:s15+$0x1B3F0];
	_ =	sdelay $0x4  }
0x130: {  	v6 =	vmul.f32 v5, v5  }
0x131: {  	[tilespmem:s18+$0x0] =	vst.add.f32.msk $0xffff, v5  }
0x132: {  	[tilespmem:s24+$0x0] =	vst.add.f32.msk $0xffff, v6  }
0x133: {  	v5 =	vld [tilespmem:s15+$0x1B400];
	_ =	sdelay $0x4  }
0x134: {  	v6 =	vmul.f32 v5, v5  }
0x135: {  	[tilespmem:s25+$0x0] =	vst.add.f32.msk $0xffff, v5  }
0x136: {  	[tilespmem:s26+$0x0] =	vst.add.f32.msk $0xffff, v6  }
0x137: {  	v5 =	vld [tilespmem:s15+$0x1B410];
	_ =	sdelay $0x4  }
0x138: {  	v6 =	vmul.f32 v5, v5  }
0x139: {  	[tilespmem:s28+$0x0] =	vst.add.f32.msk $0xffff, v5  }
0x13a: {  	[tilespmem:s29+$0x0] =	vst.add.f32.msk $0xffff, v6  }
0x13b: {  	v5 =	vld [tilespmem:s15+$0x1B420];
	_ =	sdelay $0x4  }
0x13c: {  	v6 =	vmul.f32 v5, v5  }
0x13d: {  	[tilespmem:s30+$0x0] =	vst.add.f32.msk $0xffff, v5  }
0x13e: {  	[tilespmem:s31+$0x0] =	vst.add.f32.msk $0xffff, v6  }
0x13f: {  	v5 =	vld [tilespmem:s15+$0x1B430];
	_ =	sdelay $0x4  }
0x140: {  	v6 =	vmul.f32 v5, v5  }
0x141: {  	[tilespmem:s14+$0x0] =	vst.add.f32.msk $0xffff, v5  }
0x142: {  	[tilespmem:s7+$0x0] =	vst.add.f32.msk $0xffff, v6  }
0x143: {  	v5 =	vld [tilespmem:s15+$0x1B440];
	_ =	sdelay $0x4  }
0x144: {  	v6 =	vmul.f32 v5, v5  }
0x145: {  	[tilespmem:s10+$0x0] =	vst.add.f32.msk $0xffff, v5  }
0x146: {  	[tilespmem:s11+$0x0] =	vst.add.f32.msk $0xffff, v6  }
0x147: {  	v5 =	vld [tilespmem:s15+$0x1B450];
	_ =	sdelay $0x4  }
0x148: {  	s9 =	simm.s32 $0x200;
	s15 =	simm.s32 $0x400;
	[tilespmem:s12+$0x0] =	vst.add.f32.msk $0xffff, v5;
	v5 =	vmul.f32 v5, v5  }
.LBB2_20:
0x149: {  	p0 =	sne.s32 s15, $0x9E00  }
0x14a: {  	s13 =	sshra.s32 s9, $0x2;
	s9 =	smov.u32 s15;
	s15 =	sadd.s32 $0x200, s15;
	[tilespmem:s4+$0x0] =	vst.add.f32.msk $0xffff, v5  }
0x14b: {  	v5 =	vld [tilespmem:s13+$0x1B3E0];
	_ =	sdelay $0x4  }
0x14c: {  	v6 =	vmul.f32 v5, v5  }
0x14d: {  	[tilespmem:s2+$0x0] =	vst.add.f32.msk $0xffff, v5  }
0x14e: {  	[tilespmem:s0+$0x0] =	vst.add.f32.msk $0xffff, v6  }
0x14f: {  	v5 =	vld [tilespmem:s13+$0x1B3F0];
	_ =	sdelay $0x4  }
0x150: {  	v6 =	vmul.f32 v5, v5  }
0x151: {  	[tilespmem:s18+$0x0] =	vst.add.f32.msk $0xffff, v5  }
0x152: {  	[tilespmem:s24+$0x0] =	vst.add.f32.msk $0xffff, v6  }
0x153: {  	v5 =	vld [tilespmem:s13+$0x1B400];
	_ =	sdelay $0x4  }
0x154: {  	v6 =	vmul.f32 v5, v5  }
0x155: {  	[tilespmem:s25+$0x0] =	vst.add.f32.msk $0xffff, v5  }
0x156: {  	[tilespmem:s26+$0x0] =	vst.add.f32.msk $0xffff, v6  }
0x157: {  	v5 =	vld [tilespmem:s13+$0x1B410];
	_ =	sdelay $0x4  }
0x158: {  	[tilespmem:s28+$0x0] =	vst.add.f32.msk $0xffff, v5;
	v5 =	vmul.f32 v5, v5;
	_ =	sdelay $0x1  }
0x159: {  	[tilespmem:s29+$0x0] =	vst.add.f32.msk $0xffff, v5  }
0x15a: {  	v5 =	vld [tilespmem:s13+$0x1B420];
	_ =	sdelay $0x4  }
0x15b: {  	[tilespmem:s30+$0x0] =	vst.add.f32.msk $0xffff, v5;
	v5 =	vmul.f32 v5, v5;
	_ =	sdelay $0x1  }
0x15c: {  	[tilespmem:s31+$0x0] =	vst.add.f32.msk $0xffff, v5  }
0x15d: {  	v5 =	vld [tilespmem:s13+$0x1B430];
	_ =	sdelay $0x4  }
0x15e: {  	[tilespmem:s14+$0x0] =	vst.add.f32.msk $0xffff, v5;
	v5 =	vmul.f32 v5, v5;
	_ =	sdelay $0x1  }
0x15f: {  	[tilespmem:s7+$0x0] =	vst.add.f32.msk $0xffff, v5  }
0x160: {  	v5 =	vld [tilespmem:s13+$0x1B440];
	_ =	sdelay $0x4  }
0x161: {  	[tilespmem:s10+$0x0] =	vst.add.f32.msk $0xffff, v5;
	v5 =	vmul.f32 v5, v5;
	_ =	sdelay $0x1  }
0x162: {  	[tilespmem:s11+$0x0] =	vst.add.f32.msk $0xffff, v5  }
0x163: {  	v5 =	vld [tilespmem:s13+$0x1B450]  }
.Ltmp11:
0x164: {  	(pc) =	sbr.rel @p0 .LBB2_20-.Ltmp11, $2  }
0x165: {  	_ =	sdelay $0x2  }
0x166: {  	[tilespmem:s12+$0x0] =	vst.add.f32.msk $0xffff, v5;
	v5 =	vmul.f32 v5, v5  }
0x167: {  	_ = 	snop  }
0x168: {  	s1 =	sshra.s32 s9, $0x2;
	[tilespmem:s4+$0x0] =	vst.add.f32.msk $0xffff, v5  }
0x169: {  	v5 =	vld [tilespmem:s1+$0x1B3E0];
	_ =	sdelay $0x4  }
0x16a: {  	v6 =	vmul.f32 v5, v5  }
0x16b: {  	[tilespmem:s2+$0x0] =	vst.add.f32.msk $0xffff, v5  }
0x16c: {  	[tilespmem:s0+$0x0] =	vst.add.f32.msk $0xffff, v6  }
0x16d: {  	v5 =	vld [tilespmem:s1+$0x1B3F0];
	_ =	sdelay $0x4  }
0x16e: {  	v6 =	vmul.f32 v5, v5  }
0x16f: {  	[tilespmem:s18+$0x0] =	vst.add.f32.msk $0xffff, v5  }
0x170: {  	[tilespmem:s24+$0x0] =	vst.add.f32.msk $0xffff, v6  }
0x171: {  	v5 =	vld [tilespmem:s1+$0x1B400];
	_ =	sdelay $0x4  }
0x172: {  	v6 =	vmul.f32 v5, v5  }
0x173: {  	[tilespmem:s25+$0x0] =	vst.add.f32.msk $0xffff, v5  }
0x174: {  	[tilespmem:s26+$0x0] =	vst.add.f32.msk $0xffff, v6  }
0x175: {  	v5 =	vld [tilespmem:s1+$0x1B410];
	_ =	sdelay $0x4  }
0x176: {  	v6 =	vmul.f32 v5, v5  }
0x177: {  	[tilespmem:s28+$0x0] =	vst.add.f32.msk $0xffff, v5  }
0x178: {  	[tilespmem:s29+$0x0] =	vst.add.f32.msk $0xffff, v6  }
0x179: {  	v5 =	vld [tilespmem:s1+$0x1B420];
	_ =	sdelay $0x4  }
0x17a: {  	v6 =	vmul.f32 v5, v5  }
0x17b: {  	[tilespmem:s30+$0x0] =	vst.add.f32.msk $0xffff, v5  }
0x17c: {  	[tilespmem:s31+$0x0] =	vst.add.f32.msk $0xffff, v6  }
0x17d: {  	v5 =	vld [tilespmem:s1+$0x1B430];
	_ =	sdelay $0x4  }
0x17e: {  	v6 =	vmul.f32 v5, v5  }
0x17f: {  	[tilespmem:s14+$0x0] =	vst.add.f32.msk $0xffff, v5  }
0x180: {  	[tilespmem:s7+$0x0] =	vst.add.f32.msk $0xffff, v6  }
0x181: {  	v5 =	vld [tilespmem:s1+$0x1B440];
	_ =	sdelay $0x4  }
0x182: {  	v6 =	vmul.f32 v5, v5  }
0x183: {  	[tilespmem:s10+$0x0] =	vst.add.f32.msk $0xffff, v5  }
0x184: {  	[tilespmem:s11+$0x0] =	vst.add.f32.msk $0xffff, v6  }
0x185: {  	v5 =	vld [tilespmem:s1+$0x1B450];
	_ =	sdelay $0x4  }
0x186: {  	v6 =	vmul.f32 v5, v5  }
0x187: {  	[tilespmem:s12+$0x0] =	vst.add.f32.msk $0xffff, v5  }
0x188: {  	[tilespmem:s4+$0x0] =	vst.add.f32.msk $0xffff, v6  }
0x189: {  	_ =	swait.ge [sflag:s8], $0x2800  }
0x18a: {  	[sflag:s8] =	ssyncset.done $0x0  }
0x18b: {  	[sflag:s8] =	ssyncadd.s32 $0xFFFFD800  }
0x18c: {  	s5 =	simm.s32 $0x187D0;
	s9 =	rddreg [dreg:$0x2]  }
0x18d: {  	[tilespmem:s19], [sflag:$0x2] =	stream.indirect.gather [spmem:s9], $0x80, s5, s17, $0xb8;
	[tilespmem:$0x1DCE0] =	vst v63  }
0x18e: {  	_ =	swait.ge [sflag:s20], $0x2800  }
0x18f: {  	[sflag:s20] =	ssyncset.done $0x0  }
0x190: {  	s13 =	simm.s32 $0x18A00;
	s15 =	simm.s32 $0x0;
	[sflag:s20] =	ssyncadd.s32 $0xFFFFD800  }
0x191: {  	[hbm4b:s3+s17] =	stream.indirect.scatter [tilespmem:s16], [sflag:$0x5], $0x80, s13, s17, $0xb8;
	[tilespmem:$0x1DCE0] =	vst v63  }
0x192: {  	v5 =	vld [tilespmem:s15+$0x18BE0];
	_ =	sdelay $0x4  }
0x193: {  	v6 =	vmul.f32 v5, v5  }
0x194: {  	[tilespmem:s2+$0x0] =	vst.add.f32.msk $0xffff, v5  }
0x195: {  	[tilespmem:s0+$0x0] =	vst.add.f32.msk $0xffff, v6  }
0x196: {  	v5 =	vld [tilespmem:s15+$0x18BF0];
	_ =	sdelay $0x4  }
0x197: {  	v6 =	vmul.f32 v5, v5  }
0x198: {  	[tilespmem:s18+$0x0] =	vst.add.f32.msk $0xffff, v5  }
0x199: {  	[tilespmem:s24+$0x0] =	vst.add.f32.msk $0xffff, v6  }
0x19a: {  	v5 =	vld [tilespmem:s15+$0x18C00];
	_ =	sdelay $0x4  }
0x19b: {  	v6 =	vmul.f32 v5, v5  }
0x19c: {  	[tilespmem:s25+$0x0] =	vst.add.f32.msk $0xffff, v5  }
0x19d: {  	[tilespmem:s26+$0x0] =	vst.add.f32.msk $0xffff, v6  }
0x19e: {  	v5 =	vld [tilespmem:s15+$0x18C10];
	_ =	sdelay $0x4  }
0x19f: {  	v6 =	vmul.f32 v5, v5  }
0x1a0: {  	[tilespmem:s28+$0x0] =	vst.add.f32.msk $0xffff, v5  }
0x1a1: {  	[tilespmem:s29+$0x0] =	vst.add.f32.msk $0xffff, v6  }
0x1a2: {  	v5 =	vld [tilespmem:s15+$0x18C20];
	_ =	sdelay $0x4  }
0x1a3: {  	v6 =	vmul.f32 v5, v5  }
0x1a4: {  	[tilespmem:s30+$0x0] =	vst.add.f32.msk $0xffff, v5  }
0x1a5: {  	[tilespmem:s31+$0x0] =	vst.add.f32.msk $0xffff, v6  }
0x1a6: {  	v5 =	vld [tilespmem:s15+$0x18C30];
	_ =	sdelay $0x4  }
0x1a7: {  	v6 =	vmul.f32 v5, v5  }
0x1a8: {  	[tilespmem:s14+$0x0] =	vst.add.f32.msk $0xffff, v5  }
0x1a9: {  	[tilespmem:s7+$0x0] =	vst.add.f32.msk $0xffff, v6  }
0x1aa: {  	v5 =	vld [tilespmem:s15+$0x18C40];
	_ =	sdelay $0x4  }
0x1ab: {  	v6 =	vmul.f32 v5, v5  }
0x1ac: {  	[tilespmem:s10+$0x0] =	vst.add.f32.msk $0xffff, v5  }
0x1ad: {  	[tilespmem:s11+$0x0] =	vst.add.f32.msk $0xffff, v6  }
0x1ae: {  	v5 =	vld [tilespmem:s15+$0x18C50];
	_ =	sdelay $0x4  }
0x1af: {  	s9 =	simm.s32 $0x200;
	s15 =	simm.s32 $0x400;
	[tilespmem:s12+$0x0] =	vst.add.f32.msk $0xffff, v5;
	v5 =	vmul.f32 v5, v5  }
.LBB2_22:
0x1b0: {  	p0 =	sne.s32 s15, $0x9E00  }
0x1b1: {  	s13 =	sshra.s32 s9, $0x2;
	s9 =	smov.u32 s15;
	s15 =	sadd.s32 $0x200, s15;
	[tilespmem:s4+$0x0] =	vst.add.f32.msk $0xffff, v5  }
0x1b2: {  	v5 =	vld [tilespmem:s13+$0x18BE0];
	_ =	sdelay $0x4  }
0x1b3: {  	v6 =	vmul.f32 v5, v5  }
0x1b4: {  	[tilespmem:s2+$0x0] =	vst.add.f32.msk $0xffff, v5  }
0x1b5: {  	[tilespmem:s0+$0x0] =	vst.add.f32.msk $0xffff, v6  }
0x1b6: {  	v5 =	vld [tilespmem:s13+$0x18BF0];
	_ =	sdelay $0x4  }
0x1b7: {  	v6 =	vmul.f32 v5, v5  }
0x1b8: {  	[tilespmem:s18+$0x0] =	vst.add.f32.msk $0xffff, v5  }
0x1b9: {  	[tilespmem:s24+$0x0] =	vst.add.f32.msk $0xffff, v6  }
0x1ba: {  	v5 =	vld [tilespmem:s13+$0x18C00];
	_ =	sdelay $0x4  }
0x1bb: {  	v6 =	vmul.f32 v5, v5  }
0x1bc: {  	[tilespmem:s25+$0x0] =	vst.add.f32.msk $0xffff, v5  }
0x1bd: {  	[tilespmem:s26+$0x0] =	vst.add.f32.msk $0xffff, v6  }
0x1be: {  	v5 =	vld [tilespmem:s13+$0x18C10];
	_ =	sdelay $0x4  }
0x1bf: {  	[tilespmem:s28+$0x0] =	vst.add.f32.msk $0xffff, v5;
	v5 =	vmul.f32 v5, v5;
	_ =	sdelay $0x1  }
0x1c0: {  	[tilespmem:s29+$0x0] =	vst.add.f32.msk $0xffff, v5  }
0x1c1: {  	v5 =	vld [tilespmem:s13+$0x18C20];
	_ =	sdelay $0x4  }
0x1c2: {  	[tilespmem:s30+$0x0] =	vst.add.f32.msk $0xffff, v5;
	v5 =	vmul.f32 v5, v5;
	_ =	sdelay $0x1  }
0x1c3: {  	[tilespmem:s31+$0x0] =	vst.add.f32.msk $0xffff, v5  }
0x1c4: {  	v5 =	vld [tilespmem:s13+$0x18C30];
	_ =	sdelay $0x4  }
0x1c5: {  	[tilespmem:s14+$0x0] =	vst.add.f32.msk $0xffff, v5;
	v5 =	vmul.f32 v5, v5;
	_ =	sdelay $0x1  }
0x1c6: {  	[tilespmem:s7+$0x0] =	vst.add.f32.msk $0xffff, v5  }
0x1c7: {  	v5 =	vld [tilespmem:s13+$0x18C40];
	_ =	sdelay $0x4  }
0x1c8: {  	[tilespmem:s10+$0x0] =	vst.add.f32.msk $0xffff, v5;
	v5 =	vmul.f32 v5, v5;
	_ =	sdelay $0x1  }
0x1c9: {  	[tilespmem:s11+$0x0] =	vst.add.f32.msk $0xffff, v5  }
0x1ca: {  	v5 =	vld [tilespmem:s13+$0x18C50]  }
.Ltmp12:
0x1cb: {  	(pc) =	sbr.rel @p0 .LBB2_22-.Ltmp12, $2  }
0x1cc: {  	_ =	sdelay $0x2  }
0x1cd: {  	[tilespmem:s12+$0x0] =	vst.add.f32.msk $0xffff, v5;
	v5 =	vmul.f32 v5, v5  }
0x1ce: {  	_ = 	snop  }
0x1cf: {  	s1 =	sshra.s32 s9, $0x2;
	[tilespmem:s4+$0x0] =	vst.add.f32.msk $0xffff, v5  }
0x1d0: {  	v5 =	vld [tilespmem:s1+$0x18BE0];
	_ =	sdelay $0x4  }
0x1d1: {  	v6 =	vmul.f32 v5, v5  }
0x1d2: {  	[tilespmem:s2+$0x0] =	vst.add.f32.msk $0xffff, v5  }
0x1d3: {  	[tilespmem:s0+$0x0] =	vst.add.f32.msk $0xffff, v6  }
0x1d4: {  	v5 =	vld [tilespmem:s1+$0x18BF0];
	_ =	sdelay $0x4  }
0x1d5: {  	v6 =	vmul.f32 v5, v5  }
0x1d6: {  	[tilespmem:s18+$0x0] =	vst.add.f32.msk $0xffff, v5  }
0x1d7: {  	[tilespmem:s24+$0x0] =	vst.add.f32.msk $0xffff, v6  }
0x1d8: {  	v5 =	vld [tilespmem:s1+$0x18C00];
	_ =	sdelay $0x4  }
0x1d9: {  	v6 =	vmul.f32 v5, v5  }
0x1da: {  	[tilespmem:s25+$0x0] =	vst.add.f32.msk $0xffff, v5  }
0x1db: {  	[tilespmem:s26+$0x0] =	vst.add.f32.msk $0xffff, v6  }
0x1dc: {  	v5 =	vld [tilespmem:s1+$0x18C10];
	_ =	sdelay $0x4  }
0x1dd: {  	v6 =	vmul.f32 v5, v5  }
0x1de: {  	[tilespmem:s28+$0x0] =	vst.add.f32.msk $0xffff, v5  }
0x1df: {  	[tilespmem:s29+$0x0] =	vst.add.f32.msk $0xffff, v6  }
0x1e0: {  	v5 =	vld [tilespmem:s1+$0x18C20];
	_ =	sdelay $0x4  }
0x1e1: {  	v6 =	vmul.f32 v5, v5  }
0x1e2: {  	[tilespmem:s30+$0x0] =	vst.add.f32.msk $0xffff, v5  }
0x1e3: {  	[tilespmem:s31+$0x0] =	vst.add.f32.msk $0xffff, v6  }
0x1e4: {  	v5 =	vld [tilespmem:s1+$0x18C30];
	_ =	sdelay $0x4  }
0x1e5: {  	v6 =	vmul.f32 v5, v5  }
0x1e6: {  	[tilespmem:s14+$0x0] =	vst.add.f32.msk $0xffff, v5  }
0x1e7: {  	[tilespmem:s7+$0x0] =	vst.add.f32.msk $0xffff, v6  }
0x1e8: {  	v5 =	vld [tilespmem:s1+$0x18C40];
	_ =	sdelay $0x4  }
0x1e9: {  	v6 =	vmul.f32 v5, v5  }
0x1ea: {  	[tilespmem:s10+$0x0] =	vst.add.f32.msk $0xffff, v5  }
0x1eb: {  	[tilespmem:s11+$0x0] =	vst.add.f32.msk $0xffff, v6  }
0x1ec: {  	v5 =	vld [tilespmem:s1+$0x18C50];
	_ =	sdelay $0x4  }
0x1ed: {  	v6 =	vmul.f32 v5, v5  }
0x1ee: {  	[tilespmem:s12+$0x0] =	vst.add.f32.msk $0xffff, v5  }
0x1ef: {  	[tilespmem:s4+$0x0] =	vst.add.f32.msk $0xffff, v6  }
0x1f0: {  	_ =	swait.ge [sflag:s8], $0x2800  }
0x1f1: {  	[sflag:s8] =	ssyncset.done $0x0  }
0x1f2: {  	[sflag:s8] =	ssyncadd.s32 $0xFFFFD800  }
0x1f3: {  	s5 =	simm.s32 $0x18820;
	s9 =	rddreg [dreg:$0x2]  }
0x1f4: {  	[tilespmem:s16], [sflag:$0x1] =	stream.indirect.gather [spmem:s9], $0x80, s5, s17, $0xb8;
	[tilespmem:$0x1DCE0] =	vst v63  }
0x1f5: {  	_ =	swait.ge [sflag:s22], $0x2800  }
0x1f6: {  	[sflag:s22] =	ssyncset.done $0x0  }
0x1f7: {  	s13 =	simm.s32 $0x18A50;
	s15 =	simm.s32 $0x0;
	[sflag:s22] =	ssyncadd.s32 $0xFFFFD800  }
0x1f8: {  	[hbm4b:s3+s17] =	stream.indirect.scatter [tilespmem:s19], [sflag:$0x5], $0x80, s13, s17, $0xb8;
	[tilespmem:$0x1DCE0] =	vst v63  }
0x1f9: {  	v5 =	vld [tilespmem:s15+$0x1B3E0];
	_ =	sdelay $0x4  }
0x1fa: {  	v6 =	vmul.f32 v5, v5  }
0x1fb: {  	[tilespmem:s2+$0x0] =	vst.add.f32.msk $0xffff, v5  }
0x1fc: {  	[tilespmem:s0+$0x0] =	vst.add.f32.msk $0xffff, v6  }
0x1fd: {  	v5 =	vld [tilespmem:s15+$0x1B3F0];
	_ =	sdelay $0x4  }
0x1fe: {  	v6 =	vmul.f32 v5, v5  }
0x1ff: {  	[tilespmem:s18+$0x0] =	vst.add.f32.msk $0xffff, v5  }
0x200: {  	[tilespmem:s24+$0x0] =	vst.add.f32.msk $0xffff, v6  }
0x201: {  	v5 =	vld [tilespmem:s15+$0x1B400];
	_ =	sdelay $0x4  }
0x202: {  	v6 =	vmul.f32 v5, v5  }
0x203: {  	[tilespmem:s25+$0x0] =	vst.add.f32.msk $0xffff, v5  }
0x204: {  	[tilespmem:s26+$0x0] =	vst.add.f32.msk $0xffff, v6  }
0x205: {  	v5 =	vld [tilespmem:s15+$0x1B410];
	_ =	sdelay $0x4  }
0x206: {  	v6 =	vmul.f32 v5, v5  }
0x207: {  	[tilespmem:s28+$0x0] =	vst.add.f32.msk $0xffff, v5  }
0x208: {  	[tilespmem:s29+$0x0] =	vst.add.f32.msk $0xffff, v6  }
0x209: {  	v5 =	vld [tilespmem:s15+$0x1B420];
	_ =	sdelay $0x4  }
0x20a: {  	v6 =	vmul.f32 v5, v5  }
0x20b: {  	[tilespmem:s30+$0x0] =	vst.add.f32.msk $0xffff, v5  }
0x20c: {  	[tilespmem:s31+$0x0] =	vst.add.f32.msk $0xffff, v6  }
0x20d: {  	v5 =	vld [tilespmem:s15+$0x1B430];
	_ =	sdelay $0x4  }
0x20e: {  	v6 =	vmul.f32 v5, v5  }
0x20f: {  	[tilespmem:s14+$0x0] =	vst.add.f32.msk $0xffff, v5  }
0x210: {  	[tilespmem:s7+$0x0] =	vst.add.f32.msk $0xffff, v6  }
0x211: {  	v5 =	vld [tilespmem:s15+$0x1B440];
	_ =	sdelay $0x4  }
0x212: {  	v6 =	vmul.f32 v5, v5  }
0x213: {  	[tilespmem:s10+$0x0] =	vst.add.f32.msk $0xffff, v5  }
0x214: {  	[tilespmem:s11+$0x0] =	vst.add.f32.msk $0xffff, v6  }
0x215: {  	v5 =	vld [tilespmem:s15+$0x1B450];
	_ =	sdelay $0x4  }
0x216: {  	s9 =	simm.s32 $0x200;
	s15 =	simm.s32 $0x400;
	[tilespmem:s12+$0x0] =	vst.add.f32.msk $0xffff, v5;
	v5 =	vmul.f32 v5, v5  }
.LBB2_24:
0x217: {  	p0 =	sne.s32 s15, $0x9E00  }
0x218: {  	s13 =	sshra.s32 s9, $0x2;
	s9 =	smov.u32 s15;
	s15 =	sadd.s32 $0x200, s15;
	[tilespmem:s4+$0x0] =	vst.add.f32.msk $0xffff, v5  }
0x219: {  	v5 =	vld [tilespmem:s13+$0x1B3E0];
	_ =	sdelay $0x4  }
0x21a: {  	v6 =	vmul.f32 v5, v5  }
0x21b: {  	[tilespmem:s2+$0x0] =	vst.add.f32.msk $0xffff, v5  }
0x21c: {  	[tilespmem:s0+$0x0] =	vst.add.f32.msk $0xffff, v6  }
0x21d: {  	v5 =	vld [tilespmem:s13+$0x1B3F0];
	_ =	sdelay $0x4  }
0x21e: {  	v6 =	vmul.f32 v5, v5  }
0x21f: {  	[tilespmem:s18+$0x0] =	vst.add.f32.msk $0xffff, v5  }
0x220: {  	[tilespmem:s24+$0x0] =	vst.add.f32.msk $0xffff, v6  }
0x221: {  	v5 =	vld [tilespmem:s13+$0x1B400];
	_ =	sdelay $0x4  }
0x222: {  	v6 =	vmul.f32 v5, v5  }
0x223: {  	[tilespmem:s25+$0x0] =	vst.add.f32.msk $0xffff, v5  }
0x224: {  	[tilespmem:s26+$0x0] =	vst.add.f32.msk $0xffff, v6  }
0x225: {  	v5 =	vld [tilespmem:s13+$0x1B410];
	_ =	sdelay $0x4  }
0x226: {  	[tilespmem:s28+$0x0] =	vst.add.f32.msk $0xffff, v5;
	v5 =	vmul.f32 v5, v5;
	_ =	sdelay $0x1  }
0x227: {  	[tilespmem:s29+$0x0] =	vst.add.f32.msk $0xffff, v5  }
0x228: {  	v5 =	vld [tilespmem:s13+$0x1B420];
	_ =	sdelay $0x4  }
0x229: {  	[tilespmem:s30+$0x0] =	vst.add.f32.msk $0xffff, v5;
	v5 =	vmul.f32 v5, v5;
	_ =	sdelay $0x1  }
0x22a: {  	[tilespmem:s31+$0x0] =	vst.add.f32.msk $0xffff, v5  }
0x22b: {  	v5 =	vld [tilespmem:s13+$0x1B430];
	_ =	sdelay $0x4  }
0x22c: {  	[tilespmem:s14+$0x0] =	vst.add.f32.msk $0xffff, v5;
	v5 =	vmul.f32 v5, v5;
	_ =	sdelay $0x1  }
0x22d: {  	[tilespmem:s7+$0x0] =	vst.add.f32.msk $0xffff, v5  }
0x22e: {  	v5 =	vld [tilespmem:s13+$0x1B440];
	_ =	sdelay $0x4  }
0x22f: {  	[tilespmem:s10+$0x0] =	vst.add.f32.msk $0xffff, v5;
	v5 =	vmul.f32 v5, v5;
	_ =	sdelay $0x1  }
0x230: {  	[tilespmem:s11+$0x0] =	vst.add.f32.msk $0xffff, v5  }
0x231: {  	v5 =	vld [tilespmem:s13+$0x1B450]  }
.Ltmp13:
0x232: {  	(pc) =	sbr.rel @p0 .LBB2_24-.Ltmp13, $2  }
0x233: {  	_ =	sdelay $0x2  }
0x234: {  	[tilespmem:s12+$0x0] =	vst.add.f32.msk $0xffff, v5;
	v5 =	vmul.f32 v5, v5  }
0x235: {  	_ = 	snop  }
0x236: {  	s1 =	sshra.s32 s9, $0x2;
	[tilespmem:s4+$0x0] =	vst.add.f32.msk $0xffff, v5  }
0x237: {  	v5 =	vld [tilespmem:s1+$0x1B3E0];
	_ =	sdelay $0x4  }
0x238: {  	v6 =	vmul.f32 v5, v5  }
0x239: {  	[tilespmem:s2+$0x0] =	vst.add.f32.msk $0xffff, v5  }
0x23a: {  	[tilespmem:s0+$0x0] =	vst.add.f32.msk $0xffff, v6  }
0x23b: {  	v5 =	vld [tilespmem:s1+$0x1B3F0];
	_ =	sdelay $0x4  }
0x23c: {  	v6 =	vmul.f32 v5, v5  }
0x23d: {  	[tilespmem:s18+$0x0] =	vst.add.f32.msk $0xffff, v5  }
0x23e: {  	[tilespmem:s24+$0x0] =	vst.add.f32.msk $0xffff, v6  }
0x23f: {  	v5 =	vld [tilespmem:s1+$0x1B400];
	_ =	sdelay $0x4  }
0x240: {  	v6 =	vmul.f32 v5, v5  }
0x241: {  	[tilespmem:s25+$0x0] =	vst.add.f32.msk $0xffff, v5  }
0x242: {  	[tilespmem:s26+$0x0] =	vst.add.f32.msk $0xffff, v6  }
0x243: {  	v5 =	vld [tilespmem:s1+$0x1B410];
	_ =	sdelay $0x4  }
0x244: {  	v6 =	vmul.f32 v5, v5  }
0x245: {  	[tilespmem:s28+$0x0] =	vst.add.f32.msk $0xffff, v5  }
0x246: {  	[tilespmem:s29+$0x0] =	vst.add.f32.msk $0xffff, v6  }
0x247: {  	v5 =	vld [tilespmem:s1+$0x1B420];
	_ =	sdelay $0x4  }
0x248: {  	v6 =	vmul.f32 v5, v5  }
0x249: {  	[tilespmem:s30+$0x0] =	vst.add.f32.msk $0xffff, v5  }
0x24a: {  	[tilespmem:s31+$0x0] =	vst.add.f32.msk $0xffff, v6  }
0x24b: {  	v5 =	vld [tilespmem:s1+$0x1B430];
	_ =	sdelay $0x4  }
0x24c: {  	v6 =	vmul.f32 v5, v5  }
0x24d: {  	[tilespmem:s14+$0x0] =	vst.add.f32.msk $0xffff, v5  }
0x24e: {  	[tilespmem:s7+$0x0] =	vst.add.f32.msk $0xffff, v6  }
0x24f: {  	v5 =	vld [tilespmem:s1+$0x1B440];
	_ =	sdelay $0x4  }
0x250: {  	v6 =	vmul.f32 v5, v5  }
0x251: {  	[tilespmem:s10+$0x0] =	vst.add.f32.msk $0xffff, v5  }
0x252: {  	[tilespmem:s11+$0x0] =	vst.add.f32.msk $0xffff, v6  }
0x253: {  	v5 =	vld [tilespmem:s1+$0x1B450];
	_ =	sdelay $0x4  }
0x254: {  	v6 =	vmul.f32 v5, v5  }
0x255: {  	[tilespmem:s12+$0x0] =	vst.add.f32.msk $0xffff, v5  }
0x256: {  	[tilespmem:s4+$0x0] =	vst.add.f32.msk $0xffff, v6  }
0x257: {  	_ =	swait.ge [sflag:s8], $0x2800  }
0x258: {  	[sflag:s8] =	ssyncset.done $0x0  }
0x259: {  	[sflag:s8] =	ssyncadd.s32 $0xFFFFD800  }
0x25a: {  	s5 =	simm.s32 $0x18870;
	s9 =	rddreg [dreg:$0x2]  }
0x25b: {  	[tilespmem:s19], [sflag:$0x2] =	stream.indirect.gather [spmem:s9], $0x80, s5, s17, $0xb8;
	[tilespmem:$0x1DCE0] =	vst v63  }
0x25c: {  	_ =	swait.ge [sflag:s20], $0x2800  }
0x25d: {  	[sflag:s20] =	ssyncset.done $0x0  }
0x25e: {  	s13 =	simm.s32 $0x18AA0;
	s15 =	simm.s32 $0x0;
	[sflag:s20] =	ssyncadd.s32 $0xFFFFD800  }
0x25f: {  	[hbm4b:s3+s17] =	stream.indirect.scatter [tilespmem:s16], [sflag:$0x5], $0x80, s13, s17, $0xb8;
	[tilespmem:$0x1DCE0] =	vst v63  }
0x260: {  	v5 =	vld [tilespmem:s15+$0x18BE0];
	_ =	sdelay $0x4  }
0x261: {  	v6 =	vmul.f32 v5, v5  }
0x262: {  	[tilespmem:s2+$0x0] =	vst.add.f32.msk $0xffff, v5  }
0x263: {  	[tilespmem:s0+$0x0] =	vst.add.f32.msk $0xffff, v6  }
0x264: {  	v5 =	vld [tilespmem:s15+$0x18BF0];
	_ =	sdelay $0x4  }
0x265: {  	v6 =	vmul.f32 v5, v5  }
0x266: {  	[tilespmem:s18+$0x0] =	vst.add.f32.msk $0xffff, v5  }
0x267: {  	[tilespmem:s24+$0x0] =	vst.add.f32.msk $0xffff, v6  }
0x268: {  	v5 =	vld [tilespmem:s15+$0x18C00];
	_ =	sdelay $0x4  }
0x269: {  	v6 =	vmul.f32 v5, v5  }
0x26a: {  	[tilespmem:s25+$0x0] =	vst.add.f32.msk $0xffff, v5  }
0x26b: {  	[tilespmem:s26+$0x0] =	vst.add.f32.msk $0xffff, v6  }
0x26c: {  	v5 =	vld [tilespmem:s15+$0x18C10];
	_ =	sdelay $0x4  }
0x26d: {  	v6 =	vmul.f32 v5, v5  }
0x26e: {  	[tilespmem:s28+$0x0] =	vst.add.f32.msk $0xffff, v5  }
0x26f: {  	[tilespmem:s29+$0x0] =	vst.add.f32.msk $0xffff, v6  }
0x270: {  	v5 =	vld [tilespmem:s15+$0x18C20];
	_ =	sdelay $0x4  }
0x271: {  	v6 =	vmul.f32 v5, v5  }
0x272: {  	[tilespmem:s30+$0x0] =	vst.add.f32.msk $0xffff, v5  }
0x273: {  	[tilespmem:s31+$0x0] =	vst.add.f32.msk $0xffff, v6  }
0x274: {  	v5 =	vld [tilespmem:s15+$0x18C30];
	_ =	sdelay $0x4  }
0x275: {  	v6 =	vmul.f32 v5, v5  }
0x276: {  	[tilespmem:s14+$0x0] =	vst.add.f32.msk $0xffff, v5  }
0x277: {  	[tilespmem:s7+$0x0] =	vst.add.f32.msk $0xffff, v6  }
0x278: {  	v5 =	vld [tilespmem:s15+$0x18C40];
	_ =	sdelay $0x4  }
0x279: {  	v6 =	vmul.f32 v5, v5  }
0x27a: {  	[tilespmem:s10+$0x0] =	vst.add.f32.msk $0xffff, v5  }
0x27b: {  	[tilespmem:s11+$0x0] =	vst.add.f32.msk $0xffff, v6  }
0x27c: {  	v5 =	vld [tilespmem:s15+$0x18C50];
	_ =	sdelay $0x4  }
0x27d: {  	s9 =	simm.s32 $0x200;
	s15 =	simm.s32 $0x400;
	[tilespmem:s12+$0x0] =	vst.add.f32.msk $0xffff, v5;
	v5 =	vmul.f32 v5, v5  }
.LBB2_26:
0x27e: {  	p0 =	sne.s32 s15, $0x9E00  }
0x27f: {  	s13 =	sshra.s32 s9, $0x2;
	s9 =	smov.u32 s15;
	s15 =	sadd.s32 $0x200, s15;
	[tilespmem:s4+$0x0] =	vst.add.f32.msk $0xffff, v5  }
0x280: {  	v5 =	vld [tilespmem:s13+$0x18BE0];
	_ =	sdelay $0x4  }
0x281: {  	v6 =	vmul.f32 v5, v5  }
0x282: {  	[tilespmem:s2+$0x0] =	vst.add.f32.msk $0xffff, v5  }
0x283: {  	[tilespmem:s0+$0x0] =	vst.add.f32.msk $0xffff, v6  }
0x284: {  	v5 =	vld [tilespmem:s13+$0x18BF0];
	_ =	sdelay $0x4  }
0x285: {  	v6 =	vmul.f32 v5, v5  }
0x286: {  	[tilespmem:s18+$0x0] =	vst.add.f32.msk $0xffff, v5  }
0x287: {  	[tilespmem:s24+$0x0] =	vst.add.f32.msk $0xffff, v6  }
0x288: {  	v5 =	vld [tilespmem:s13+$0x18C00];
	_ =	sdelay $0x4  }
0x289: {  	v6 =	vmul.f32 v5, v5  }
0x28a: {  	[tilespmem:s25+$0x0] =	vst.add.f32.msk $0xffff, v5  }
0x28b: {  	[tilespmem:s26+$0x0] =	vst.add.f32.msk $0xffff, v6  }
0x28c: {  	v5 =	vld [tilespmem:s13+$0x18C10];
	_ =	sdelay $0x4  }
0x28d: {  	[tilespmem:s28+$0x0] =	vst.add.f32.msk $0xffff, v5;
	v5 =	vmul.f32 v5, v5;
	_ =	sdelay $0x1  }
0x28e: {  	[tilespmem:s29+$0x0] =	vst.add.f32.msk $0xffff, v5  }
0x28f: {  	v5 =	vld [tilespmem:s13+$0x18C20];
	_ =	sdelay $0x4  }
0x290: {  	[tilespmem:s30+$0x0] =	vst.add.f32.msk $0xffff, v5;
	v5 =	vmul.f32 v5, v5;
	_ =	sdelay $0x1  }
0x291: {  	[tilespmem:s31+$0x0] =	vst.add.f32.msk $0xffff, v5  }
0x292: {  	v5 =	vld [tilespmem:s13+$0x18C30];
	_ =	sdelay $0x4  }
0x293: {  	[tilespmem:s14+$0x0] =	vst.add.f32.msk $0xffff, v5;
	v5 =	vmul.f32 v5, v5;
	_ =	sdelay $0x1  }
0x294: {  	[tilespmem:s7+$0x0] =	vst.add.f32.msk $0xffff, v5  }
0x295: {  	v5 =	vld [tilespmem:s13+$0x18C40];
	_ =	sdelay $0x4  }
0x296: {  	[tilespmem:s10+$0x0] =	vst.add.f32.msk $0xffff, v5;
	v5 =	vmul.f32 v5, v5;
	_ =	sdelay $0x1  }
0x297: {  	[tilespmem:s11+$0x0] =	vst.add.f32.msk $0xffff, v5  }
0x298: {  	v5 =	vld [tilespmem:s13+$0x18C50]  }
.Ltmp14:
0x299: {  	(pc) =	sbr.rel @p0 .LBB2_26-.Ltmp14, $2  }
0x29a: {  	_ =	sdelay $0x2  }
0x29b: {  	[tilespmem:s12+$0x0] =	vst.add.f32.msk $0xffff, v5;
	v5 =	vmul.f32 v5, v5  }
0x29c: {  	_ = 	snop  }
0x29d: {  	s1 =	sshra.s32 s9, $0x2;
	[tilespmem:s4+$0x0] =	vst.add.f32.msk $0xffff, v5  }
0x29e: {  	v5 =	vld [tilespmem:s1+$0x18BE0];
	_ =	sdelay $0x4  }
0x29f: {  	v6 =	vmul.f32 v5, v5  }
0x2a0: {  	[tilespmem:s2+$0x0] =	vst.add.f32.msk $0xffff, v5  }
0x2a1: {  	[tilespmem:s0+$0x0] =	vst.add.f32.msk $0xffff, v6  }
0x2a2: {  	v5 =	vld [tilespmem:s1+$0x18BF0];
	_ =	sdelay $0x4  }
0x2a3: {  	v6 =	vmul.f32 v5, v5  }
0x2a4: {  	[tilespmem:s18+$0x0] =	vst.add.f32.msk $0xffff, v5  }
0x2a5: {  	[tilespmem:s24+$0x0] =	vst.add.f32.msk $0xffff, v6  }
0x2a6: {  	v5 =	vld [tilespmem:s1+$0x18C00];
	_ =	sdelay $0x4  }
0x2a7: {  	v6 =	vmul.f32 v5, v5  }
0x2a8: {  	[tilespmem:s25+$0x0] =	vst.add.f32.msk $0xffff, v5  }
0x2a9: {  	[tilespmem:s26+$0x0] =	vst.add.f32.msk $0xffff, v6  }
0x2aa: {  	v5 =	vld [tilespmem:s1+$0x18C10];
	_ =	sdelay $0x4  }
0x2ab: {  	v6 =	vmul.f32 v5, v5  }
0x2ac: {  	[tilespmem:s28+$0x0] =	vst.add.f32.msk $0xffff, v5  }
0x2ad: {  	[tilespmem:s29+$0x0] =	vst.add.f32.msk $0xffff, v6  }
0x2ae: {  	v5 =	vld [tilespmem:s1+$0x18C20];
	_ =	sdelay $0x4  }
0x2af: {  	v6 =	vmul.f32 v5, v5  }
0x2b0: {  	[tilespmem:s30+$0x0] =	vst.add.f32.msk $0xffff, v5  }
0x2b1: {  	[tilespmem:s31+$0x0] =	vst.add.f32.msk $0xffff, v6  }
0x2b2: {  	v5 =	vld [tilespmem:s1+$0x18C30];
	_ =	sdelay $0x4  }
0x2b3: {  	v6 =	vmul.f32 v5, v5  }
0x2b4: {  	[tilespmem:s14+$0x0] =	vst.add.f32.msk $0xffff, v5  }
0x2b5: {  	[tilespmem:s7+$0x0] =	vst.add.f32.msk $0xffff, v6  }
0x2b6: {  	v5 =	vld [tilespmem:s1+$0x18C40];
	_ =	sdelay $0x4  }
0x2b7: {  	v6 =	vmul.f32 v5, v5  }
0x2b8: {  	[tilespmem:s10+$0x0] =	vst.add.f32.msk $0xffff, v5  }
0x2b9: {  	[tilespmem:s11+$0x0] =	vst.add.f32.msk $0xffff, v6  }
0x2ba: {  	v5 =	vld [tilespmem:s1+$0x18C50];
	_ =	sdelay $0x4  }
0x2bb: {  	v6 =	vmul.f32 v5, v5  }
0x2bc: {  	[tilespmem:s12+$0x0] =	vst.add.f32.msk $0xffff, v5  }
0x2bd: {  	[tilespmem:s4+$0x0] =	vst.add.f32.msk $0xffff, v6  }
0x2be: {  	_ =	swait.ge [sflag:s8], $0x2800  }
0x2bf: {  	[sflag:s8] =	ssyncset.done $0x0  }
0x2c0: {  	[sflag:s8] =	ssyncadd.s32 $0xFFFFD800  }
0x2c1: {  	s5 =	simm.s32 $0x188C0;
	s9 =	rddreg [dreg:$0x2]  }
0x2c2: {  	[tilespmem:s16], [sflag:$0x1] =	stream.indirect.gather [spmem:s9], $0x80, s5, s17, $0xb8;
	[tilespmem:$0x1DCE0] =	vst v63  }
0x2c3: {  	_ =	swait.ge [sflag:s22], $0x2800  }
0x2c4: {  	[sflag:s22] =	ssyncset.done $0x0  }
0x2c5: {  	s13 =	simm.s32 $0x18AF0;
	s15 =	simm.s32 $0x0;
	[sflag:s22] =	ssyncadd.s32 $0xFFFFD800  }
0x2c6: {  	[hbm4b:s3+s17] =	stream.indirect.scatter [tilespmem:s19], [sflag:$0x5], $0x80, s13, s17, $0xb8;
	[tilespmem:$0x1DCE0] =	vst v63  }
0x2c7: {  	v5 =	vld [tilespmem:s15+$0x1B3E0];
	_ =	sdelay $0x4  }
0x2c8: {  	v6 =	vmul.f32 v5, v5  }
0x2c9: {  	[tilespmem:s2+$0x0] =	vst.add.f32.msk $0xffff, v5  }
0x2ca: {  	[tilespmem:s0+$0x0] =	vst.add.f32.msk $0xffff, v6  }
0x2cb: {  	v5 =	vld [tilespmem:s15+$0x1B3F0];
	_ =	sdelay $0x4  }
0x2cc: {  	v6 =	vmul.f32 v5, v5  }
0x2cd: {  	[tilespmem:s18+$0x0] =	vst.add.f32.msk $0xffff, v5  }
0x2ce: {  	[tilespmem:s24+$0x0] =	vst.add.f32.msk $0xffff, v6  }
0x2cf: {  	v5 =	vld [tilespmem:s15+$0x1B400];
	_ =	sdelay $0x4  }
0x2d0: {  	v6 =	vmul.f32 v5, v5  }
0x2d1: {  	[tilespmem:s25+$0x0] =	vst.add.f32.msk $0xffff, v5  }
0x2d2: {  	[tilespmem:s26+$0x0] =	vst.add.f32.msk $0xffff, v6  }
0x2d3: {  	v5 =	vld [tilespmem:s15+$0x1B410];
	_ =	sdelay $0x4  }
0x2d4: {  	v6 =	vmul.f32 v5, v5  }
0x2d5: {  	[tilespmem:s28+$0x0] =	vst.add.f32.msk $0xffff, v5  }
0x2d6: {  	[tilespmem:s29+$0x0] =	vst.add.f32.msk $0xffff, v6  }
0x2d7: {  	v5 =	vld [tilespmem:s15+$0x1B420];
	_ =	sdelay $0x4  }
0x2d8: {  	v6 =	vmul.f32 v5, v5  }
0x2d9: {  	[tilespmem:s30+$0x0] =	vst.add.f32.msk $0xffff, v5  }
0x2da: {  	[tilespmem:s31+$0x0] =	vst.add.f32.msk $0xffff, v6  }
0x2db: {  	v5 =	vld [tilespmem:s15+$0x1B430];
	_ =	sdelay $0x4  }
0x2dc: {  	v6 =	vmul.f32 v5, v5  }
0x2dd: {  	[tilespmem:s14+$0x0] =	vst.add.f32.msk $0xffff, v5  }
0x2de: {  	[tilespmem:s7+$0x0] =	vst.add.f32.msk $0xffff, v6  }
0x2df: {  	v5 =	vld [tilespmem:s15+$0x1B440];
	_ =	sdelay $0x4  }
0x2e0: {  	v6 =	vmul.f32 v5, v5  }
0x2e1: {  	[tilespmem:s10+$0x0] =	vst.add.f32.msk $0xffff, v5  }
0x2e2: {  	[tilespmem:s11+$0x0] =	vst.add.f32.msk $0xffff, v6  }
0x2e3: {  	v5 =	vld [tilespmem:s15+$0x1B450];
	_ =	sdelay $0x4  }
0x2e4: {  	s9 =	simm.s32 $0x200;
	s15 =	simm.s32 $0x400;
	[tilespmem:s12+$0x0] =	vst.add.f32.msk $0xffff, v5;
	v5 =	vmul.f32 v5, v5  }
.LBB2_28:
0x2e5: {  	p0 =	sne.s32 s15, $0x9E00  }
0x2e6: {  	s13 =	sshra.s32 s9, $0x2;
	s9 =	smov.u32 s15;
	s15 =	sadd.s32 $0x200, s15;
	[tilespmem:s4+$0x0] =	vst.add.f32.msk $0xffff, v5  }
0x2e7: {  	v5 =	vld [tilespmem:s13+$0x1B3E0];
	_ =	sdelay $0x4  }
0x2e8: {  	v6 =	vmul.f32 v5, v5  }
0x2e9: {  	[tilespmem:s2+$0x0] =	vst.add.f32.msk $0xffff, v5  }
0x2ea: {  	[tilespmem:s0+$0x0] =	vst.add.f32.msk $0xffff, v6  }
0x2eb: {  	v5 =	vld [tilespmem:s13+$0x1B3F0];
	_ =	sdelay $0x4  }
0x2ec: {  	v6 =	vmul.f32 v5, v5  }
0x2ed: {  	[tilespmem:s18+$0x0] =	vst.add.f32.msk $0xffff, v5  }
0x2ee: {  	[tilespmem:s24+$0x0] =	vst.add.f32.msk $0xffff, v6  }
0x2ef: {  	v5 =	vld [tilespmem:s13+$0x1B400];
	_ =	sdelay $0x4  }
0x2f0: {  	v6 =	vmul.f32 v5, v5  }
0x2f1: {  	[tilespmem:s25+$0x0] =	vst.add.f32.msk $0xffff, v5  }
0x2f2: {  	[tilespmem:s26+$0x0] =	vst.add.f32.msk $0xffff, v6  }
0x2f3: {  	v5 =	vld [tilespmem:s13+$0x1B410];
	_ =	sdelay $0x4  }
0x2f4: {  	[tilespmem:s28+$0x0] =	vst.add.f32.msk $0xffff, v5;
	v5 =	vmul.f32 v5, v5;
	_ =	sdelay $0x1  }
0x2f5: {  	[tilespmem:s29+$0x0] =	vst.add.f32.msk $0xffff, v5  }
0x2f6: {  	v5 =	vld [tilespmem:s13+$0x1B420];
	_ =	sdelay $0x4  }
0x2f7: {  	[tilespmem:s30+$0x0] =	vst.add.f32.msk $0xffff, v5;
	v5 =	vmul.f32 v5, v5;
	_ =	sdelay $0x1  }
0x2f8: {  	[tilespmem:s31+$0x0] =	vst.add.f32.msk $0xffff, v5  }
0x2f9: {  	v5 =	vld [tilespmem:s13+$0x1B430];
	_ =	sdelay $0x4  }
0x2fa: {  	[tilespmem:s14+$0x0] =	vst.add.f32.msk $0xffff, v5;
	v5 =	vmul.f32 v5, v5;
	_ =	sdelay $0x1  }
0x2fb: {  	[tilespmem:s7+$0x0] =	vst.add.f32.msk $0xffff, v5  }
0x2fc: {  	v5 =	vld [tilespmem:s13+$0x1B440];
	_ =	sdelay $0x4  }
0x2fd: {  	[tilespmem:s10+$0x0] =	vst.add.f32.msk $0xffff, v5;
	v5 =	vmul.f32 v5, v5;
	_ =	sdelay $0x1  }
0x2fe: {  	[tilespmem:s11+$0x0] =	vst.add.f32.msk $0xffff, v5  }
0x2ff: {  	v5 =	vld [tilespmem:s13+$0x1B450]  }
.Ltmp15:
0x300: {  	(pc) =	sbr.rel @p0 .LBB2_28-.Ltmp15, $2  }
0x301: {  	_ =	sdelay $0x2  }
0x302: {  	[tilespmem:s12+$0x0] =	vst.add.f32.msk $0xffff, v5;
	v5 =	vmul.f32 v5, v5  }
0x303: {  	_ = 	snop  }
0x304: {  	s1 =	sshra.s32 s9, $0x2;
	[tilespmem:s4+$0x0] =	vst.add.f32.msk $0xffff, v5  }
0x305: {  	v5 =	vld [tilespmem:s1+$0x1B3E0];
	_ =	sdelay $0x4  }
0x306: {  	v6 =	vmul.f32 v5, v5  }
0x307: {  	[tilespmem:s2+$0x0] =	vst.add.f32.msk $0xffff, v5  }
0x308: {  	[tilespmem:s0+$0x0] =	vst.add.f32.msk $0xffff, v6  }
0x309: {  	v5 =	vld [tilespmem:s1+$0x1B3F0];
	_ =	sdelay $0x4  }
0x30a: {  	v6 =	vmul.f32 v5, v5  }
0x30b: {  	[tilespmem:s18+$0x0] =	vst.add.f32.msk $0xffff, v5  }
0x30c: {  	[tilespmem:s24+$0x0] =	vst.add.f32.msk $0xffff, v6  }
0x30d: {  	v5 =	vld [tilespmem:s1+$0x1B400];
	_ =	sdelay $0x4  }
0x30e: {  	v6 =	vmul.f32 v5, v5  }
0x30f: {  	[tilespmem:s25+$0x0] =	vst.add.f32.msk $0xffff, v5  }
0x310: {  	[tilespmem:s26+$0x0] =	vst.add.f32.msk $0xffff, v6  }
0x311: {  	v5 =	vld [tilespmem:s1+$0x1B410];
	_ =	sdelay $0x4  }
0x312: {  	v6 =	vmul.f32 v5, v5  }
0x313: {  	[tilespmem:s28+$0x0] =	vst.add.f32.msk $0xffff, v5  }
0x314: {  	[tilespmem:s29+$0x0] =	vst.add.f32.msk $0xffff, v6  }
0x315: {  	v5 =	vld [tilespmem:s1+$0x1B420];
	_ =	sdelay $0x4  }
0x316: {  	v6 =	vmul.f32 v5, v5  }
0x317: {  	[tilespmem:s30+$0x0] =	vst.add.f32.msk $0xffff, v5  }
0x318: {  	[tilespmem:s31+$0x0] =	vst.add.f32.msk $0xffff, v6  }
0x319: {  	v5 =	vld [tilespmem:s1+$0x1B430];
	_ =	sdelay $0x4  }
0x31a: {  	v6 =	vmul.f32 v5, v5  }
0x31b: {  	[tilespmem:s14+$0x0] =	vst.add.f32.msk $0xffff, v5  }
0x31c: {  	[tilespmem:s7+$0x0] =	vst.add.f32.msk $0xffff, v6  }
0x31d: {  	v5 =	vld [tilespmem:s1+$0x1B440];
	_ =	sdelay $0x4  }
0x31e: {  	v6 =	vmul.f32 v5, v5  }
0x31f: {  	[tilespmem:s10+$0x0] =	vst.add.f32.msk $0xffff, v5  }
0x320: {  	[tilespmem:s11+$0x0] =	vst.add.f32.msk $0xffff, v6  }
0x321: {  	v5 =	vld [tilespmem:s1+$0x1B450];
	_ =	sdelay $0x4  }
0x322: {  	v6 =	vmul.f32 v5, v5  }
0x323: {  	[tilespmem:s12+$0x0] =	vst.add.f32.msk $0xffff, v5  }
0x324: {  	[tilespmem:s4+$0x0] =	vst.add.f32.msk $0xffff, v6  }
0x325: {  	_ =	swait.ge [sflag:s8], $0x2800  }
0x326: {  	[sflag:s8] =	ssyncset.done $0x0  }
0x327: {  	[sflag:s8] =	ssyncadd.s32 $0xFFFFD800  }
0x328: {  	s5 =	simm.s32 $0x18910;
	s9 =	rddreg [dreg:$0x2]  }
0x329: {  	[tilespmem:s19], [sflag:$0x2] =	stream.indirect.gather [spmem:s9], $0x80, s5, s17, $0xb8;
	[tilespmem:$0x1DCE0] =	vst v63  }
0x32a: {  	_ =	swait.ge [sflag:s20], $0x2800  }
0x32b: {  	[sflag:s20] =	ssyncset.done $0x0  }
0x32c: {  	s13 =	simm.s32 $0x18B40;
	s15 =	simm.s32 $0x0;
	[sflag:s20] =	ssyncadd.s32 $0xFFFFD800  }
0x32d: {  	[hbm4b:s3+s17] =	stream.indirect.scatter [tilespmem:s16], [sflag:$0x5], $0x80, s13, s17, $0xb8;
	[tilespmem:$0x1DCE0] =	vst v63  }
0x32e: {  	v5 =	vld [tilespmem:s15+$0x18BE0];
	_ =	sdelay $0x4  }
0x32f: {  	v6 =	vmul.f32 v5, v5  }
0x330: {  	[tilespmem:s2+$0x0] =	vst.add.f32.msk $0xffff, v5  }
0x331: {  	[tilespmem:s0+$0x0] =	vst.add.f32.msk $0xffff, v6  }
0x332: {  	v5 =	vld [tilespmem:s15+$0x18BF0];
	_ =	sdelay $0x4  }
0x333: {  	v6 =	vmul.f32 v5, v5  }
0x334: {  	[tilespmem:s18+$0x0] =	vst.add.f32.msk $0xffff, v5  }
0x335: {  	[tilespmem:s24+$0x0] =	vst.add.f32.msk $0xffff, v6  }
0x336: {  	v5 =	vld [tilespmem:s15+$0x18C00];
	_ =	sdelay $0x4  }
0x337: {  	v6 =	vmul.f32 v5, v5  }
0x338: {  	[tilespmem:s25+$0x0] =	vst.add.f32.msk $0xffff, v5  }
0x339: {  	[tilespmem:s26+$0x0] =	vst.add.f32.msk $0xffff, v6  }
0x33a: {  	v5 =	vld [tilespmem:s15+$0x18C10];
	_ =	sdelay $0x4  }
0x33b: {  	v6 =	vmul.f32 v5, v5  }
0x33c: {  	[tilespmem:s28+$0x0] =	vst.add.f32.msk $0xffff, v5  }
0x33d: {  	[tilespmem:s29+$0x0] =	vst.add.f32.msk $0xffff, v6  }
0x33e: {  	v5 =	vld [tilespmem:s15+$0x18C20];
	_ =	sdelay $0x4  }
0x33f: {  	v6 =	vmul.f32 v5, v5  }
0x340: {  	[tilespmem:s30+$0x0] =	vst.add.f32.msk $0xffff, v5  }
0x341: {  	[tilespmem:s31+$0x0] =	vst.add.f32.msk $0xffff, v6  }
0x342: {  	v5 =	vld [tilespmem:s15+$0x18C30];
	_ =	sdelay $0x4  }
0x343: {  	v6 =	vmul.f32 v5, v5  }
0x344: {  	[tilespmem:s14+$0x0] =	vst.add.f32.msk $0xffff, v5  }
0x345: {  	[tilespmem:s7+$0x0] =	vst.add.f32.msk $0xffff, v6  }
0x346: {  	v5 =	vld [tilespmem:s15+$0x18C40];
	_ =	sdelay $0x4  }
0x347: {  	v6 =	vmul.f32 v5, v5  }
0x348: {  	[tilespmem:s10+$0x0] =	vst.add.f32.msk $0xffff, v5  }
0x349: {  	[tilespmem:s11+$0x0] =	vst.add.f32.msk $0xffff, v6  }
0x34a: {  	v5 =	vld [tilespmem:s15+$0x18C50];
	_ =	sdelay $0x4  }
0x34b: {  	s9 =	simm.s32 $0x200;
	s15 =	simm.s32 $0x400;
	[tilespmem:s12+$0x0] =	vst.add.f32.msk $0xffff, v5;
	v5 =	vmul.f32 v5, v5  }
.LBB2_30:
0x34c: {  	p0 =	sne.s32 s15, $0x9E00  }
0x34d: {  	s13 =	sshra.s32 s9, $0x2;
	s9 =	smov.u32 s15;
	s15 =	sadd.s32 $0x200, s15;
	[tilespmem:s4+$0x0] =	vst.add.f32.msk $0xffff, v5  }
0x34e: {  	v5 =	vld [tilespmem:s13+$0x18BE0];
	_ =	sdelay $0x4  }
0x34f: {  	v6 =	vmul.f32 v5, v5  }
0x350: {  	[tilespmem:s2+$0x0] =	vst.add.f32.msk $0xffff, v5  }
0x351: {  	[tilespmem:s0+$0x0] =	vst.add.f32.msk $0xffff, v6  }
0x352: {  	v5 =	vld [tilespmem:s13+$0x18BF0];
	_ =	sdelay $0x4  }
0x353: {  	v6 =	vmul.f32 v5, v5  }
0x354: {  	[tilespmem:s18+$0x0] =	vst.add.f32.msk $0xffff, v5  }
0x355: {  	[tilespmem:s24+$0x0] =	vst.add.f32.msk $0xffff, v6  }
0x356: {  	v5 =	vld [tilespmem:s13+$0x18C00];
	_ =	sdelay $0x4  }
0x357: {  	v6 =	vmul.f32 v5, v5  }
0x358: {  	[tilespmem:s25+$0x0] =	vst.add.f32.msk $0xffff, v5  }
0x359: {  	[tilespmem:s26+$0x0] =	vst.add.f32.msk $0xffff, v6  }
0x35a: {  	v5 =	vld [tilespmem:s13+$0x18C10];
	_ =	sdelay $0x4  }
0x35b: {  	[tilespmem:s28+$0x0] =	vst.add.f32.msk $0xffff, v5;
	v5 =	vmul.f32 v5, v5;
	_ =	sdelay $0x1  }
0x35c: {  	[tilespmem:s29+$0x0] =	vst.add.f32.msk $0xffff, v5  }
0x35d: {  	v5 =	vld [tilespmem:s13+$0x18C20];
	_ =	sdelay $0x4  }
0x35e: {  	[tilespmem:s30+$0x0] =	vst.add.f32.msk $0xffff, v5;
	v5 =	vmul.f32 v5, v5;
	_ =	sdelay $0x1  }
0x35f: {  	[tilespmem:s31+$0x0] =	vst.add.f32.msk $0xffff, v5  }
0x360: {  	v5 =	vld [tilespmem:s13+$0x18C30];
	_ =	sdelay $0x4  }
0x361: {  	[tilespmem:s14+$0x0] =	vst.add.f32.msk $0xffff, v5;
	v5 =	vmul.f32 v5, v5;
	_ =	sdelay $0x1  }
0x362: {  	[tilespmem:s7+$0x0] =	vst.add.f32.msk $0xffff, v5  }
0x363: {  	v5 =	vld [tilespmem:s13+$0x18C40];
	_ =	sdelay $0x4  }
0x364: {  	[tilespmem:s10+$0x0] =	vst.add.f32.msk $0xffff, v5;
	v5 =	vmul.f32 v5, v5;
	_ =	sdelay $0x1  }
0x365: {  	[tilespmem:s11+$0x0] =	vst.add.f32.msk $0xffff, v5  }
0x366: {  	v5 =	vld [tilespmem:s13+$0x18C50]  }
.Ltmp16:
0x367: {  	(pc) =	sbr.rel @p0 .LBB2_30-.Ltmp16, $2  }
0x368: {  	_ =	sdelay $0x2  }
0x369: {  	[tilespmem:s12+$0x0] =	vst.add.f32.msk $0xffff, v5;
	v5 =	vmul.f32 v5, v5  }
0x36a: {  	_ = 	snop  }
0x36b: {  	s1 =	sshra.s32 s9, $0x2;
	[tilespmem:s4+$0x0] =	vst.add.f32.msk $0xffff, v5  }
0x36c: {  	v5 =	vld [tilespmem:s1+$0x18BE0];
	_ =	sdelay $0x4  }
0x36d: {  	v6 =	vmul.f32 v5, v5  }
0x36e: {  	[tilespmem:s2+$0x0] =	vst.add.f32.msk $0xffff, v5  }
0x36f: {  	[tilespmem:s0+$0x0] =	vst.add.f32.msk $0xffff, v6  }
0x370: {  	v5 =	vld [tilespmem:s1+$0x18BF0];
	_ =	sdelay $0x4  }
0x371: {  	v6 =	vmul.f32 v5, v5  }
0x372: {  	[tilespmem:s18+$0x0] =	vst.add.f32.msk $0xffff, v5  }
0x373: {  	[tilespmem:s24+$0x0] =	vst.add.f32.msk $0xffff, v6  }
0x374: {  	v5 =	vld [tilespmem:s1+$0x18C00];
	_ =	sdelay $0x4  }
0x375: {  	v6 =	vmul.f32 v5, v5  }
0x376: {  	[tilespmem:s25+$0x0] =	vst.add.f32.msk $0xffff, v5  }
0x377: {  	[tilespmem:s26+$0x0] =	vst.add.f32.msk $0xffff, v6  }
0x378: {  	v5 =	vld [tilespmem:s1+$0x18C10];
	_ =	sdelay $0x4  }
0x379: {  	v6 =	vmul.f32 v5, v5  }
0x37a: {  	[tilespmem:s28+$0x0] =	vst.add.f32.msk $0xffff, v5  }
0x37b: {  	[tilespmem:s29+$0x0] =	vst.add.f32.msk $0xffff, v6  }
0x37c: {  	v5 =	vld [tilespmem:s1+$0x18C20];
	_ =	sdelay $0x4  }
0x37d: {  	v6 =	vmul.f32 v5, v5  }
0x37e: {  	[tilespmem:s30+$0x0] =	vst.add.f32.msk $0xffff, v5  }
0x37f: {  	[tilespmem:s31+$0x0] =	vst.add.f32.msk $0xffff, v6  }
0x380: {  	v5 =	vld [tilespmem:s1+$0x18C30];
	_ =	sdelay $0x4  }
0x381: {  	v6 =	vmul.f32 v5, v5  }
0x382: {  	[tilespmem:s14+$0x0] =	vst.add.f32.msk $0xffff, v5  }
0x383: {  	[tilespmem:s7+$0x0] =	vst.add.f32.msk $0xffff, v6  }
0x384: {  	v5 =	vld [tilespmem:s1+$0x18C40];
	_ =	sdelay $0x4  }
0x385: {  	v6 =	vmul.f32 v5, v5  }
0x386: {  	[tilespmem:s10+$0x0] =	vst.add.f32.msk $0xffff, v5  }
0x387: {  	[tilespmem:s11+$0x0] =	vst.add.f32.msk $0xffff, v6  }
0x388: {  	v5 =	vld [tilespmem:s1+$0x18C50];
	_ =	sdelay $0x4  }
0x389: {  	v6 =	vmul.f32 v5, v5  }
0x38a: {  	[tilespmem:s12+$0x0] =	vst.add.f32.msk $0xffff, v5  }
0x38b: {  	[tilespmem:s4+$0x0] =	vst.add.f32.msk $0xffff, v6  }
0x38c: {  	_ =	swait.ge [sflag:s8], $0x2800  }
0x38d: {  	[sflag:s8] =	ssyncset.done $0x0  }
0x38e: {  	[sflag:s8] =	ssyncadd.s32 $0xFFFFD800  }
0x38f: {  	_ =	swait.ge [sflag:s22], $0x2800  }
0x390: {  	[sflag:s22] =	ssyncset.done $0x0  }
0x391: {  	s13 =	simm.s32 $0x18B90;
	s15 =	simm.s32 $0x0;
	[sflag:s22] =	ssyncadd.s32 $0xFFFFD800  }
0x392: {  	[hbm4b:s3+s17] =	stream.indirect.scatter [tilespmem:s19], [sflag:$0x5], $0x80, s13, s17, $0xb8;
	[tilespmem:$0x1DCE0] =	vst v63  }
0x393: {  	v5 =	vld [tilespmem:s15+$0x1B3E0];
	_ =	sdelay $0x4  }
0x394: {  	v6 =	vmul.f32 v5, v5  }
0x395: {  	[tilespmem:s2+$0x0] =	vst.add.f32.msk $0xffff, v5  }
0x396: {  	[tilespmem:s0+$0x0] =	vst.add.f32.msk $0xffff, v6  }
0x397: {  	v5 =	vld [tilespmem:s15+$0x1B3F0];
	_ =	sdelay $0x4  }
0x398: {  	v6 =	vmul.f32 v5, v5  }
0x399: {  	[tilespmem:s18+$0x0] =	vst.add.f32.msk $0xffff, v5  }
0x39a: {  	[tilespmem:s24+$0x0] =	vst.add.f32.msk $0xffff, v6  }
0x39b: {  	v5 =	vld [tilespmem:s15+$0x1B400];
	_ =	sdelay $0x4  }
0x39c: {  	v6 =	vmul.f32 v5, v5  }
0x39d: {  	[tilespmem:s25+$0x0] =	vst.add.f32.msk $0xffff, v5  }
0x39e: {  	[tilespmem:s26+$0x0] =	vst.add.f32.msk $0xffff, v6  }
0x39f: {  	v5 =	vld [tilespmem:s15+$0x1B410];
	_ =	sdelay $0x4  }
0x3a0: {  	v6 =	vmul.f32 v5, v5  }
0x3a1: {  	[tilespmem:s28+$0x0] =	vst.add.f32.msk $0xffff, v5  }
0x3a2: {  	[tilespmem:s29+$0x0] =	vst.add.f32.msk $0xffff, v6  }
0x3a3: {  	v5 =	vld [tilespmem:s15+$0x1B420];
	_ =	sdelay $0x4  }
0x3a4: {  	v6 =	vmul.f32 v5, v5  }
0x3a5: {  	[tilespmem:s30+$0x0] =	vst.add.f32.msk $0xffff, v5  }
0x3a6: {  	[tilespmem:s31+$0x0] =	vst.add.f32.msk $0xffff, v6  }
0x3a7: {  	v5 =	vld [tilespmem:s15+$0x1B430];
	_ =	sdelay $0x4  }
0x3a8: {  	v6 =	vmul.f32 v5, v5  }
0x3a9: {  	[tilespmem:s14+$0x0] =	vst.add.f32.msk $0xffff, v5  }
0x3aa: {  	[tilespmem:s7+$0x0] =	vst.add.f32.msk $0xffff, v6  }
0x3ab: {  	v5 =	vld [tilespmem:s15+$0x1B440];
	_ =	sdelay $0x4  }
0x3ac: {  	v6 =	vmul.f32 v5, v5  }
0x3ad: {  	[tilespmem:s10+$0x0] =	vst.add.f32.msk $0xffff, v5  }
0x3ae: {  	[tilespmem:s11+$0x0] =	vst.add.f32.msk $0xffff, v6  }
0x3af: {  	v5 =	vld [tilespmem:s15+$0x1B450];
	_ =	sdelay $0x4  }
0x3b0: {  	s9 =	simm.s32 $0x200;
	s15 =	simm.s32 $0x400;
	[tilespmem:s12+$0x0] =	vst.add.f32.msk $0xffff, v5;
	v5 =	vmul.f32 v5, v5  }
.LBB2_32:
0x3b1: {  	p0 =	sne.s32 s15, $0x8000  }
0x3b2: {  	s13 =	sshra.s32 s9, $0x2;
	s9 =	smov.u32 s15;
	s15 =	sadd.s32 $0x200, s15;
	[tilespmem:s4+$0x0] =	vst.add.f32.msk $0xffff, v5  }
0x3b3: {  	v5 =	vld [tilespmem:s13+$0x1B3E0];
	_ =	sdelay $0x4  }
0x3b4: {  	v6 =	vmul.f32 v5, v5  }
0x3b5: {  	[tilespmem:s2+$0x0] =	vst.add.f32.msk $0xffff, v5  }
0x3b6: {  	[tilespmem:s0+$0x0] =	vst.add.f32.msk $0xffff, v6  }
0x3b7: {  	v5 =	vld [tilespmem:s13+$0x1B3F0];
	_ =	sdelay $0x4  }
0x3b8: {  	v6 =	vmul.f32 v5, v5  }
0x3b9: {  	[tilespmem:s18+$0x0] =	vst.add.f32.msk $0xffff, v5  }
0x3ba: {  	[tilespmem:s24+$0x0] =	vst.add.f32.msk $0xffff, v6  }
0x3bb: {  	v5 =	vld [tilespmem:s13+$0x1B400];
	_ =	sdelay $0x4  }
0x3bc: {  	v6 =	vmul.f32 v5, v5  }
0x3bd: {  	[tilespmem:s25+$0x0] =	vst.add.f32.msk $0xffff, v5  }
0x3be: {  	[tilespmem:s26+$0x0] =	vst.add.f32.msk $0xffff, v6  }
0x3bf: {  	v5 =	vld [tilespmem:s13+$0x1B410];
	_ =	sdelay $0x4  }
0x3c0: {  	[tilespmem:s28+$0x0] =	vst.add.f32.msk $0xffff, v5;
	v5 =	vmul.f32 v5, v5;
	_ =	sdelay $0x1  }
0x3c1: {  	[tilespmem:s29+$0x0] =	vst.add.f32.msk $0xffff, v5  }
0x3c2: {  	v5 =	vld [tilespmem:s13+$0x1B420];
	_ =	sdelay $0x4  }
0x3c3: {  	[tilespmem:s30+$0x0] =	vst.add.f32.msk $0xffff, v5;
	v5 =	vmul.f32 v5, v5;
	_ =	sdelay $0x1  }
0x3c4: {  	[tilespmem:s31+$0x0] =	vst.add.f32.msk $0xffff, v5  }
0x3c5: {  	v5 =	vld [tilespmem:s13+$0x1B430];
	_ =	sdelay $0x4  }
0x3c6: {  	[tilespmem:s14+$0x0] =	vst.add.f32.msk $0xffff, v5;
	v5 =	vmul.f32 v5, v5;
	_ =	sdelay $0x1  }
0x3c7: {  	[tilespmem:s7+$0x0] =	vst.add.f32.msk $0xffff, v5  }
0x3c8: {  	v5 =	vld [tilespmem:s13+$0x1B440];
	_ =	sdelay $0x4  }
0x3c9: {  	[tilespmem:s10+$0x0] =	vst.add.f32.msk $0xffff, v5;
	v5 =	vmul.f32 v5, v5;
	_ =	sdelay $0x1  }
0x3ca: {  	[tilespmem:s11+$0x0] =	vst.add.f32.msk $0xffff, v5  }
0x3cb: {  	v5 =	vld [tilespmem:s13+$0x1B450]  }
.Ltmp17:
0x3cc: {  	(pc) =	sbr.rel @p0 .LBB2_32-.Ltmp17, $2  }
0x3cd: {  	_ =	sdelay $0x2  }
0x3ce: {  	[tilespmem:s12+$0x0] =	vst.add.f32.msk $0xffff, v5;
	v5 =	vmul.f32 v5, v5  }
0x3cf: {  	_ = 	snop  }
0x3d0: {  	s1 =	sshra.s32 s9, $0x2;
	[tilespmem:s4+$0x0] =	vst.add.f32.msk $0xffff, v5  }
0x3d1: {  	v5 =	vld [tilespmem:s1+$0x1B3E0];
	_ =	sdelay $0x4  }
0x3d2: {  	v6 =	vmul.f32 v5, v5  }
0x3d3: {  	[tilespmem:s2+$0x0] =	vst.add.f32.msk $0xffff, v5  }
0x3d4: {  	[tilespmem:s0+$0x0] =	vst.add.f32.msk $0xffff, v6  }
0x3d5: {  	v5 =	vld [tilespmem:s1+$0x1B3F0];
	_ =	sdelay $0x4  }
0x3d6: {  	v6 =	vmul.f32 v5, v5  }
0x3d7: {  	[tilespmem:s18+$0x0] =	vst.add.f32.msk $0xffff, v5  }
0x3d8: {  	[tilespmem:s24+$0x0] =	vst.add.f32.msk $0xffff, v6  }
0x3d9: {  	v5 =	vld [tilespmem:s1+$0x1B400];
	_ =	sdelay $0x4  }
0x3da: {  	v6 =	vmul.f32 v5, v5  }
0x3db: {  	[tilespmem:s25+$0x0] =	vst.add.f32.msk $0xffff, v5  }
0x3dc: {  	[tilespmem:s26+$0x0] =	vst.add.f32.msk $0xffff, v6  }
0x3dd: {  	v5 =	vld [tilespmem:s1+$0x1B410];
	_ =	sdelay $0x4  }
0x3de: {  	v6 =	vmul.f32 v5, v5  }
0x3df: {  	[tilespmem:s28+$0x0] =	vst.add.f32.msk $0xffff, v5  }
0x3e0: {  	[tilespmem:s29+$0x0] =	vst.add.f32.msk $0xffff, v6  }
0x3e1: {  	v5 =	vld [tilespmem:s1+$0x1B420];
	_ =	sdelay $0x4  }
0x3e2: {  	v6 =	vmul.f32 v5, v5  }
0x3e3: {  	[tilespmem:s30+$0x0] =	vst.add.f32.msk $0xffff, v5  }
0x3e4: {  	[tilespmem:s31+$0x0] =	vst.add.f32.msk $0xffff, v6  }
0x3e5: {  	v5 =	vld [tilespmem:s1+$0x1B430];
	_ =	sdelay $0x4  }
0x3e6: {  	v6 =	vmul.f32 v5, v5  }
0x3e7: {  	[tilespmem:s14+$0x0] =	vst.add.f32.msk $0xffff, v5  }
0x3e8: {  	[tilespmem:s7+$0x0] =	vst.add.f32.msk $0xffff, v6  }
0x3e9: {  	v5 =	vld [tilespmem:s1+$0x1B440];
	_ =	sdelay $0x4  }
0x3ea: {  	v6 =	vmul.f32 v5, v5  }
0x3eb: {  	[tilespmem:s10+$0x0] =	vst.add.f32.msk $0xffff, v5  }
0x3ec: {  	[tilespmem:s11+$0x0] =	vst.add.f32.msk $0xffff, v6  }
0x3ed: {  	v5 =	vld [tilespmem:s1+$0x1B450];
	_ =	sdelay $0x4  }
0x3ee: {  	v6 =	vmul.f32 v5, v5  }
0x3ef: {  	[tilespmem:s12+$0x0] =	vst.add.f32.msk $0xffff, v5  }
0x3f0: {  	[tilespmem:s4+$0x0] =	vst.add.f32.msk $0xffff, v6  }
0x3f1: {  	_ =	swait.ge [sflag:s8], $0x2800  }
0x3f2: {  	s13 =	simm.s32 $0x0;
	[sflag:s8] =	ssyncset.done $0x0  }
0x3f3: {  	s15 =	simm.s32 $0x6;
	s3 =	rddreg [dreg:$0x7];
	[sflag:s8] =	ssyncadd.s32 $0xFFFFD800  }
0x3f4: {  	[hbm4b:s3+s13] =	stream.linear.scatter [tilespmem:s2], [sflag:$0x6], $0x80, $0x38;
	[tilespmem:$0x1DCE0] =	vst v63  }
0x3f5: {  	_ =	swait.ge [sflag:s15], $0x80  }
0x3f6: {  	[sflag:s15] =	ssyncset.done $0x0  }
0x3f7: {  	s5 =	rddreg [dreg:$0x8];
	[sflag:s15] =	ssyncadd.s32 $0xFFFFFF80  }
0x3f8: {  	[hbm4b:s5+s13] =	stream.linear.scatter [tilespmem:s0], [sflag:$0x6], $0x80, $0x38;
	[tilespmem:$0x1DCE0] =	vst v63  }
0x3f9: {  	_ =	swait.ge [sflag:s15], $0x80  }
0x3fa: {  	s3 =	rddreg [dreg:$0xb]  }
0x3fb: {  	s9 =	rddreg [dreg:$0x9];
	s3 =	sadd.s32 $0x1, s3  }
0x3fc: {  	p0 =	sne.s32 s3, s9  }
.Ltmp18:
0x3fd: {  	_ = 	snop;
	(pc) =	sbr.rel @p0 .LBB2_1-.Ltmp18, $3  }
0x3fe: {  	_ =	sdelay $0x1  }
0x3ff: {  	[sflag:s15] =	ssyncset.done $0x0  }
0x400: {  	[sflag:s15] =	ssyncadd.s32 $0xFFFFFF80  }
0x401: {  	_ =	sfence.sel $0x180000  }
0x402: {  	[bflag:$0x0] =	sbarrier.arrive $0xFFFF  }
0x403: {  	_ =	strace $0x90000047  }
0x404: {  	s0 =	stileid.u32;
	[bflag:$0x2] =	sbarrier.arrive $0xFFFF  }
0x405: {  	p0 =	sne.s32 s0, $0x0;
	s0 =	rddreg [dreg:$0x3]  }
0x406: {  	s0 =	sadd.s32 @!p0 $0x100000, s0  }
0x407: {  	[sflag:s0] =	ssyncadd.tile.s32 @!p0 $0x1;
	_ =	shalt  }
.Lfunc_end2:
_tile_overlayer_lowered:
.L_overlay_start_2:
0x408: {  	(tag) =	ssettag $0x2  }
0x409: {  	s0 =	rddreg [dreg:$0x0];
	s2 =	stileid.u32  }
0x40a: {  	s1 =	rddreg [dreg:$0x1];
	p0 =	sne.s32 s2, $0x0  }
0x40b: {  	s3 =	rddreg [dreg:$0x2];
	[bflag:$0x3] =	sbarrier.arrive $0xFFFF;
	s2 =	simm.s32 @!p0 $0x1C06  }
0x40c: {  	[timem:s3], [sflag:s2] =	dma.local @!p0 [hbm:s0], s1  }
0x40d: {  	s0 =	simm.s32 @!p0 $0x6  }
0x40e: {  	_ =	swait.ge @!p0 [sflag:s0], s1  }
0x40f: {  	s1 =	ssub.s32 @!p0 $0x0, s1;
	[sflag:s0] =	ssyncset.done @!p0 $0x0  }
0x410: {  	[sflag:s0] =	ssyncadd.s32 @!p0 s1  }
0x411: {  	[bflag:$0x3] =	sbarrier.arrive $0xFFFF  }
0x412: {  	_ =	shalt  }

</sc_bundles>
